<compile_context>
chip_gen: v7x
topology: tpu7x:2x2x1
jax: 0.10.2.dev20260603
libtpu: 0.0.44.dev20260713+nightly
codegen_flags: <defaults>
</compile_context>

<pallas_src>
import functools

import jax
import jax.numpy as jnp
from jax import lax
from jax.experimental import pallas as pl
from jax.experimental.pallas import tpu as pltpu
from jax.experimental.pallas import tpu_sc as plsc

KN = 16
NGROUPS = 32
EPS = 1e-5
NBLK_A = 256
NPB_D = 128



def _knn_uv_body(xf_ref, xb_ref, at_ref, bmt_ref, b1_ref,
                 idx_ref, u_ref, v_ref, us_ref):
    b = pl.program_id(0)
    nb = pl.program_id(1)
    xf = xf_ref[0]
    xb = xb_ref[0]
    N = xf.shape[1]
    cdims = (((0,), (0,)), ((), ()))
    inner = lax.dot_general(xb, xf, cdims,
                            preferred_element_type=jnp.float32)
    xx = jnp.sum(xf * xf, axis=0, keepdims=True)
    xxb = jnp.sum(xb * xb, axis=0, keepdims=True)
    dist = jnp.transpose(xxb) + xx - 2.0 * inner
    neg = -jnp.maximum(dist, 0.0)
    iota = lax.broadcasted_iota(jnp.int32, neg.shape, 1)
    cols = []
    for _ in range(KN):
        mx = jnp.max(neg, axis=1, keepdims=True)
        am = jnp.min(jnp.where(neg == mx, iota, N), axis=1, keepdims=True)
        cols.append(am)
        neg = jnp.where(iota == am, -jnp.inf, neg)
    idx_ref[0] = jnp.concatenate(cols, axis=1) + b * N
    u = lax.dot_general(xb, at_ref[...], cdims,
                        preferred_element_type=jnp.float32) + b1_ref[...]
    u_ref[0] = u
    v_ref[0] = lax.dot_general(xb, bmt_ref[...], cdims,
                               preferred_element_type=jnp.float32)
    us = jnp.sum(u, axis=0, keepdims=True)
    us2 = jnp.sum(u * u, axis=0, keepdims=True)
    st = jnp.concatenate([us, us2], axis=0)

    @pl.when(nb == 0)
    def _():
        us_ref[0] = st

    @pl.when(nb != 0)
    def _():
        us_ref[0] = us_ref[0] + st


def _knn_uv(x, At, Bmt, b1r):
    B, C, N = x.shape
    grid = (B, N // NBLK_A)
    return pl.pallas_call(
        _knn_uv_body,
        grid=grid,
        in_specs=[
            pl.BlockSpec((1, C, N), lambda b, nb: (b, 0, 0)),
            pl.BlockSpec((1, C, NBLK_A), lambda b, nb: (b, 0, nb)),
            pl.BlockSpec((C, C), lambda b, nb: (0, 0)),
            pl.BlockSpec((C, C), lambda b, nb: (0, 0)),
            pl.BlockSpec((1, C), lambda b, nb: (0, 0)),
        ],
        out_specs=[
            pl.BlockSpec((1, NBLK_A, KN), lambda b, nb: (b, nb, 0)),
            pl.BlockSpec((1, NBLK_A, C), lambda b, nb: (b, nb, 0)),
            pl.BlockSpec((1, NBLK_A, C), lambda b, nb: (b, nb, 0)),
            pl.BlockSpec((1, 2, C), lambda b, nb: (b, 0, 0)),
        ],
        out_shape=[
            jax.ShapeDtypeStruct((B, N, KN), jnp.int32),
            jax.ShapeDtypeStruct((B, N, C), jnp.float32),
            jax.ShapeDtypeStruct((B, N, C), jnp.float32),
            jax.ShapeDtypeStruct((B, 2, C), jnp.float32),
        ],
    )(x, x, At, Bmt, b1r)



def _sc_gather_stats(v_flat, idx_flat, u_flat):
    R = idx_flat.shape[0]
    C = v_flat.shape[1]
    info = plsc.get_sparse_core_info()
    NW = info.num_cores * info.num_subcores
    per_w = R // NW
    CH = 128
    NCHUNK = per_w // CH
    PPC = CH // KN
    CV = C // 16
    mesh = plsc.VectorSubcoreMesh(core_axis_name="c", subcore_axis_name="s")

    @functools.partial(
        pl.kernel,
        mesh=mesh,
        out_type=[
            jax.ShapeDtypeStruct((R, C), jnp.float32),
            jax.ShapeDtypeStruct((NW, 4, C), jnp.float32),
        ],
        scratch_types=[
            pltpu.VMEM((per_w,), jnp.int32),
            pltpu.VMEM((per_w // KN, C), jnp.float32),
            pltpu.VMEM((CH, C), jnp.float32),
            pltpu.VMEM((CH, C), jnp.float32),
            pltpu.VMEM((4, C), jnp.float32),
            pltpu.SemaphoreType.DMA,
            pltpu.SemaphoreType.DMA,
            pltpu.SemaphoreType.DMA,
            pltpu.SemaphoreType.DMA,
        ],
    )
    def gk(v_hbm, idx_hbm, u_hbm, out_hbm, part_hbm,
           idx_v, u_v, rows0, rows1, acc, g0, g1, w0, w1):
        wid = lax.axis_index("s") * info.num_cores + lax.axis_index("c")
        base = wid * per_w
        pltpu.sync_copy(idx_hbm.at[pl.ds(base, per_w)], idx_v)
        pltpu.sync_copy(u_hbm.at[pl.ds(wid * (per_w // KN), per_w // KN)],
                        u_v)
        zero = jnp.zeros((16,), jnp.float32)

        def zbody(c, carry):
            for r in range(4):
                acc[r, pl.ds(c * 16, 16)] = zero
            return carry

        lax.fori_loop(0, CV, zbody, 0)

        def g_src(chunk):
            return v_hbm.at[idx_v.at[pl.ds(chunk * CH, CH)]]

        def wb_dst(chunk):
            return out_hbm.at[pl.ds(base + chunk * CH, CH)]

        def compute(chunk, rows_ref):
            def pbody(p, carry):
                gp = chunk * PPC + p

                def cbody(c, carry2):
                    co = c * 16
                    r0 = rows_ref[p * KN, pl.ds(co, 16)]
                    s = r0
                    sq = r0 * r0
                    for j in range(1, KN):
                        rj = rows_ref[p * KN + j, pl.ds(co, 16)]
                        s = s + rj
                        sq = sq + rj * rj
                    uv = u_v[gp, pl.ds(co, 16)]
                    acc[0, pl.ds(co, 16)] = acc[0, pl.ds(co, 16)] + s
                    acc[1, pl.ds(co, 16)] = acc[1, pl.ds(co, 16)] + sq
                    acc[2, pl.ds(co, 16)] = acc[2, pl.ds(co, 16)] + uv * s
                    return carry2

                lax.fori_loop(0, CV, cbody, 0)
                return carry

            lax.fori_loop(0, PPC, pbody, 0)

        def step(chunk, rows_ref, gsem, wsem, prefetch):
            pltpu.make_async_copy(g_src(chunk), rows_ref, gsem).wait()
            wb = pltpu.async_copy(rows_ref, wb_dst(chunk), wsem)
            compute(chunk, rows_ref)
            wb.wait()
            if prefetch:
                pltpu.async_copy(g_src(chunk + 2), rows_ref, gsem)

        pltpu.async_copy(g_src(0), rows0, g0)
        pltpu.async_copy(g_src(1), rows1, g1)

        def lbody(i, carry):
            step(2 * i, rows0, g0, w0, True)
            step(2 * i + 1, rows1, g1, w1, True)
            return carry

        lax.fori_loop(0, NCHUNK // 2 - 1, lbody, 0)
        step(NCHUNK - 2, rows0, g0, w0, False)
        step(NCHUNK - 1, rows1, g1, w1, False)
        pltpu.sync_copy(acc, part_hbm.at[wid])

    return gk(v_flat, idx_flat, u_flat)



def _group_mats(C):
    ci = lax.broadcasted_iota(jnp.int32, (C, NGROUPS), 0) // (C // NGROUPS)
    gi = lax.broadcasted_iota(jnp.int32, (C, NGROUPS), 1)
    return (ci == gi).astype(jnp.float32)


def _mlp_body(hg_ref, u_ref, part_ref, us_ref, g1_ref, bt1_ref, w2t_ref,
              b2_ref, maxo_ref, mino_ref, s2o_ref, a1d1_ref):
    nb = pl.program_id(1)
    u = u_ref[0]
    NPB, C = u.shape
    N = pl.num_programs(1) * NPB
    cnt = float(C // NGROUPS) * N * KN

    @pl.when(nb == 0)
    def _():
        G = _group_mats(C)
        sp = jnp.sum(part_ref[0], axis=0)
        su = us_ref[0]
        s1 = 16.0 * su[0:1] + sp[0:1]
        s2 = 16.0 * su[1:2] + sp[1:2] + 2.0 * sp[2:3]
        s = jnp.concatenate([s1, s2], axis=0)
        sg = jnp.dot(s, G, preferred_element_type=jnp.float32)
        mean_g = sg[0:1] / cnt
        var_g = sg[1:2] / cnt - mean_g * mean_g
        rstd_g = lax.rsqrt(var_g + EPS)
        bc = jnp.dot(jnp.concatenate([mean_g, rstd_g], axis=0),
                     jnp.transpose(G), preferred_element_type=jnp.float32)
        a1 = g1_ref[...] * bc[1:2]
        d1 = bt1_ref[...] - bc[0:1] * a1
        a1d1_ref[...] = jnp.concatenate([a1, d1], axis=0)

    a1 = a1d1_ref[0:1]
    d1 = a1d1_ref[1:2]
    h3 = hg_ref[0].reshape(NPB, KN, C) + u[:, None, :]
    h2 = jnp.maximum(h3 * a1 + d1, 0.0)
    h2f = h2.reshape(NPB * KN, C)
    z = jnp.dot(h2f, w2t_ref[...],
                preferred_element_type=jnp.float32) + b2_ref[...]
    zs = jnp.sum(z, axis=0, keepdims=True)
    zs2 = jnp.sum(z * z, axis=0, keepdims=True)
    st = jnp.concatenate([zs, zs2], axis=0)

    @pl.when(nb == 0)
    def _():
        s2o_ref[0] = st

    @pl.when(nb != 0)
    def _():
        s2o_ref[0] = s2o_ref[0] + st

    z3 = z.reshape(NPB, KN, C)
    maxo_ref[0] = jnp.transpose(jnp.max(z3, axis=1))
    mino_ref[0] = jnp.transpose(jnp.min(z3, axis=1))


def _mlp(hg4, u, parts, usums, g1r, bt1r, W2t, b2r):
    B, NK, C = hg4.shape
    N = u.shape[1]
    WPB = parts.shape[1]
    grid = (B, N // NPB_D)
    return pl.pallas_call(
        _mlp_body,
        grid=grid,
        in_specs=[
            pl.BlockSpec((1, NPB_D * KN, C), lambda b, nb: (b, nb, 0)),
            pl.BlockSpec((1, NPB_D, C), lambda b, nb: (b, nb, 0)),
            pl.BlockSpec((1, WPB, 4, C), lambda b, nb: (b, 0, 0, 0)),
            pl.BlockSpec((1, 2, C), lambda b, nb: (b, 0, 0)),
            pl.BlockSpec((1, C), lambda b, nb: (0, 0)),
            pl.BlockSpec((1, C), lambda b, nb: (0, 0)),
            pl.BlockSpec((C, C), lambda b, nb: (0, 0)),
            pl.BlockSpec((1, C), lambda b, nb: (0, 0)),
        ],
        out_specs=[
            pl.BlockSpec((1, C, NPB_D), lambda b, nb: (b, 0, nb)),
            pl.BlockSpec((1, C, NPB_D), lambda b, nb: (b, 0, nb)),
            pl.BlockSpec((1, 2, C), lambda b, nb: (b, 0, 0)),
        ],
        out_shape=[
            jax.ShapeDtypeStruct((B, C, N), jnp.float32),
            jax.ShapeDtypeStruct((B, C, N), jnp.float32),
            jax.ShapeDtypeStruct((B, 2, C), jnp.float32),
        ],
        scratch_shapes=[pltpu.VMEM((2, C), jnp.float32)],
    )(hg4, u, parts, usums, g1r, bt1r, W2t, b2r)



def _final_body(mx_ref, mn_ref, s2_ref, g2_ref, bt2_ref, x_ref, y_ref):
    C, N = x_ref.shape[1], x_ref.shape[2]
    cnt = float(C // NGROUPS) * N * KN
    G = _group_mats(C)
    s = s2_ref[0]
    sg = jnp.dot(s, G, preferred_element_type=jnp.float32)
    mean_g = sg[0:1] / cnt
    var_g = sg[1:2] / cnt - mean_g * mean_g
    rstd_g = lax.rsqrt(var_g + EPS)
    bc = jnp.dot(jnp.concatenate([mean_g, rstd_g], axis=0),
                 jnp.transpose(G), preferred_element_type=jnp.float32)
    a2 = g2_ref[...] * bc[1:2]
    d2 = bt2_ref[...] - bc[0:1] * a2
    ad = jnp.transpose(jnp.concatenate([a2, d2], axis=0))
    a2c = ad[:, 0:1]
    d2c = ad[:, 1:2]
    zm = mx_ref[0]
    zn = mn_ref[0]
    y = jnp.where(a2c > 0.0,
                  jnp.maximum(a2c * zm + d2c, 0.0),
                  jnp.maximum(a2c * zn + d2c, 0.0))
    y_ref[0] = y + x_ref[0]


def _final(mx, mn, s2, g2r, bt2r, x):
    B, C, N = x.shape
    return pl.pallas_call(
        _final_body,
        grid=(B,),
        in_specs=[
            pl.BlockSpec((1, C, N), lambda b: (b, 0, 0)),
            pl.BlockSpec((1, C, N), lambda b: (b, 0, 0)),
            pl.BlockSpec((1, 2, C), lambda b: (b, 0, 0)),
            pl.BlockSpec((1, C), lambda b: (0, 0)),
            pl.BlockSpec((1, C), lambda b: (0, 0)),
            pl.BlockSpec((1, C, N), lambda b: (b, 0, 0)),
        ],
        out_specs=pl.BlockSpec((1, C, N), lambda b: (b, 0, 0)),
        out_shape=jax.ShapeDtypeStruct((B, C, N), jnp.float32),
    )(mx, mn, s2, g2r, bt2r, x)



def kernel(x, W1, b1, g1, bt1, W2, b2, g2, bt2):
    B, C, N = x.shape
    At = jnp.transpose(W1[:, :C] - W1[:, C:])
    Bmt = jnp.transpose(W1[:, C:])
    idx, u, v, usums = _knn_uv(x, At, Bmt, b1.reshape(1, C))
    hg, parts = _sc_gather_stats(v.reshape(B * N, C),
                                 idx.reshape(B * N * KN),
                                 u.reshape(B * N, C))
    NW = parts.shape[0]
    hg4 = hg.reshape(B, N * KN, C)
    parts4 = parts.reshape(B, NW // B, 4, C)
    mx, mn, s2 = _mlp(hg4, u, parts4, usums, g1.reshape(1, C),
                      bt1.reshape(1, C), jnp.transpose(W2), b2.reshape(1, C))
    return _final(mx, mn, s2, g2.reshape(1, C), bt2.reshape(1, C), x)

# --- scband reference (transcript-rebuilt; emitter-appended) ---
"""Pipeline reference for scband-edge-conv-block-17824114278742 (READ-ONLY COPY).

The authoritative reference and input builder live on the scoring server;
editing this copy changes nothing except your own understanding.
"""

import jax, jax.numpy as jnp
import numpy as np

K_NBR = 16
GROUPS = 32

def group_norm(x, gamma, beta, groups=GROUPS, eps=1e-5):
    B, C, N, K = x.shape
    g = min(groups, C)
    g = g if C % g == 0 else 1
    xr = x.reshape(B, g, C // g, N, K)
    mean = xr.mean(axis=(2, 3, 4), keepdims=True)
    var = xr.var(axis=(2, 3, 4), keepdims=True)
    xr = (xr - mean) / jnp.sqrt(var + eps)
    xn = xr.reshape(B, C, N, K)
    return xn * gamma[None, :, None, None] + beta[None, :, None, None]

def setup_inputs(seed: int = 0) -> dict:
    key = jax.random.key(seed)
    ks = jax.random.split(key, 8)
    B, C, N = 4, 256, 1024
    x = jax.random.normal(ks[0], (B, C, N), dtype=jnp.float32)
    W1 = jax.random.normal(ks[1], (C, 2 * C), dtype=jnp.float32) * 0.05
    b1 = jnp.zeros((C,), dtype=jnp.float32)
    g1 = jnp.ones((C,), dtype=jnp.float32)
    bt1 = jnp.zeros((C,), dtype=jnp.float32)
    W2 = jax.random.normal(ks[2], (C, C), dtype=jnp.float32) * 0.05
    b2 = jnp.zeros((C,), dtype=jnp.float32)
    g2 = jnp.ones((C,), dtype=jnp.float32)
    bt2 = jnp.zeros((C,), dtype=jnp.float32)
    return {"x": x, "W1": W1, "b1": b1, "g1": g1, "bt1": bt1, "W2": W2, "b2": b2, "g2": g2, "bt2": bt2}

def reference(x, W1, b1, g1, bt1, W2, b2, g2, bt2):
    B, C, N = x.shape
    k = min(K_NBR, N)
    # knn in feature space (L2)
    xx = (x ** 2).sum(axis=1)  # (B,N)
    inner = jnp.einsum('bcn,bcm->bnm', x, x)
    dist = xx[:, :, None] + xx[:, None, :] - 2.0 * inner
    dist = jnp.maximum(dist, 0.0)
    _, idx = jax.lax.top_k(-dist, k)  # smallest distances -> (B,N,k)
    # gather neighbors: feat (B,C,N), idx (B,N,k) -> (B,C,N,k)
    feat_t = x.transpose(0, 2, 1)  # (B,N,C)
    nbr = jax.vmap(lambda f, i: f[i])(feat_t, idx)  # (B,N,k,C)
    xj = nbr.transpose(0, 3, 1, 2)  # (B,C,N,k)
    xi = jnp.broadcast_to(x[..., None], xj.shape)
    edge = jnp.concatenate([xi, xj - xi], axis=1)  # (B,2C,N,k)
    h = jnp.einsum('oc,bcnk->bonk', W1, edge) + b1[None, :, None, None]
    h = jax.nn.relu(group_norm(h, g1, bt1))
    h = jnp.einsum('oc,bcnk->bonk', W2, h) + b2[None, :, None, None]
    h = jax.nn.relu(group_norm(h, g2, bt2))
    y = h.max(axis=-1)  # (B,C,N)
    y = y + x  # residual (in_ch == out_ch)
    return y

if __name__ == "__main__":
    import jax
    _d = setup_inputs()
    print(jax.jit(kernel)(*tuple(_d.values())))

</pallas_src>

<mosaic_0001>
#map = affine_map<(d0, d1) -> (0, 0)>
#map1 = affine_map<(d0, d1) -> (0)>
#map2 = affine_map<(d0, d1) -> (0, 0, 0)>
module attributes {stable_mosaic.version = 14 : i64} {
  func.func @gk(%arg0: i32, %arg1: i32, %arg2: memref<4096x256xf32, #tpu.memory_space<hbm>>, %arg3: memref<65536xi32, #tpu.memory_space<hbm>>, %arg4: memref<4096x256xf32, #tpu.memory_space<hbm>>, %arg5: memref<65536x256xf32, #tpu.memory_space<hbm>>, %arg6: memref<32x4x256xf32, #tpu.memory_space<hbm>>, %arg7: memref<2048xi32, #tpu.memory_space<vmem>>, %arg8: memref<128x256xf32, #tpu.memory_space<vmem>>, %arg9: memref<128x256xf32, #tpu.memory_space<vmem>>, %arg10: memref<128x256xf32, #tpu.memory_space<vmem>>, %arg11: memref<4x256xf32, #tpu.memory_space<vmem>>, %arg12: memref<!tpu.dma_semaphore, #tpu.memory_space<semaphore_mem>>, %arg13: memref<!tpu.dma_semaphore, #tpu.memory_space<semaphore_mem>>, %arg14: memref<!tpu.dma_semaphore, #tpu.memory_space<semaphore_mem>>, %arg15: memref<!tpu.dma_semaphore, #tpu.memory_space<semaphore_mem>>) attributes {dimension_semantics = [#tpu.dimension_semantics<core_parallel>, #tpu.dimension_semantics<subcore_parallel>], iteration_bounds = array<i64: 2, 16>, scalar_prefetch = 0 : i64, scratch_operands = 9 : i64, tpu.core_type = #tpu.core_type<sc_vector_subcore>, window_params = [{transform_indices = #map}, {transform_indices = #map1}, {transform_indices = #map}, {transform_indices = #map}, {transform_indices = #map2}]} {
    %mul3A = arith.constant 2 : i32
    %mul3A_0 = arith.muli %arg1, %mul3A : i32
    %add3A = arith.addi %mul3A_0, %arg0 : i32
    %mul3A_1 = arith.constant 2048 : i32
    %mul3A_2 = arith.muli %add3A, %mul3A_1 : i32
    "tpu.region"() ({
      %run_scoped3A = tpu.sem_alloc : memref<!tpu.dma_semaphore, #tpu.memory_space<semaphore_mem>>
      %dma_start3A_67 = tpu.memref_slice %arg3[%mul3A_2] : memref<65536xi32, #tpu.memory_space<hbm>> -> memref<2048xi32, #tpu.memory_space<hbm>>
      %dma_start3A_68 = tpu.memref_slice %arg3[%mul3A_2] : memref<65536xi32, #tpu.memory_space<hbm>> -> memref<2048xi32, #tpu.memory_space<hbm>>
      tpu.enqueue_dma source(%dma_start3A_68 : memref<2048xi32, #tpu.memory_space<hbm>>) target(%arg7 : memref<2048xi32, #tpu.memory_space<vmem>>) target_semaphore(%run_scoped3A : memref<!tpu.dma_semaphore, #tpu.memory_space<semaphore_mem>>)
      %dma_wait3A_69 = tpu.memref_slice %arg3[%mul3A_2] : memref<65536xi32, #tpu.memory_space<hbm>> -> memref<2048xi32, #tpu.memory_space<hbm>>
      %dma_wait3A_70 = tpu.memref_slice %arg3[%mul3A_2] : memref<65536xi32, #tpu.memory_space<hbm>> -> memref<2048xi32, #tpu.memory_space<hbm>>
      tpu.wait_dma2 semaphore(%run_scoped3A : memref<!tpu.dma_semaphore, #tpu.memory_space<semaphore_mem>>) src(%dma_wait3A_70 : memref<2048xi32, #tpu.memory_space<hbm>>) dst(%arg7 : memref<2048xi32, #tpu.memory_space<vmem>>)
      tpu.yield
    }) : () -> ()
    %mul3A_3 = arith.constant 128 : i32
    %mul3A_4 = arith.muli %add3A, %mul3A_3 : i32
    "tpu.region"() ({
      %run_scoped3A = tpu.sem_alloc : memref<!tpu.dma_semaphore, #tpu.memory_space<semaphore_mem>>
      %dma_start3A_67 = arith.constant 0 : i32
      %dma_start3A_68 = tpu.memref_slice %arg4[%mul3A_4, %dma_start3A_67] : memref<4096x256xf32, #tpu.memory_space<hbm>> -> memref<128x256xf32, #tpu.memory_space<hbm>>
      %dma_start3A_69 = arith.constant 0 : i32
      %dma_start3A_70 = tpu.memref_slice %arg4[%mul3A_4, %dma_start3A_69] : memref<4096x256xf32, #tpu.memory_space<hbm>> -> memref<128x256xf32, #tpu.memory_space<hbm>>
      tpu.enqueue_dma source(%dma_start3A_70 : memref<128x256xf32, #tpu.memory_space<hbm>>) target(%arg8 : memref<128x256xf32, #tpu.memory_space<vmem>>) target_semaphore(%run_scoped3A : memref<!tpu.dma_semaphore, #tpu.memory_space<semaphore_mem>>)
      %dma_wait3A_71 = arith.constant 0 : i32
      %dma_wait3A_72 = tpu.memref_slice %arg4[%mul3A_4, %dma_wait3A_71] : memref<4096x256xf32, #tpu.memory_space<hbm>> -> memref<128x256xf32, #tpu.memory_space<hbm>>
      %dma_wait3A_73 = arith.constant 0 : i32
      %dma_wait3A_74 = tpu.memref_slice %arg4[%mul3A_4, %dma_wait3A_73] : memref<4096x256xf32, #tpu.memory_space<hbm>> -> memref<128x256xf32, #tpu.memory_space<hbm>>
      tpu.wait_dma2 semaphore(%run_scoped3A : memref<!tpu.dma_semaphore, #tpu.memory_space<semaphore_mem>>) src(%dma_wait3A_74 : memref<128x256xf32, #tpu.memory_space<hbm>>) dst(%arg8 : memref<128x256xf32, #tpu.memory_space<vmem>>)
      tpu.yield
    }) : () -> ()
    %broadcast_in_dim3A = arith.constant 0.000000e+00 : f32
    %broadcast_in_dim3A_5 = vector.broadcast %broadcast_in_dim3A : f32 to vector<16xf32>
    %scan3A = arith.constant 0 : i32
    %scan3A_6 = arith.constant 0 : i32
    %scan3A_7 = arith.constant 16 : i32
    %scan3A_8 = arith.addi %scan3A_6, %scan3A_7 : i32
    %scan3A_9 = arith.constant 1 : i32
    scf.for %scan3A_67 = %scan3A_6 to %scan3A_8 step %scan3A_9  : i32 {
      %mul3A_68 = arith.constant 16 : i32
      %mul3A_69 = arith.muli %scan3A_67, %mul3A_68 : i32
      %swap3A = arith.constant 0 : i32
      %swap3A_70 = arith.index_cast %swap3A : i32 to index
      %swap3A_71 = arith.index_cast %mul3A_69 : i32 to index
      %swap3A_72 = tpu.vector_load %arg11[%swap3A_70, %swap3A_71] {strides = array<i32>} : memref<4x256xf32, #tpu.memory_space<vmem>>, vector<1x16xf32>,
      %swap3A_73 = vector.shape_cast %swap3A_72 : vector<1x16xf32> to vector<16xf32>
      %swap3A_74 = vector.shape_cast %broadcast_in_dim3A_5 : vector<16xf32> to vector<1x16xf32>
      tpu.vector_store %arg11[%swap3A_70, %swap3A_71], %swap3A_74 {strides = array<i32>} : memref<4x256xf32, #tpu.memory_space<vmem>>, vector<1x16xf32>,
      %mul3A_75 = arith.constant 16 : i32
      %mul3A_76 = arith.muli %scan3A_67, %mul3A_75 : i32
      %swap3A_77 = arith.constant 1 : i32
      %swap3A_78 = arith.index_cast %swap3A_77 : i32 to index
      %swap3A_79 = arith.index_cast %mul3A_76 : i32 to index
      %swap3A_80 = tpu.vector_load %arg11[%swap3A_78, %swap3A_79] {strides = array<i32>} : memref<4x256xf32, #tpu.memory_space<vmem>>, vector<1x16xf32>,
      %swap3A_81 = vector.shape_cast %swap3A_80 : vector<1x16xf32> to vector<16xf32>
      %swap3A_82 = vector.shape_cast %broadcast_in_dim3A_5 : vector<16xf32> to vector<1x16xf32>
      tpu.vector_store %arg11[%swap3A_78, %swap3A_79], %swap3A_82 {strides = array<i32>} : memref<4x256xf32, #tpu.memory_space<vmem>>, vector<1x16xf32>,
      %mul3A_83 = arith.constant 16 : i32
      %mul3A_84 = arith.muli %scan3A_67, %mul3A_83 : i32
      %swap3A_85 = arith.constant 2 : i32
      %swap3A_86 = arith.index_cast %swap3A_85 : i32 to index
      %swap3A_87 = arith.index_cast %mul3A_84 : i32 to index
      %swap3A_88 = tpu.vector_load %arg11[%swap3A_86, %swap3A_87] {strides = array<i32>} : memref<4x256xf32, #tpu.memory_space<vmem>>, vector<1x16xf32>,
      %swap3A_89 = vector.shape_cast %swap3A_88 : vector<1x16xf32> to vector<16xf32>
      %swap3A_90 = vector.shape_cast %broadcast_in_dim3A_5 : vector<16xf32> to vector<1x16xf32>
      tpu.vector_store %arg11[%swap3A_86, %swap3A_87], %swap3A_90 {strides = array<i32>} : memref<4x256xf32, #tpu.memory_space<vmem>>, vector<1x16xf32>,
      %mul3A_91 = arith.constant 16 : i32
      %mul3A_92 = arith.muli %scan3A_67, %mul3A_91 : i32
      %swap3A_93 = arith.constant 3 : i32
      %swap3A_94 = arith.index_cast %swap3A_93 : i32 to index
      %swap3A_95 = arith.index_cast %mul3A_92 : i32 to index
      %swap3A_96 = tpu.vector_load %arg11[%swap3A_94, %swap3A_95] {strides = array<i32>} : memref<4x256xf32, #tpu.memory_space<vmem>>, vector<1x16xf32>,
      %swap3A_97 = vector.shape_cast %swap3A_96 : vector<1x16xf32> to vector<16xf32>
      %swap3A_98 = vector.shape_cast %broadcast_in_dim3A_5 : vector<16xf32> to vector<1x16xf32>
      tpu.vector_store %arg11[%swap3A_94, %swap3A_95], %swap3A_98 {strides = array<i32>} : memref<4x256xf32, #tpu.memory_space<vmem>>, vector<1x16xf32>,
    }
    %scan3A_10 = arith.constant 16 : i32
    %dma_start3A = arith.constant 0 : i32
    %dma_start3A_11 = tpu.memref_slice %arg7[%dma_start3A] : memref<2048xi32, #tpu.memory_space<vmem>> -> memref<128xi32, #tpu.memory_space<vmem>>
    %dma_start3A_12 = arith.constant 0 : i32
    %dma_start3A_13 = arith.constant 0 : i32
    %dma_start3A_14 = tpu.memref_slice %arg2[%dma_start3A_12, %dma_start3A_13] : memref<4096x256xf32, #tpu.memory_space<hbm>> -> memref<4096x256xf32, #tpu.memory_space<hbm>>
    tpu.enqueue_indirect_dma source(%dma_start3A_14 : memref<4096x256xf32, #tpu.memory_space<hbm>>) target(%arg9 : memref<128x256xf32, #tpu.memory_space<vmem>>) offsets(%dma_start3A_11 : memref<128xi32, #tpu.memory_space<vmem>>) semaphore(%arg12 : memref<!tpu.dma_semaphore, #tpu.memory_space<semaphore_mem>>)
    %dma_start3A_15 = arith.constant 128 : i32
    %dma_start3A_16 = tpu.memref_slice %arg7[%dma_start3A_15] : memref<2048xi32, #tpu.memory_space<vmem>> -> memref<128xi32, #tpu.memory_space<vmem>>
    %dma_start3A_17 = arith.constant 0 : i32
    %dma_start3A_18 = arith.constant 0 : i32
    %dma_start3A_19 = tpu.memref_slice %arg2[%dma_start3A_17, %dma_start3A_18] : memref<4096x256xf32, #tpu.memory_space<hbm>> -> memref<4096x256xf32, #tpu.memory_space<hbm>>
    tpu.enqueue_indirect_dma source(%dma_start3A_19 : memref<4096x256xf32, #tpu.memory_space<hbm>>) target(%arg10 : memref<128x256xf32, #tpu.memory_space<vmem>>) offsets(%dma_start3A_16 : memref<128xi32, #tpu.memory_space<vmem>>) semaphore(%arg13 : memref<!tpu.dma_semaphore, #tpu.memory_space<semaphore_mem>>)
    %scan3A_20 = arith.constant 0 : i32
    %scan3A_21 = arith.constant 0 : i32
    %scan3A_22 = arith.constant 7 : i32
    %scan3A_23 = arith.addi %scan3A_21, %scan3A_22 : i32
    %scan3A_24 = arith.constant 1 : i32
    scf.for %scan3A_67 = %scan3A_21 to %scan3A_23 step %scan3A_24  : i32 {
      %mul3A_68 = arith.constant 2 : i32
      %mul3A_69 = arith.muli %mul3A_68, %scan3A_67 : i32
      %mul3A_70 = arith.constant 128 : i32
      %mul3A_71 = arith.muli %mul3A_69, %mul3A_70 : i32
      %dma_wait3A_72 = tpu.memref_slice %arg7[%mul3A_71] : memref<2048xi32, #tpu.memory_space<vmem>> -> memref<128xi32, #tpu.memory_space<vmem>>
      %dma_wait3A_73 = arith.constant 0 : i32
      %dma_wait3A_74 = arith.constant 0 : i32
      %dma_wait3A_75 = tpu.memref_slice %arg2[%dma_wait3A_73, %dma_wait3A_74] : memref<4096x256xf32, #tpu.memory_space<hbm>> -> memref<4096x256xf32, #tpu.memory_space<hbm>>
      tpu.wait_indirect_dma semaphore(%arg12 : memref<!tpu.dma_semaphore, #tpu.memory_space<semaphore_mem>>) src(%dma_wait3A_75 : memref<4096x256xf32, #tpu.memory_space<hbm>>) dst(%arg9 : memref<128x256xf32, #tpu.memory_space<vmem>>)
      %mul3A_76 = arith.constant 128 : i32
      %mul3A_77 = arith.muli %mul3A_69, %mul3A_76 : i32
      %add3A_78 = arith.addi %mul3A_2, %mul3A_77 : i32
      %dma_start3A_79 = arith.constant 0 : i32
      %dma_start3A_80 = tpu.memref_slice %arg5[%add3A_78, %dma_start3A_79] : memref<65536x256xf32, #tpu.memory_space<hbm>> -> memref<128x256xf32, #tpu.memory_space<hbm>>
      %dma_start3A_81 = arith.constant 0 : i32
      %dma_start3A_82 = tpu.memref_slice %arg5[%add3A_78, %dma_start3A_81] : memref<65536x256xf32, #tpu.memory_space<hbm>> -> memref<128x256xf32, #tpu.memory_space<hbm>>
      tpu.enqueue_dma source(%arg9 : memref<128x256xf32, #tpu.memory_space<vmem>>) target(%dma_start3A_82 : memref<128x256xf32, #tpu.memory_space<hbm>>) target_semaphore(%arg14 : memref<!tpu.dma_semaphore, #tpu.memory_space<semaphore_mem>>)
      %scan3A_83 = arith.constant 0 : i32
      %scan3A_84 = arith.constant 0 : i32
      %scan3A_85 = arith.constant 8 : i32
      %scan3A_86 = arith.addi %scan3A_84, %scan3A_85 : i32
      %scan3A_87 = arith.constant 1 : i32
      scf.for %scan3A_136 = %scan3A_84 to %scan3A_86 step %scan3A_87  : i32 {
        %mul3A_137 = arith.constant 8 : i32
        %mul3A_138 = arith.muli %mul3A_69, %mul3A_137 : i32
        %add3A_139 = arith.addi %mul3A_138, %scan3A_136 : i32
        %scan3A_140 = arith.constant 0 : i32
        %scan3A_141 = arith.constant 0 : i32
        %scan3A_142 = arith.constant 16 : i32
        %scan3A_143 = arith.addi %scan3A_141, %scan3A_142 : i32
        %scan3A_144 = arith.constant 1 : i32
        scf.for %scan3A_146 = %scan3A_141 to %scan3A_143 step %scan3A_144  : i32 {
          %mul3A_147 = arith.constant 16 : i32
          %mul3A_148 = arith.muli %scan3A_146, %mul3A_147 : i32
          %mul3A_149 = arith.constant 16 : i32
          %mul3A_150 = arith.muli %scan3A_136, %mul3A_149 : i32
          %get3A = arith.index_cast %mul3A_150 : i32 to index
          %get3A_151 = arith.index_cast %mul3A_148 : i32 to index
          %get3A_152 = tpu.vector_load %arg9[%get3A, %get3A_151] {strides = array<i32>} : memref<128x256xf32, #tpu.memory_space<vmem>>, vector<1x16xf32>,
          %get3A_153 = vector.shape_cast %get3A_152 : vector<1x16xf32> to vector<16xf32>
          %mul3A_154 = arith.mulf %get3A_153, %get3A_153 : vector<16xf32>
          %mul3A_155 = arith.constant 16 : i32
          %mul3A_156 = arith.muli %scan3A_136, %mul3A_155 : i32
          %add3A_157 = arith.constant 1 : i32
          %add3A_158 = arith.addi %mul3A_156, %add3A_157 : i32
          %get3A_159 = arith.index_cast %add3A_158 : i32 to index
          %get3A_160 = arith.index_cast %mul3A_148 : i32 to index
          %get3A_161 = tpu.vector_load %arg9[%get3A_159, %get3A_160] {strides = array<i32>} : memref<128x256xf32, #tpu.memory_space<vmem>>, vector<1x16xf32>,
          %get3A_162 = vector.shape_cast %get3A_161 : vector<1x16xf32> to vector<16xf32>
          %add3A_163 = arith.addf %get3A_153, %get3A_162 : vector<16xf32>
          %mul3A_164 = arith.mulf %get3A_162, %get3A_162 : vector<16xf32>
          %add3A_165 = arith.addf %mul3A_154, %mul3A_164 : vector<16xf32>
          %mul3A_166 = arith.constant 16 : i32
          %mul3A_167 = arith.muli %scan3A_136, %mul3A_166 : i32
          %add3A_168 = arith.constant 2 : i32
          %add3A_169 = arith.addi %mul3A_167, %add3A_168 : i32
          %get3A_170 = arith.index_cast %add3A_169 : i32 to index
          %get3A_171 = arith.index_cast %mul3A_148 : i32 to index
          %get3A_172 = tpu.vector_load %arg9[%get3A_170, %get3A_171] {strides = array<i32>} : memref<128x256xf32, #tpu.memory_space<vmem>>, vector<1x16xf32>,
          %get3A_173 = vector.shape_cast %get3A_172 : vector<1x16xf32> to vector<16xf32>
          %add3A_174 = arith.addf %add3A_163, %get3A_173 : vector<16xf32>
          %mul3A_175 = arith.mulf %get3A_173, %get3A_173 : vector<16xf32>
          %add3A_176 = arith.addf %add3A_165, %mul3A_175 : vector<16xf32>
          %mul3A_177 = arith.constant 16 : i32
          %mul3A_178 = arith.muli %scan3A_136, %mul3A_177 : i32
          %add3A_179 = arith.constant 3 : i32
          %add3A_180 = arith.addi %mul3A_178, %add3A_179 : i32
          %get3A_181 = arith.index_cast %add3A_180 : i32 to index
          %get3A_182 = arith.index_cast %mul3A_148 : i32 to index
          %get3A_183 = tpu.vector_load %arg9[%get3A_181, %get3A_182] {strides = array<i32>} : memref<128x256xf32, #tpu.memory_space<vmem>>, vector<1x16xf32>,
          %get3A_184 = vector.shape_cast %get3A_183 : vector<1x16xf32> to vector<16xf32>
          %add3A_185 = arith.addf %add3A_174, %get3A_184 : vector<16xf32>
          %mul3A_186 = arith.mulf %get3A_184, %get3A_184 : vector<16xf32>
          %add3A_187 = arith.addf %add3A_176, %mul3A_186 : vector<16xf32>
          %mul3A_188 = arith.constant 16 : i32
          %mul3A_189 = arith.muli %scan3A_136, %mul3A_188 : i32
          %add3A_190 = arith.constant 4 : i32
          %add3A_191 = arith.addi %mul3A_189, %add3A_190 : i32
          %get3A_192 = arith.index_cast %add3A_191 : i32 to index
          %get3A_193 = arith.index_cast %mul3A_148 : i32 to index
          %get3A_194 = tpu.vector_load %arg9[%get3A_192, %get3A_193] {strides = array<i32>} : memref<128x256xf32, #tpu.memory_space<vmem>>, vector<1x16xf32>,
          %get3A_195 = vector.shape_cast %get3A_194 : vector<1x16xf32> to vector<16xf32>
          %add3A_196 = arith.addf %add3A_185, %get3A_195 : vector<16xf32>
          %mul3A_197 = arith.mulf %get3A_195, %get3A_195 : vector<16xf32>
          %add3A_198 = arith.addf %add3A_187, %mul3A_197 : vector<16xf32>
          %mul3A_199 = arith.constant 16 : i32
          %mul3A_200 = arith.muli %scan3A_136, %mul3A_199 : i32
          %add3A_201 = arith.constant 5 : i32
          %add3A_202 = arith.addi %mul3A_200, %add3A_201 : i32
          %get3A_203 = arith.index_cast %add3A_202 : i32 to index
          %get3A_204 = arith.index_cast %mul3A_148 : i32 to index
          %get3A_205 = tpu.vector_load %arg9[%get3A_203, %get3A_204] {strides = array<i32>} : memref<128x256xf32, #tpu.memory_space<vmem>>, vector<1x16xf32>,
          %get3A_206 = vector.shape_cast %get3A_205 : vector<1x16xf32> to vector<16xf32>
          %add3A_207 = arith.addf %add3A_196, %get3A_206 : vector<16xf32>
          %mul3A_208 = arith.mulf %get3A_206, %get3A_206 : vector<16xf32>
          %add3A_209 = arith.addf %add3A_198, %mul3A_208 : vector<16xf32>
          %mul3A_210 = arith.constant 16 : i32
          %mul3A_211 = arith.muli %scan3A_136, %mul3A_210 : i32
          %add3A_212 = arith.constant 6 : i32
          %add3A_213 = arith.addi %mul3A_211, %add3A_212 : i32
          %get3A_214 = arith.index_cast %add3A_213 : i32 to index
          %get3A_215 = arith.index_cast %mul3A_148 : i32 to index
          %get3A_216 = tpu.vector_load %arg9[%get3A_214, %get3A_215] {strides = array<i32>} : memref<128x256xf32, #tpu.memory_space<vmem>>, vector<1x16xf32>,
          %get3A_217 = vector.shape_cast %get3A_216 : vector<1x16xf32> to vector<16xf32>
          %add3A_218 = arith.addf %add3A_207, %get3A_217 : vector<16xf32>
          %mul3A_219 = arith.mulf %get3A_217, %get3A_217 : vector<16xf32>
          %add3A_220 = arith.addf %add3A_209, %mul3A_219 : vector<16xf32>
          %mul3A_221 = arith.constant 16 : i32
          %mul3A_222 = arith.muli %scan3A_136, %mul3A_221 : i32
          %add3A_223 = arith.constant 7 : i32
          %add3A_224 = arith.addi %mul3A_222, %add3A_223 : i32
          %get3A_225 = arith.index_cast %add3A_224 : i32 to index
          %get3A_226 = arith.index_cast %mul3A_148 : i32 to index
          %get3A_227 = tpu.vector_load %arg9[%get3A_225, %get3A_226] {strides = array<i32>} : memref<128x256xf32, #tpu.memory_space<vmem>>, vector<1x16xf32>,
          %get3A_228 = vector.shape_cast %get3A_227 : vector<1x16xf32> to vector<16xf32>
          %add3A_229 = arith.addf %add3A_218, %get3A_228 : vector<16xf32>
          %mul3A_230 = arith.mulf %get3A_228, %get3A_228 : vector<16xf32>
          %add3A_231 = arith.addf %add3A_220, %mul3A_230 : vector<16xf32>
          %mul3A_232 = arith.constant 16 : i32
          %mul3A_233 = arith.muli %scan3A_136, %mul3A_232 : i32
          %add3A_234 = arith.constant 8 : i32
          %add3A_235 = arith.addi %mul3A_233, %add3A_234 : i32
          %get3A_236 = arith.index_cast %add3A_235 : i32 to index
          %get3A_237 = arith.index_cast %mul3A_148 : i32 to index
          %get3A_238 = tpu.vector_load %arg9[%get3A_236, %get3A_237] {strides = array<i32>} : memref<128x256xf32, #tpu.memory_space<vmem>>, vector<1x16xf32>,
          %get3A_239 = vector.shape_cast %get3A_238 : vector<1x16xf32> to vector<16xf32>
          %add3A_240 = arith.addf %add3A_229, %get3A_239 : vector<16xf32>
          %mul3A_241 = arith.mulf %get3A_239, %get3A_239 : vector<16xf32>
          %add3A_242 = arith.addf %add3A_231, %mul3A_241 : vector<16xf32>
          %mul3A_243 = arith.constant 16 : i32
          %mul3A_244 = arith.muli %scan3A_136, %mul3A_243 : i32
          %add3A_245 = arith.constant 9 : i32
          %add3A_246 = arith.addi %mul3A_244, %add3A_245 : i32
          %get3A_247 = arith.index_cast %add3A_246 : i32 to index
          %get3A_248 = arith.index_cast %mul3A_148 : i32 to index
          %get3A_249 = tpu.vector_load %arg9[%get3A_247, %get3A_248] {strides = array<i32>} : memref<128x256xf32, #tpu.memory_space<vmem>>, vector<1x16xf32>,
          %get3A_250 = vector.shape_cast %get3A_249 : vector<1x16xf32> to vector<16xf32>
          %add3A_251 = arith.addf %add3A_240, %get3A_250 : vector<16xf32>
          %mul3A_252 = arith.mulf %get3A_250, %get3A_250 : vector<16xf32>
          %add3A_253 = arith.addf %add3A_242, %mul3A_252 : vector<16xf32>
          %mul3A_254 = arith.constant 16 : i32
          %mul3A_255 = arith.muli %scan3A_136, %mul3A_254 : i32
          %add3A_256 = arith.constant 10 : i32
          %add3A_257 = arith.addi %mul3A_255, %add3A_256 : i32
          %get3A_258 = arith.index_cast %add3A_257 : i32 to index
          %get3A_259 = arith.index_cast %mul3A_148 : i32 to index
          %get3A_260 = tpu.vector_load %arg9[%get3A_258, %get3A_259] {strides = array<i32>} : memref<128x256xf32, #tpu.memory_space<vmem>>, vector<1x16xf32>,
          %get3A_261 = vector.shape_cast %get3A_260 : vector<1x16xf32> to vector<16xf32>
          %add3A_262 = arith.addf %add3A_251, %get3A_261 : vector<16xf32>
          %mul3A_263 = arith.mulf %get3A_261, %get3A_261 : vector<16xf32>
          %add3A_264 = arith.addf %add3A_253, %mul3A_263 : vector<16xf32>
          %mul3A_265 = arith.constant 16 : i32
          %mul3A_266 = arith.muli %scan3A_136, %mul3A_265 : i32
          %add3A_267 = arith.constant 11 : i32
          %add3A_268 = arith.addi %mul3A_266, %add3A_267 : i32
          %get3A_269 = arith.index_cast %add3A_268 : i32 to index
          %get3A_270 = arith.index_cast %mul3A_148 : i32 to index
          %get3A_271 = tpu.vector_load %arg9[%get3A_269, %get3A_270] {strides = array<i32>} : memref<128x256xf32, #tpu.memory_space<vmem>>, vector<1x16xf32>,
          %get3A_272 = vector.shape_cast %get3A_271 : vector<1x16xf32> to vector<16xf32>
          %add3A_273 = arith.addf %add3A_262, %get3A_272 : vector<16xf32>
          %mul3A_274 = arith.mulf %get3A_272, %get3A_272 : vector<16xf32>
          %add3A_275 = arith.addf %add3A_264, %mul3A_274 : vector<16xf32>
          %mul3A_276 = arith.constant 16 : i32
          %mul3A_277 = arith.muli %scan3A_136, %mul3A_276 : i32
          %add3A_278 = arith.constant 12 : i32
          %add3A_279 = arith.addi %mul3A_277, %add3A_278 : i32
          %get3A_280 = arith.index_cast %add3A_279 : i32 to index
          %get3A_281 = arith.index_cast %mul3A_148 : i32 to index
          %get3A_282 = tpu.vector_load %arg9[%get3A_280, %get3A_281] {strides = array<i32>} : memref<128x256xf32, #tpu.memory_space<vmem>>, vector<1x16xf32>,
          %get3A_283 = vector.shape_cast %get3A_282 : vector<1x16xf32> to vector<16xf32>
          %add3A_284 = arith.addf %add3A_273, %get3A_283 : vector<16xf32>
          %mul3A_285 = arith.mulf %get3A_283, %get3A_283 : vector<16xf32>
          %add3A_286 = arith.addf %add3A_275, %mul3A_285 : vector<16xf32>
          %mul3A_287 = arith.constant 16 : i32
          %mul3A_288 = arith.muli %scan3A_136, %mul3A_287 : i32
          %add3A_289 = arith.constant 13 : i32
          %add3A_290 = arith.addi %mul3A_288, %add3A_289 : i32
          %get3A_291 = arith.index_cast %add3A_290 : i32 to index
          %get3A_292 = arith.index_cast %mul3A_148 : i32 to index
          %get3A_293 = tpu.vector_load %arg9[%get3A_291, %get3A_292] {strides = array<i32>} : memref<128x256xf32, #tpu.memory_space<vmem>>, vector<1x16xf32>,
          %get3A_294 = vector.shape_cast %get3A_293 : vector<1x16xf32> to vector<16xf32>
          %add3A_295 = arith.addf %add3A_284, %get3A_294 : vector<16xf32>
          %mul3A_296 = arith.mulf %get3A_294, %get3A_294 : vector<16xf32>
          %add3A_297 = arith.addf %add3A_286, %mul3A_296 : vector<16xf32>
          %mul3A_298 = arith.constant 16 : i32
          %mul3A_299 = arith.muli %scan3A_136, %mul3A_298 : i32
          %add3A_300 = arith.constant 14 : i32
          %add3A_301 = arith.addi %mul3A_299, %add3A_300 : i32
          %get3A_302 = arith.index_cast %add3A_301 : i32 to index
          %get3A_303 = arith.index_cast %mul3A_148 : i32 to index
          %get3A_304 = tpu.vector_load %arg9[%get3A_302, %get3A_303] {strides = array<i32>} : memref<128x256xf32, #tpu.memory_space<vmem>>, vector<1x16xf32>,
          %get3A_305 = vector.shape_cast %get3A_304 : vector<1x16xf32> to vector<16xf32>
          %add3A_306 = arith.addf %add3A_295, %get3A_305 : vector<16xf32>
          %mul3A_307 = arith.mulf %get3A_305, %get3A_305 : vector<16xf32>
          %add3A_308 = arith.addf %add3A_297, %mul3A_307 : vector<16xf32>
          %mul3A_309 = arith.constant 16 : i32
          %mul3A_310 = arith.muli %scan3A_136, %mul3A_309 : i32
          %add3A_311 = arith.constant 15 : i32
          %add3A_312 = arith.addi %mul3A_310, %add3A_311 : i32
          %get3A_313 = arith.index_cast %add3A_312 : i32 to index
          %get3A_314 = arith.index_cast %mul3A_148 : i32 to index
          %get3A_315 = tpu.vector_load %arg9[%get3A_313, %get3A_314] {strides = array<i32>} : memref<128x256xf32, #tpu.memory_space<vmem>>, vector<1x16xf32>,
          %get3A_316 = vector.shape_cast %get3A_315 : vector<1x16xf32> to vector<16xf32>
          %add3A_317 = arith.addf %add3A_306, %get3A_316 : vector<16xf32>
          %mul3A_318 = arith.mulf %get3A_316, %get3A_316 : vector<16xf32>
          %add3A_319 = arith.addf %add3A_308, %mul3A_318 : vector<16xf32>
          %get3A_320 = arith.index_cast %add3A_139 : i32 to index
          %get3A_321 = arith.index_cast %mul3A_148 : i32 to index
          %get3A_322 = tpu.vector_load %arg8[%get3A_320, %get3A_321] {strides = array<i32>} : memref<128x256xf32, #tpu.memory_space<vmem>>, vector<1x16xf32>,
          %get3A_323 = vector.shape_cast %get3A_322 : vector<1x16xf32> to vector<16xf32>
          %get3A_324 = arith.constant 0 : i32
          %get3A_325 = arith.index_cast %get3A_324 : i32 to index
          %get3A_326 = arith.index_cast %mul3A_148 : i32 to index
          %get3A_327 = tpu.vector_load %arg11[%get3A_325, %get3A_326] {strides = array<i32>} : memref<4x256xf32, #tpu.memory_space<vmem>>, vector<1x16xf32>,
          %get3A_328 = vector.shape_cast %get3A_327 : vector<1x16xf32> to vector<16xf32>
          %add3A_329 = arith.addf %get3A_328, %add3A_317 : vector<16xf32>
          %swap3A = arith.constant 0 : i32
          %swap3A_330 = arith.index_cast %swap3A : i32 to index
          %swap3A_331 = arith.index_cast %mul3A_148 : i32 to index
          %swap3A_332 = tpu.vector_load %arg11[%swap3A_330, %swap3A_331] {strides = array<i32>} : memref<4x256xf32, #tpu.memory_space<vmem>>, vector<1x16xf32>,
          %swap3A_333 = vector.shape_cast %swap3A_332 : vector<1x16xf32> to vector<16xf32>
          %swap3A_334 = vector.shape_cast %add3A_329 : vector<16xf32> to vector<1x16xf32>
          tpu.vector_store %arg11[%swap3A_330, %swap3A_331], %swap3A_334 {strides = array<i32>} : memref<4x256xf32, #tpu.memory_space<vmem>>, vector<1x16xf32>,
          %get3A_335 = arith.constant 1 : i32
          %get3A_336 = arith.index_cast %get3A_335 : i32 to index
          %get3A_337 = arith.index_cast %mul3A_148 : i32 to index
          %get3A_338 = tpu.vector_load %arg11[%get3A_336, %get3A_337] {strides = array<i32>} : memref<4x256xf32, #tpu.memory_space<vmem>>, vector<1x16xf32>,
          %get3A_339 = vector.shape_cast %get3A_338 : vector<1x16xf32> to vector<16xf32>
          %add3A_340 = arith.addf %get3A_339, %add3A_319 : vector<16xf32>
          %swap3A_341 = arith.constant 1 : i32
          %swap3A_342 = arith.index_cast %swap3A_341 : i32 to index
          %swap3A_343 = arith.index_cast %mul3A_148 : i32 to index
          %swap3A_344 = tpu.vector_load %arg11[%swap3A_342, %swap3A_343] {strides = array<i32>} : memref<4x256xf32, #tpu.memory_space<vmem>>, vector<1x16xf32>,
          %swap3A_345 = vector.shape_cast %swap3A_344 : vector<1x16xf32> to vector<16xf32>
          %swap3A_346 = vector.shape_cast %add3A_340 : vector<16xf32> to vector<1x16xf32>
          tpu.vector_store %arg11[%swap3A_342, %swap3A_343], %swap3A_346 {strides = array<i32>} : memref<4x256xf32, #tpu.memory_space<vmem>>, vector<1x16xf32>,
          %get3A_347 = arith.constant 2 : i32
          %get3A_348 = arith.index_cast %get3A_347 : i32 to index
          %get3A_349 = arith.index_cast %mul3A_148 : i32 to index
          %get3A_350 = tpu.vector_load %arg11[%get3A_348, %get3A_349] {strides = array<i32>} : memref<4x256xf32, #tpu.memory_space<vmem>>, vector<1x16xf32>,
          %get3A_351 = vector.shape_cast %get3A_350 : vector<1x16xf32> to vector<16xf32>
          %mul3A_352 = arith.mulf %get3A_323, %add3A_317 : vector<16xf32>
          %add3A_353 = arith.addf %get3A_351, %mul3A_352 : vector<16xf32>
          %swap3A_354 = arith.constant 2 : i32
          %swap3A_355 = arith.index_cast %swap3A_354 : i32 to index
          %swap3A_356 = arith.index_cast %mul3A_148 : i32 to index
          %swap3A_357 = tpu.vector_load %arg11[%swap3A_355, %swap3A_356] {strides = array<i32>} : memref<4x256xf32, #tpu.memory_space<vmem>>, vector<1x16xf32>,
          %swap3A_358 = vector.shape_cast %swap3A_357 : vector<1x16xf32> to vector<16xf32>
          %swap3A_359 = vector.shape_cast %add3A_353 : vector<16xf32> to vector<1x16xf32>
          tpu.vector_store %arg11[%swap3A_355, %swap3A_356], %swap3A_359 {strides = array<i32>} : memref<4x256xf32, #tpu.memory_space<vmem>>, vector<1x16xf32>,
        }
        %scan3A_145 = arith.constant 16 : i32
      }
      %scan3A_88 = arith.constant 8 : i32
      %dma_wait3A_89 = arith.constant 0 : i32
      %dma_wait3A_90 = tpu.memref_slice %arg5[%add3A_78, %dma_wait3A_89] : memref<65536x256xf32, #tpu.memory_space<hbm>> -> memref<128x256xf32, #tpu.memory_space<hbm>>
      %dma_wait3A_91 = arith.constant 0 : i32
      %dma_wait3A_92 = tpu.memref_slice %arg5[%add3A_78, %dma_wait3A_91] : memref<65536x256xf32, #tpu.memory_space<hbm>> -> memref<128x256xf32, #tpu.memory_space<hbm>>
      tpu.wait_dma2 semaphore(%arg14 : memref<!tpu.dma_semaphore, #tpu.memory_space<semaphore_mem>>) src(%arg9 : memref<128x256xf32, #tpu.memory_space<vmem>>) dst(%dma_wait3A_92 : memref<128x256xf32, #tpu.memory_space<hbm>>)
      %add3A_93 = arith.constant 2 : i32
      %add3A_94 = arith.addi %mul3A_69, %add3A_93 : i32
      %mul3A_95 = arith.constant 128 : i32
      %mul3A_96 = arith.muli %add3A_94, %mul3A_95 : i32
      %dma_start3A_97 = tpu.memref_slice %arg7[%mul3A_96] : memref<2048xi32, #tpu.memory_space<vmem>> -> memref<128xi32, #tpu.memory_space<vmem>>
      %dma_start3A_98 = arith.constant 0 : i32
      %dma_start3A_99 = arith.constant 0 : i32
      %dma_start3A_100 = tpu.memref_slice %arg2[%dma_start3A_98, %dma_start3A_99] : memref<4096x256xf32, #tpu.memory_space<hbm>> -> memref<4096x256xf32, #tpu.memory_space<hbm>>
      tpu.enqueue_indirect_dma source(%dma_start3A_100 : memref<4096x256xf32, #tpu.memory_space<hbm>>) target(%arg9 : memref<128x256xf32, #tpu.memory_space<vmem>>) offsets(%dma_start3A_97 : memref<128xi32, #tpu.memory_space<vmem>>) semaphore(%arg12 : memref<!tpu.dma_semaphore, #tpu.memory_space<semaphore_mem>>)
      %mul3A_101 = arith.constant 2 : i32
      %mul3A_102 = arith.muli %mul3A_101, %scan3A_67 : i32
      %add3A_103 = arith.constant 1 : i32
      %add3A_104 = arith.addi %mul3A_102, %add3A_103 : i32
      %mul3A_105 = arith.constant 128 : i32
      %mul3A_106 = arith.muli %add3A_104, %mul3A_105 : i32
      %dma_wait3A_107 = tpu.memref_slice %arg7[%mul3A_106] : memref<2048xi32, #tpu.memory_space<vmem>> -> memref<128xi32, #tpu.memory_space<vmem>>
      %dma_wait3A_108 = arith.constant 0 : i32
      %dma_wait3A_109 = arith.constant 0 : i32
      %dma_wait3A_110 = tpu.memref_slice %arg2[%dma_wait3A_108, %dma_wait3A_109] : memref<4096x256xf32, #tpu.memory_space<hbm>> -> memref<4096x256xf32, #tpu.memory_space<hbm>>
      tpu.wait_indirect_dma semaphore(%arg13 : memref<!tpu.dma_semaphore, #tpu.memory_space<semaphore_mem>>) src(%dma_wait3A_110 : memref<4096x256xf32, #tpu.memory_space<hbm>>) dst(%arg10 : memref<128x256xf32, #tpu.memory_space<vmem>>)
      %mul3A_111 = arith.constant 128 : i32
      %mul3A_112 = arith.muli %add3A_104, %mul3A_111 : i32
      %add3A_113 = arith.addi %mul3A_2, %mul3A_112 : i32
      %dma_start3A_114 = arith.constant 0 : i32
      %dma_start3A_115 = tpu.memref_slice %arg5[%add3A_113, %dma_start3A_114] : memref<65536x256xf32, #tpu.memory_space<hbm>> -> memref<128x256xf32, #tpu.memory_space<hbm>>
      %dma_start3A_116 = arith.constant 0 : i32
      %dma_start3A_117 = tpu.memref_slice %arg5[%add3A_113, %dma_start3A_116] : memref<65536x256xf32, #tpu.memory_space<hbm>> -> memref<128x256xf32, #tpu.memory_space<hbm>>
      tpu.enqueue_dma source(%arg10 : memref<128x256xf32, #tpu.memory_space<vmem>>) target(%dma_start3A_117 : memref<128x256xf32, #tpu.memory_space<hbm>>) target_semaphore(%arg15 : memref<!tpu.dma_semaphore, #tpu.memory_space<semaphore_mem>>)
      %scan3A_118 = arith.constant 0 : i32
      %scan3A_119 = arith.constant 0 : i32
      %scan3A_120 = arith.constant 8 : i32
      %scan3A_121 = arith.addi %scan3A_119, %scan3A_120 : i32
      %scan3A_122 = arith.constant 1 : i32
      scf.for %scan3A_136 = %scan3A_119 to %scan3A_121 step %scan3A_122  : i32 {
        %mul3A_137 = arith.constant 8 : i32
        %mul3A_138 = arith.muli %add3A_104, %mul3A_137 : i32
        %add3A_139 = arith.addi %mul3A_138, %scan3A_136 : i32
        %scan3A_140 = arith.constant 0 : i32
        %scan3A_141 = arith.constant 0 : i32
        %scan3A_142 = arith.constant 16 : i32
        %scan3A_143 = arith.addi %scan3A_141, %scan3A_142 : i32
        %scan3A_144 = arith.constant 1 : i32
        scf.for %scan3A_146 = %scan3A_141 to %scan3A_143 step %scan3A_144  : i32 {
          %mul3A_147 = arith.constant 16 : i32
          %mul3A_148 = arith.muli %scan3A_146, %mul3A_147 : i32
          %mul3A_149 = arith.constant 16 : i32
          %mul3A_150 = arith.muli %scan3A_136, %mul3A_149 : i32
          %get3A = arith.index_cast %mul3A_150 : i32 to index
          %get3A_151 = arith.index_cast %mul3A_148 : i32 to index
          %get3A_152 = tpu.vector_load %arg10[%get3A, %get3A_151] {strides = array<i32>} : memref<128x256xf32, #tpu.memory_space<vmem>>, vector<1x16xf32>,
          %get3A_153 = vector.shape_cast %get3A_152 : vector<1x16xf32> to vector<16xf32>
          %mul3A_154 = arith.mulf %get3A_153, %get3A_153 : vector<16xf32>
          %mul3A_155 = arith.constant 16 : i32
          %mul3A_156 = arith.muli %scan3A_136, %mul3A_155 : i32
          %add3A_157 = arith.constant 1 : i32
          %add3A_158 = arith.addi %mul3A_156, %add3A_157 : i32
          %get3A_159 = arith.index_cast %add3A_158 : i32 to index
          %get3A_160 = arith.index_cast %mul3A_148 : i32 to index
          %get3A_161 = tpu.vector_load %arg10[%get3A_159, %get3A_160] {strides = array<i32>} : memref<128x256xf32, #tpu.memory_space<vmem>>, vector<1x16xf32>,
          %get3A_162 = vector.shape_cast %get3A_161 : vector<1x16xf32> to vector<16xf32>
          %add3A_163 = arith.addf %get3A_153, %get3A_162 : vector<16xf32>
          %mul3A_164 = arith.mulf %get3A_162, %get3A_162 : vector<16xf32>
          %add3A_165 = arith.addf %mul3A_154, %mul3A_164 : vector<16xf32>
          %mul3A_166 = arith.constant 16 : i32
          %mul3A_167 = arith.muli %scan3A_136, %mul3A_166 : i32
          %add3A_168 = arith.constant 2 : i32
          %add3A_169 = arith.addi %mul3A_167, %add3A_168 : i32
          %get3A_170 = arith.index_cast %add3A_169 : i32 to index
          %get3A_171 = arith.index_cast %mul3A_148 : i32 to index
          %get3A_172 = tpu.vector_load %arg10[%get3A_170, %get3A_171] {strides = array<i32>} : memref<128x256xf32, #tpu.memory_space<vmem>>, vector<1x16xf32>,
          %get3A_173 = vector.shape_cast %get3A_172 : vector<1x16xf32> to vector<16xf32>
          %add3A_174 = arith.addf %add3A_163, %get3A_173 : vector<16xf32>
          %mul3A_175 = arith.mulf %get3A_173, %get3A_173 : vector<16xf32>
          %add3A_176 = arith.addf %add3A_165, %mul3A_175 : vector<16xf32>
          %mul3A_177 = arith.constant 16 : i32
          %mul3A_178 = arith.muli %scan3A_136, %mul3A_177 : i32
          %add3A_179 = arith.constant 3 : i32
          %add3A_180 = arith.addi %mul3A_178, %add3A_179 : i32
          %get3A_181 = arith.index_cast %add3A_180 : i32 to index
          %get3A_182 = arith.index_cast %mul3A_148 : i32 to index
          %get3A_183 = tpu.vector_load %arg10[%get3A_181, %get3A_182] {strides = array<i32>} : memref<128x256xf32, #tpu.memory_space<vmem>>, vector<1x16xf32>,
          %get3A_184 = vector.shape_cast %get3A_183 : vector<1x16xf32> to vector<16xf32>
          %add3A_185 = arith.addf %add3A_174, %get3A_184 : vector<16xf32>
          %mul3A_186 = arith.mulf %get3A_184, %get3A_184 : vector<16xf32>
          %add3A_187 = arith.addf %add3A_176, %mul3A_186 : vector<16xf32>
          %mul3A_188 = arith.constant 16 : i32
          %mul3A_189 = arith.muli %scan3A_136, %mul3A_188 : i32
          %add3A_190 = arith.constant 4 : i32
          %add3A_191 = arith.addi %mul3A_189, %add3A_190 : i32
          %get3A_192 = arith.index_cast %add3A_191 : i32 to index
          %get3A_193 = arith.index_cast %mul3A_148 : i32 to index
          %get3A_194 = tpu.vector_load %arg10[%get3A_192, %get3A_193] {strides = array<i32>} : memref<128x256xf32, #tpu.memory_space<vmem>>, vector<1x16xf32>,
          %get3A_195 = vector.shape_cast %get3A_194 : vector<1x16xf32> to vector<16xf32>
          %add3A_196 = arith.addf %add3A_185, %get3A_195 : vector<16xf32>
          %mul3A_197 = arith.mulf %get3A_195, %get3A_195 : vector<16xf32>
          %add3A_198 = arith.addf %add3A_187, %mul3A_197 : vector<16xf32>
          %mul3A_199 = arith.constant 16 : i32
          %mul3A_200 = arith.muli %scan3A_136, %mul3A_199 : i32
          %add3A_201 = arith.constant 5 : i32
          %add3A_202 = arith.addi %mul3A_200, %add3A_201 : i32
          %get3A_203 = arith.index_cast %add3A_202 : i32 to index
          %get3A_204 = arith.index_cast %mul3A_148 : i32 to index
          %get3A_205 = tpu.vector_load %arg10[%get3A_203, %get3A_204] {strides = array<i32>} : memref<128x256xf32, #tpu.memory_space<vmem>>, vector<1x16xf32>,
          %get3A_206 = vector.shape_cast %get3A_205 : vector<1x16xf32> to vector<16xf32>
          %add3A_207 = arith.addf %add3A_196, %get3A_206 : vector<16xf32>
          %mul3A_208 = arith.mulf %get3A_206, %get3A_206 : vector<16xf32>
          %add3A_209 = arith.addf %add3A_198, %mul3A_208 : vector<16xf32>
          %mul3A_210 = arith.constant 16 : i32
          %mul3A_211 = arith.muli %scan3A_136, %mul3A_210 : i32
          %add3A_212 = arith.constant 6 : i32
          %add3A_213 = arith.addi %mul3A_211, %add3A_212 : i32
          %get3A_214 = arith.index_cast %add3A_213 : i32 to index
          %get3A_215 = arith.index_cast %mul3A_148 : i32 to index
          %get3A_216 = tpu.vector_load %arg10[%get3A_214, %get3A_215] {strides = array<i32>} : memref<128x256xf32, #tpu.memory_space<vmem>>, vector<1x16xf32>,
          %get3A_217 = vector.shape_cast %get3A_216 : vector<1x16xf32> to vector<16xf32>
          %add3A_218 = arith.addf %add3A_207, %get3A_217 : vector<16xf32>
          %mul3A_219 = arith.mulf %get3A_217, %get3A_217 : vector<16xf32>
          %add3A_220 = arith.addf %add3A_209, %mul3A_219 : vector<16xf32>
          %mul3A_221 = arith.constant 16 : i32
          %mul3A_222 = arith.muli %scan3A_136, %mul3A_221 : i32
          %add3A_223 = arith.constant 7 : i32
          %add3A_224 = arith.addi %mul3A_222, %add3A_223 : i32
          %get3A_225 = arith.index_cast %add3A_224 : i32 to index
          %get3A_226 = arith.index_cast %mul3A_148 : i32 to index
          %get3A_227 = tpu.vector_load %arg10[%get3A_225, %get3A_226] {strides = array<i32>} : memref<128x256xf32, #tpu.memory_space<vmem>>, vector<1x16xf32>,
          %get3A_228 = vector.shape_cast %get3A_227 : vector<1x16xf32> to vector<16xf32>
          %add3A_229 = arith.addf %add3A_218, %get3A_228 : vector<16xf32>
          %mul3A_230 = arith.mulf %get3A_228, %get3A_228 : vector<16xf32>
          %add3A_231 = arith.addf %add3A_220, %mul3A_230 : vector<16xf32>
          %mul3A_232 = arith.constant 16 : i32
          %mul3A_233 = arith.muli %scan3A_136, %mul3A_232 : i32
          %add3A_234 = arith.constant 8 : i32
          %add3A_235 = arith.addi %mul3A_233, %add3A_234 : i32
          %get3A_236 = arith.index_cast %add3A_235 : i32 to index
          %get3A_237 = arith.index_cast %mul3A_148 : i32 to index
          %get3A_238 = tpu.vector_load %arg10[%get3A_236, %get3A_237] {strides = array<i32>} : memref<128x256xf32, #tpu.memory_space<vmem>>, vector<1x16xf32>,
          %get3A_239 = vector.shape_cast %get3A_238 : vector<1x16xf32> to vector<16xf32>
          %add3A_240 = arith.addf %add3A_229, %get3A_239 : vector<16xf32>
          %mul3A_241 = arith.mulf %get3A_239, %get3A_239 : vector<16xf32>
          %add3A_242 = arith.addf %add3A_231, %mul3A_241 : vector<16xf32>
          %mul3A_243 = arith.constant 16 : i32
          %mul3A_244 = arith.muli %scan3A_136, %mul3A_243 : i32
          %add3A_245 = arith.constant 9 : i32
          %add3A_246 = arith.addi %mul3A_244, %add3A_245 : i32
          %get3A_247 = arith.index_cast %add3A_246 : i32 to index
          %get3A_248 = arith.index_cast %mul3A_148 : i32 to index
          %get3A_249 = tpu.vector_load %arg10[%get3A_247, %get3A_248] {strides = array<i32>} : memref<128x256xf32, #tpu.memory_space<vmem>>, vector<1x16xf32>,
          %get3A_250 = vector.shape_cast %get3A_249 : vector<1x16xf32> to vector<16xf32>
          %add3A_251 = arith.addf %add3A_240, %get3A_250 : vector<16xf32>
          %mul3A_252 = arith.mulf %get3A_250, %get3A_250 : vector<16xf32>
          %add3A_253 = arith.addf %add3A_242, %mul3A_252 : vector<16xf32>
          %mul3A_254 = arith.constant 16 : i32
          %mul3A_255 = arith.muli %scan3A_136, %mul3A_254 : i32
          %add3A_256 = arith.constant 10 : i32
          %add3A_257 = arith.addi %mul3A_255, %add3A_256 : i32
          %get3A_258 = arith.index_cast %add3A_257 : i32 to index
          %get3A_259 = arith.index_cast %mul3A_148 : i32 to index
          %get3A_260 = tpu.vector_load %arg10[%get3A_258, %get3A_259] {strides = array<i32>} : memref<128x256xf32, #tpu.memory_space<vmem>>, vector<1x16xf32>,
          %get3A_261 = vector.shape_cast %get3A_260 : vector<1x16xf32> to vector<16xf32>
          %add3A_262 = arith.addf %add3A_251, %get3A_261 : vector<16xf32>
          %mul3A_263 = arith.mulf %get3A_261, %get3A_261 : vector<16xf32>
          %add3A_264 = arith.addf %add3A_253, %mul3A_263 : vector<16xf32>
          %mul3A_265 = arith.constant 16 : i32
          %mul3A_266 = arith.muli %scan3A_136, %mul3A_265 : i32
          %add3A_267 = arith.constant 11 : i32
          %add3A_268 = arith.addi %mul3A_266, %add3A_267 : i32
          %get3A_269 = arith.index_cast %add3A_268 : i32 to index
          %get3A_270 = arith.index_cast %mul3A_148 : i32 to index
          %get3A_271 = tpu.vector_load %arg10[%get3A_269, %get3A_270] {strides = array<i32>} : memref<128x256xf32, #tpu.memory_space<vmem>>, vector<1x16xf32>,
          %get3A_272 = vector.shape_cast %get3A_271 : vector<1x16xf32> to vector<16xf32>
          %add3A_273 = arith.addf %add3A_262, %get3A_272 : vector<16xf32>
          %mul3A_274 = arith.mulf %get3A_272, %get3A_272 : vector<16xf32>
          %add3A_275 = arith.addf %add3A_264, %mul3A_274 : vector<16xf32>
          %mul3A_276 = arith.constant 16 : i32
          %mul3A_277 = arith.muli %scan3A_136, %mul3A_276 : i32
          %add3A_278 = arith.constant 12 : i32
          %add3A_279 = arith.addi %mul3A_277, %add3A_278 : i32
          %get3A_280 = arith.index_cast %add3A_279 : i32 to index
          %get3A_281 = arith.index_cast %mul3A_148 : i32 to index
          %get3A_282 = tpu.vector_load %arg10[%get3A_280, %get3A_281] {strides = array<i32>} : memref<128x256xf32, #tpu.memory_space<vmem>>, vector<1x16xf32>,
          %get3A_283 = vector.shape_cast %get3A_282 : vector<1x16xf32> to vector<16xf32>
          %add3A_284 = arith.addf %add3A_273, %get3A_283 : vector<16xf32>
          %mul3A_285 = arith.mulf %get3A_283, %get3A_283 : vector<16xf32>
          %add3A_286 = arith.addf %add3A_275, %mul3A_285 : vector<16xf32>
          %mul3A_287 = arith.constant 16 : i32
          %mul3A_288 = arith.muli %scan3A_136, %mul3A_287 : i32
          %add3A_289 = arith.constant 13 : i32
          %add3A_290 = arith.addi %mul3A_288, %add3A_289 : i32
          %get3A_291 = arith.index_cast %add3A_290 : i32 to index
          %get3A_292 = arith.index_cast %mul3A_148 : i32 to index
          %get3A_293 = tpu.vector_load %arg10[%get3A_291, %get3A_292] {strides = array<i32>} : memref<128x256xf32, #tpu.memory_space<vmem>>, vector<1x16xf32>,
          %get3A_294 = vector.shape_cast %get3A_293 : vector<1x16xf32> to vector<16xf32>
          %add3A_295 = arith.addf %add3A_284, %get3A_294 : vector<16xf32>
          %mul3A_296 = arith.mulf %get3A_294, %get3A_294 : vector<16xf32>
          %add3A_297 = arith.addf %add3A_286, %mul3A_296 : vector<16xf32>
          %mul3A_298 = arith.constant 16 : i32
          %mul3A_299 = arith.muli %scan3A_136, %mul3A_298 : i32
          %add3A_300 = arith.constant 14 : i32
          %add3A_301 = arith.addi %mul3A_299, %add3A_300 : i32
          %get3A_302 = arith.index_cast %add3A_301 : i32 to index
          %get3A_303 = arith.index_cast %mul3A_148 : i32 to index
          %get3A_304 = tpu.vector_load %arg10[%get3A_302, %get3A_303] {strides = array<i32>} : memref<128x256xf32, #tpu.memory_space<vmem>>, vector<1x16xf32>,
          %get3A_305 = vector.shape_cast %get3A_304 : vector<1x16xf32> to vector<16xf32>
          %add3A_306 = arith.addf %add3A_295, %get3A_305 : vector<16xf32>
          %mul3A_307 = arith.mulf %get3A_305, %get3A_305 : vector<16xf32>
          %add3A_308 = arith.addf %add3A_297, %mul3A_307 : vector<16xf32>
          %mul3A_309 = arith.constant 16 : i32
          %mul3A_310 = arith.muli %scan3A_136, %mul3A_309 : i32
          %add3A_311 = arith.constant 15 : i32
          %add3A_312 = arith.addi %mul3A_310, %add3A_311 : i32
          %get3A_313 = arith.index_cast %add3A_312 : i32 to index
          %get3A_314 = arith.index_cast %mul3A_148 : i32 to index
          %get3A_315 = tpu.vector_load %arg10[%get3A_313, %get3A_314] {strides = array<i32>} : memref<128x256xf32, #tpu.memory_space<vmem>>, vector<1x16xf32>,
          %get3A_316 = vector.shape_cast %get3A_315 : vector<1x16xf32> to vector<16xf32>
          %add3A_317 = arith.addf %add3A_306, %get3A_316 : vector<16xf32>
          %mul3A_318 = arith.mulf %get3A_316, %get3A_316 : vector<16xf32>
          %add3A_319 = arith.addf %add3A_308, %mul3A_318 : vector<16xf32>
          %get3A_320 = arith.index_cast %add3A_139 : i32 to index
          %get3A_321 = arith.index_cast %mul3A_148 : i32 to index
          %get3A_322 = tpu.vector_load %arg8[%get3A_320, %get3A_321] {strides = array<i32>} : memref<128x256xf32, #tpu.memory_space<vmem>>, vector<1x16xf32>,
          %get3A_323 = vector.shape_cast %get3A_322 : vector<1x16xf32> to vector<16xf32>
          %get3A_324 = arith.constant 0 : i32
          %get3A_325 = arith.index_cast %get3A_324 : i32 to index
          %get3A_326 = arith.index_cast %mul3A_148 : i32 to index
          %get3A_327 = tpu.vector_load %arg11[%get3A_325, %get3A_326] {strides = array<i32>} : memref<4x256xf32, #tpu.memory_space<vmem>>, vector<1x16xf32>,
          %get3A_328 = vector.shape_cast %get3A_327 : vector<1x16xf32> to vector<16xf32>
          %add3A_329 = arith.addf %get3A_328, %add3A_317 : vector<16xf32>
          %swap3A = arith.constant 0 : i32
          %swap3A_330 = arith.index_cast %swap3A : i32 to index
          %swap3A_331 = arith.index_cast %mul3A_148 : i32 to index
          %swap3A_332 = tpu.vector_load %arg11[%swap3A_330, %swap3A_331] {strides = array<i32>} : memref<4x256xf32, #tpu.memory_space<vmem>>, vector<1x16xf32>,
          %swap3A_333 = vector.shape_cast %swap3A_332 : vector<1x16xf32> to vector<16xf32>
          %swap3A_334 = vector.shape_cast %add3A_329 : vector<16xf32> to vector<1x16xf32>
          tpu.vector_store %arg11[%swap3A_330, %swap3A_331], %swap3A_334 {strides = array<i32>} : memref<4x256xf32, #tpu.memory_space<vmem>>, vector<1x16xf32>,
          %get3A_335 = arith.constant 1 : i32
          %get3A_336 = arith.index_cast %get3A_335 : i32 to index
          %get3A_337 = arith.index_cast %mul3A_148 : i32 to index
          %get3A_338 = tpu.vector_load %arg11[%get3A_336, %get3A_337] {strides = array<i32>} : memref<4x256xf32, #tpu.memory_space<vmem>>, vector<1x16xf32>,
          %get3A_339 = vector.shape_cast %get3A_338 : vector<1x16xf32> to vector<16xf32>
          %add3A_340 = arith.addf %get3A_339, %add3A_319 : vector<16xf32>
          %swap3A_341 = arith.constant 1 : i32
          %swap3A_342 = arith.index_cast %swap3A_341 : i32 to index
          %swap3A_343 = arith.index_cast %mul3A_148 : i32 to index
          %swap3A_344 = tpu.vector_load %arg11[%swap3A_342, %swap3A_343] {strides = array<i32>} : memref<4x256xf32, #tpu.memory_space<vmem>>, vector<1x16xf32>,
          %swap3A_345 = vector.shape_cast %swap3A_344 : vector<1x16xf32> to vector<16xf32>
          %swap3A_346 = vector.shape_cast %add3A_340 : vector<16xf32> to vector<1x16xf32>
          tpu.vector_store %arg11[%swap3A_342, %swap3A_343], %swap3A_346 {strides = array<i32>} : memref<4x256xf32, #tpu.memory_space<vmem>>, vector<1x16xf32>,
          %get3A_347 = arith.constant 2 : i32
          %get3A_348 = arith.index_cast %get3A_347 : i32 to index
          %get3A_349 = arith.index_cast %mul3A_148 : i32 to index
          %get3A_350 = tpu.vector_load %arg11[%get3A_348, %get3A_349] {strides = array<i32>} : memref<4x256xf32, #tpu.memory_space<vmem>>, vector<1x16xf32>,
          %get3A_351 = vector.shape_cast %get3A_350 : vector<1x16xf32> to vector<16xf32>
          %mul3A_352 = arith.mulf %get3A_323, %add3A_317 : vector<16xf32>
          %add3A_353 = arith.addf %get3A_351, %mul3A_352 : vector<16xf32>
          %swap3A_354 = arith.constant 2 : i32
          %swap3A_355 = arith.index_cast %swap3A_354 : i32 to index
          %swap3A_356 = arith.index_cast %mul3A_148 : i32 to index
          %swap3A_357 = tpu.vector_load %arg11[%swap3A_355, %swap3A_356] {strides = array<i32>} : memref<4x256xf32, #tpu.memory_space<vmem>>, vector<1x16xf32>,
          %swap3A_358 = vector.shape_cast %swap3A_357 : vector<1x16xf32> to vector<16xf32>
          %swap3A_359 = vector.shape_cast %add3A_353 : vector<16xf32> to vector<1x16xf32>
          tpu.vector_store %arg11[%swap3A_355, %swap3A_356], %swap3A_359 {strides = array<i32>} : memref<4x256xf32, #tpu.memory_space<vmem>>, vector<1x16xf32>,
        }
        %scan3A_145 = arith.constant 16 : i32
      }
      %scan3A_123 = arith.constant 8 : i32
      %dma_wait3A_124 = arith.constant 0 : i32
      %dma_wait3A_125 = tpu.memref_slice %arg5[%add3A_113, %dma_wait3A_124] : memref<65536x256xf32, #tpu.memory_space<hbm>> -> memref<128x256xf32, #tpu.memory_space<hbm>>
      %dma_wait3A_126 = arith.constant 0 : i32
      %dma_wait3A_127 = tpu.memref_slice %arg5[%add3A_113, %dma_wait3A_126] : memref<65536x256xf32, #tpu.memory_space<hbm>> -> memref<128x256xf32, #tpu.memory_space<hbm>>
      tpu.wait_dma2 semaphore(%arg15 : memref<!tpu.dma_semaphore, #tpu.memory_space<semaphore_mem>>) src(%arg10 : memref<128x256xf32, #tpu.memory_space<vmem>>) dst(%dma_wait3A_127 : memref<128x256xf32, #tpu.memory_space<hbm>>)
      %add3A_128 = arith.constant 2 : i32
      %add3A_129 = arith.addi %add3A_104, %add3A_128 : i32
      %mul3A_130 = arith.constant 128 : i32
      %mul3A_131 = arith.muli %add3A_129, %mul3A_130 : i32
      %dma_start3A_132 = tpu.memref_slice %arg7[%mul3A_131] : memref<2048xi32, #tpu.memory_space<vmem>> -> memref<128xi32, #tpu.memory_space<vmem>>
      %dma_start3A_133 = arith.constant 0 : i32
      %dma_start3A_134 = arith.constant 0 : i32
      %dma_start3A_135 = tpu.memref_slice %arg2[%dma_start3A_133, %dma_start3A_134] : memref<4096x256xf32, #tpu.memory_space<hbm>> -> memref<4096x256xf32, #tpu.memory_space<hbm>>
      tpu.enqueue_indirect_dma source(%dma_start3A_135 : memref<4096x256xf32, #tpu.memory_space<hbm>>) target(%arg10 : memref<128x256xf32, #tpu.memory_space<vmem>>) offsets(%dma_start3A_132 : memref<128xi32, #tpu.memory_space<vmem>>) semaphore(%arg13 : memref<!tpu.dma_semaphore, #tpu.memory_space<semaphore_mem>>)
    }
    %scan3A_25 = arith.constant 7 : i32
    %dma_wait3A = arith.constant 1792 : i32
    %dma_wait3A_26 = tpu.memref_slice %arg7[%dma_wait3A] : memref<2048xi32, #tpu.memory_space<vmem>> -> memref<128xi32, #tpu.memory_space<vmem>>
    %dma_wait3A_27 = arith.constant 0 : i32
    %dma_wait3A_28 = arith.constant 0 : i32
    %dma_wait3A_29 = tpu.memref_slice %arg2[%dma_wait3A_27, %dma_wait3A_28] : memref<4096x256xf32, #tpu.memory_space<hbm>> -> memref<4096x256xf32, #tpu.memory_space<hbm>>
    tpu.wait_indirect_dma semaphore(%arg12 : memref<!tpu.dma_semaphore, #tpu.memory_space<semaphore_mem>>) src(%dma_wait3A_29 : memref<4096x256xf32, #tpu.memory_space<hbm>>) dst(%arg9 : memref<128x256xf32, #tpu.memory_space<vmem>>)
    %add3A_30 = arith.constant 1792 : i32
    %add3A_31 = arith.addi %mul3A_2, %add3A_30 : i32
    %dma_start3A_32 = arith.constant 0 : i32
    %dma_start3A_33 = tpu.memref_slice %arg5[%add3A_31, %dma_start3A_32] : memref<65536x256xf32, #tpu.memory_space<hbm>> -> memref<128x256xf32, #tpu.memory_space<hbm>>
    %dma_start3A_34 = arith.constant 0 : i32
    %dma_start3A_35 = tpu.memref_slice %arg5[%add3A_31, %dma_start3A_34] : memref<65536x256xf32, #tpu.memory_space<hbm>> -> memref<128x256xf32, #tpu.memory_space<hbm>>
    tpu.enqueue_dma source(%arg9 : memref<128x256xf32, #tpu.memory_space<vmem>>) target(%dma_start3A_35 : memref<128x256xf32, #tpu.memory_space<hbm>>) target_semaphore(%arg14 : memref<!tpu.dma_semaphore, #tpu.memory_space<semaphore_mem>>)
    %scan3A_36 = arith.constant 0 : i32
    %scan3A_37 = arith.constant 0 : i32
    %scan3A_38 = arith.constant 8 : i32
    %scan3A_39 = arith.addi %scan3A_37, %scan3A_38 : i32
    %scan3A_40 = arith.constant 1 : i32
    scf.for %scan3A_67 = %scan3A_37 to %scan3A_39 step %scan3A_40  : i32 {
      %add3A_68 = arith.constant 112 : i32
      %add3A_69 = arith.addi %add3A_68, %scan3A_67 : i32
      %scan3A_70 = arith.constant 0 : i32
      %scan3A_71 = arith.constant 0 : i32
      %scan3A_72 = arith.constant 16 : i32
      %scan3A_73 = arith.addi %scan3A_71, %scan3A_72 : i32
      %scan3A_74 = arith.constant 1 : i32
      scf.for %scan3A_76 = %scan3A_71 to %scan3A_73 step %scan3A_74  : i32 {
        %mul3A_77 = arith.constant 16 : i32
        %mul3A_78 = arith.muli %scan3A_76, %mul3A_77 : i32
        %mul3A_79 = arith.constant 16 : i32
        %mul3A_80 = arith.muli %scan3A_67, %mul3A_79 : i32
        %get3A = arith.index_cast %mul3A_80 : i32 to index
        %get3A_81 = arith.index_cast %mul3A_78 : i32 to index
        %get3A_82 = tpu.vector_load %arg9[%get3A, %get3A_81] {strides = array<i32>} : memref<128x256xf32, #tpu.memory_space<vmem>>, vector<1x16xf32>,
        %get3A_83 = vector.shape_cast %get3A_82 : vector<1x16xf32> to vector<16xf32>
        %mul3A_84 = arith.mulf %get3A_83, %get3A_83 : vector<16xf32>
        %mul3A_85 = arith.constant 16 : i32
        %mul3A_86 = arith.muli %scan3A_67, %mul3A_85 : i32
        %add3A_87 = arith.constant 1 : i32
        %add3A_88 = arith.addi %mul3A_86, %add3A_87 : i32
        %get3A_89 = arith.index_cast %add3A_88 : i32 to index
        %get3A_90 = arith.index_cast %mul3A_78 : i32 to index
        %get3A_91 = tpu.vector_load %arg9[%get3A_89, %get3A_90] {strides = array<i32>} : memref<128x256xf32, #tpu.memory_space<vmem>>, vector<1x16xf32>,
        %get3A_92 = vector.shape_cast %get3A_91 : vector<1x16xf32> to vector<16xf32>
        %add3A_93 = arith.addf %get3A_83, %get3A_92 : vector<16xf32>
        %mul3A_94 = arith.mulf %get3A_92, %get3A_92 : vector<16xf32>
        %add3A_95 = arith.addf %mul3A_84, %mul3A_94 : vector<16xf32>
        %mul3A_96 = arith.constant 16 : i32
        %mul3A_97 = arith.muli %scan3A_67, %mul3A_96 : i32
        %add3A_98 = arith.constant 2 : i32
        %add3A_99 = arith.addi %mul3A_97, %add3A_98 : i32
        %get3A_100 = arith.index_cast %add3A_99 : i32 to index
        %get3A_101 = arith.index_cast %mul3A_78 : i32 to index
        %get3A_102 = tpu.vector_load %arg9[%get3A_100, %get3A_101] {strides = array<i32>} : memref<128x256xf32, #tpu.memory_space<vmem>>, vector<1x16xf32>,
        %get3A_103 = vector.shape_cast %get3A_102 : vector<1x16xf32> to vector<16xf32>
        %add3A_104 = arith.addf %add3A_93, %get3A_103 : vector<16xf32>
        %mul3A_105 = arith.mulf %get3A_103, %get3A_103 : vector<16xf32>
        %add3A_106 = arith.addf %add3A_95, %mul3A_105 : vector<16xf32>
        %mul3A_107 = arith.constant 16 : i32
        %mul3A_108 = arith.muli %scan3A_67, %mul3A_107 : i32
        %add3A_109 = arith.constant 3 : i32
        %add3A_110 = arith.addi %mul3A_108, %add3A_109 : i32
        %get3A_111 = arith.index_cast %add3A_110 : i32 to index
        %get3A_112 = arith.index_cast %mul3A_78 : i32 to index
        %get3A_113 = tpu.vector_load %arg9[%get3A_111, %get3A_112] {strides = array<i32>} : memref<128x256xf32, #tpu.memory_space<vmem>>, vector<1x16xf32>,
        %get3A_114 = vector.shape_cast %get3A_113 : vector<1x16xf32> to vector<16xf32>
        %add3A_115 = arith.addf %add3A_104, %get3A_114 : vector<16xf32>
        %mul3A_116 = arith.mulf %get3A_114, %get3A_114 : vector<16xf32>
        %add3A_117 = arith.addf %add3A_106, %mul3A_116 : vector<16xf32>
        %mul3A_118 = arith.constant 16 : i32
        %mul3A_119 = arith.muli %scan3A_67, %mul3A_118 : i32
        %add3A_120 = arith.constant 4 : i32
        %add3A_121 = arith.addi %mul3A_119, %add3A_120 : i32
        %get3A_122 = arith.index_cast %add3A_121 : i32 to index
        %get3A_123 = arith.index_cast %mul3A_78 : i32 to index
        %get3A_124 = tpu.vector_load %arg9[%get3A_122, %get3A_123] {strides = array<i32>} : memref<128x256xf32, #tpu.memory_space<vmem>>, vector<1x16xf32>,
        %get3A_125 = vector.shape_cast %get3A_124 : vector<1x16xf32> to vector<16xf32>
        %add3A_126 = arith.addf %add3A_115, %get3A_125 : vector<16xf32>
        %mul3A_127 = arith.mulf %get3A_125, %get3A_125 : vector<16xf32>
        %add3A_128 = arith.addf %add3A_117, %mul3A_127 : vector<16xf32>
        %mul3A_129 = arith.constant 16 : i32
        %mul3A_130 = arith.muli %scan3A_67, %mul3A_129 : i32
        %add3A_131 = arith.constant 5 : i32
        %add3A_132 = arith.addi %mul3A_130, %add3A_131 : i32
        %get3A_133 = arith.index_cast %add3A_132 : i32 to index
        %get3A_134 = arith.index_cast %mul3A_78 : i32 to index
        %get3A_135 = tpu.vector_load %arg9[%get3A_133, %get3A_134] {strides = array<i32>} : memref<128x256xf32, #tpu.memory_space<vmem>>, vector<1x16xf32>,
        %get3A_136 = vector.shape_cast %get3A_135 : vector<1x16xf32> to vector<16xf32>
        %add3A_137 = arith.addf %add3A_126, %get3A_136 : vector<16xf32>
        %mul3A_138 = arith.mulf %get3A_136, %get3A_136 : vector<16xf32>
        %add3A_139 = arith.addf %add3A_128, %mul3A_138 : vector<16xf32>
        %mul3A_140 = arith.constant 16 : i32
        %mul3A_141 = arith.muli %scan3A_67, %mul3A_140 : i32
        %add3A_142 = arith.constant 6 : i32
        %add3A_143 = arith.addi %mul3A_141, %add3A_142 : i32
        %get3A_144 = arith.index_cast %add3A_143 : i32 to index
        %get3A_145 = arith.index_cast %mul3A_78 : i32 to index
        %get3A_146 = tpu.vector_load %arg9[%get3A_144, %get3A_145] {strides = array<i32>} : memref<128x256xf32, #tpu.memory_space<vmem>>, vector<1x16xf32>,
        %get3A_147 = vector.shape_cast %get3A_146 : vector<1x16xf32> to vector<16xf32>
        %add3A_148 = arith.addf %add3A_137, %get3A_147 : vector<16xf32>
        %mul3A_149 = arith.mulf %get3A_147, %get3A_147 : vector<16xf32>
        %add3A_150 = arith.addf %add3A_139, %mul3A_149 : vector<16xf32>
        %mul3A_151 = arith.constant 16 : i32
        %mul3A_152 = arith.muli %scan3A_67, %mul3A_151 : i32
        %add3A_153 = arith.constant 7 : i32
        %add3A_154 = arith.addi %mul3A_152, %add3A_153 : i32
        %get3A_155 = arith.index_cast %add3A_154 : i32 to index
        %get3A_156 = arith.index_cast %mul3A_78 : i32 to index
        %get3A_157 = tpu.vector_load %arg9[%get3A_155, %get3A_156] {strides = array<i32>} : memref<128x256xf32, #tpu.memory_space<vmem>>, vector<1x16xf32>,
        %get3A_158 = vector.shape_cast %get3A_157 : vector<1x16xf32> to vector<16xf32>
        %add3A_159 = arith.addf %add3A_148, %get3A_158 : vector<16xf32>
        %mul3A_160 = arith.mulf %get3A_158, %get3A_158 : vector<16xf32>
        %add3A_161 = arith.addf %add3A_150, %mul3A_160 : vector<16xf32>
        %mul3A_162 = arith.constant 16 : i32
        %mul3A_163 = arith.muli %scan3A_67, %mul3A_162 : i32
        %add3A_164 = arith.constant 8 : i32
        %add3A_165 = arith.addi %mul3A_163, %add3A_164 : i32
        %get3A_166 = arith.index_cast %add3A_165 : i32 to index
        %get3A_167 = arith.index_cast %mul3A_78 : i32 to index
        %get3A_168 = tpu.vector_load %arg9[%get3A_166, %get3A_167] {strides = array<i32>} : memref<128x256xf32, #tpu.memory_space<vmem>>, vector<1x16xf32>,
        %get3A_169 = vector.shape_cast %get3A_168 : vector<1x16xf32> to vector<16xf32>
        %add3A_170 = arith.addf %add3A_159, %get3A_169 : vector<16xf32>
        %mul3A_171 = arith.mulf %get3A_169, %get3A_169 : vector<16xf32>
        %add3A_172 = arith.addf %add3A_161, %mul3A_171 : vector<16xf32>
        %mul3A_173 = arith.constant 16 : i32
        %mul3A_174 = arith.muli %scan3A_67, %mul3A_173 : i32
        %add3A_175 = arith.constant 9 : i32
        %add3A_176 = arith.addi %mul3A_174, %add3A_175 : i32
        %get3A_177 = arith.index_cast %add3A_176 : i32 to index
        %get3A_178 = arith.index_cast %mul3A_78 : i32 to index
        %get3A_179 = tpu.vector_load %arg9[%get3A_177, %get3A_178] {strides = array<i32>} : memref<128x256xf32, #tpu.memory_space<vmem>>, vector<1x16xf32>,
        %get3A_180 = vector.shape_cast %get3A_179 : vector<1x16xf32> to vector<16xf32>
        %add3A_181 = arith.addf %add3A_170, %get3A_180 : vector<16xf32>
        %mul3A_182 = arith.mulf %get3A_180, %get3A_180 : vector<16xf32>
        %add3A_183 = arith.addf %add3A_172, %mul3A_182 : vector<16xf32>
        %mul3A_184 = arith.constant 16 : i32
        %mul3A_185 = arith.muli %scan3A_67, %mul3A_184 : i32
        %add3A_186 = arith.constant 10 : i32
        %add3A_187 = arith.addi %mul3A_185, %add3A_186 : i32
        %get3A_188 = arith.index_cast %add3A_187 : i32 to index
        %get3A_189 = arith.index_cast %mul3A_78 : i32 to index
        %get3A_190 = tpu.vector_load %arg9[%get3A_188, %get3A_189] {strides = array<i32>} : memref<128x256xf32, #tpu.memory_space<vmem>>, vector<1x16xf32>,
        %get3A_191 = vector.shape_cast %get3A_190 : vector<1x16xf32> to vector<16xf32>
        %add3A_192 = arith.addf %add3A_181, %get3A_191 : vector<16xf32>
        %mul3A_193 = arith.mulf %get3A_191, %get3A_191 : vector<16xf32>
        %add3A_194 = arith.addf %add3A_183, %mul3A_193 : vector<16xf32>
        %mul3A_195 = arith.constant 16 : i32
        %mul3A_196 = arith.muli %scan3A_67, %mul3A_195 : i32
        %add3A_197 = arith.constant 11 : i32
        %add3A_198 = arith.addi %mul3A_196, %add3A_197 : i32
        %get3A_199 = arith.index_cast %add3A_198 : i32 to index
        %get3A_200 = arith.index_cast %mul3A_78 : i32 to index
        %get3A_201 = tpu.vector_load %arg9[%get3A_199, %get3A_200] {strides = array<i32>} : memref<128x256xf32, #tpu.memory_space<vmem>>, vector<1x16xf32>,
        %get3A_202 = vector.shape_cast %get3A_201 : vector<1x16xf32> to vector<16xf32>
        %add3A_203 = arith.addf %add3A_192, %get3A_202 : vector<16xf32>
        %mul3A_204 = arith.mulf %get3A_202, %get3A_202 : vector<16xf32>
        %add3A_205 = arith.addf %add3A_194, %mul3A_204 : vector<16xf32>
        %mul3A_206 = arith.constant 16 : i32
        %mul3A_207 = arith.muli %scan3A_67, %mul3A_206 : i32
        %add3A_208 = arith.constant 12 : i32
        %add3A_209 = arith.addi %mul3A_207, %add3A_208 : i32
        %get3A_210 = arith.index_cast %add3A_209 : i32 to index
        %get3A_211 = arith.index_cast %mul3A_78 : i32 to index
        %get3A_212 = tpu.vector_load %arg9[%get3A_210, %get3A_211] {strides = array<i32>} : memref<128x256xf32, #tpu.memory_space<vmem>>, vector<1x16xf32>,
        %get3A_213 = vector.shape_cast %get3A_212 : vector<1x16xf32> to vector<16xf32>
        %add3A_214 = arith.addf %add3A_203, %get3A_213 : vector<16xf32>
        %mul3A_215 = arith.mulf %get3A_213, %get3A_213 : vector<16xf32>
        %add3A_216 = arith.addf %add3A_205, %mul3A_215 : vector<16xf32>
        %mul3A_217 = arith.constant 16 : i32
        %mul3A_218 = arith.muli %scan3A_67, %mul3A_217 : i32
        %add3A_219 = arith.constant 13 : i32
        %add3A_220 = arith.addi %mul3A_218, %add3A_219 : i32
        %get3A_221 = arith.index_cast %add3A_220 : i32 to index
        %get3A_222 = arith.index_cast %mul3A_78 : i32 to index
        %get3A_223 = tpu.vector_load %arg9[%get3A_221, %get3A_222] {strides = array<i32>} : memref<128x256xf32, #tpu.memory_space<vmem>>, vector<1x16xf32>,
        %get3A_224 = vector.shape_cast %get3A_223 : vector<1x16xf32> to vector<16xf32>
        %add3A_225 = arith.addf %add3A_214, %get3A_224 : vector<16xf32>
        %mul3A_226 = arith.mulf %get3A_224, %get3A_224 : vector<16xf32>
        %add3A_227 = arith.addf %add3A_216, %mul3A_226 : vector<16xf32>
        %mul3A_228 = arith.constant 16 : i32
        %mul3A_229 = arith.muli %scan3A_67, %mul3A_228 : i32
        %add3A_230 = arith.constant 14 : i32
        %add3A_231 = arith.addi %mul3A_229, %add3A_230 : i32
        %get3A_232 = arith.index_cast %add3A_231 : i32 to index
        %get3A_233 = arith.index_cast %mul3A_78 : i32 to index
        %get3A_234 = tpu.vector_load %arg9[%get3A_232, %get3A_233] {strides = array<i32>} : memref<128x256xf32, #tpu.memory_space<vmem>>, vector<1x16xf32>,
        %get3A_235 = vector.shape_cast %get3A_234 : vector<1x16xf32> to vector<16xf32>
        %add3A_236 = arith.addf %add3A_225, %get3A_235 : vector<16xf32>
        %mul3A_237 = arith.mulf %get3A_235, %get3A_235 : vector<16xf32>
        %add3A_238 = arith.addf %add3A_227, %mul3A_237 : vector<16xf32>
        %mul3A_239 = arith.constant 16 : i32
        %mul3A_240 = arith.muli %scan3A_67, %mul3A_239 : i32
        %add3A_241 = arith.constant 15 : i32
        %add3A_242 = arith.addi %mul3A_240, %add3A_241 : i32
        %get3A_243 = arith.index_cast %add3A_242 : i32 to index
        %get3A_244 = arith.index_cast %mul3A_78 : i32 to index
        %get3A_245 = tpu.vector_load %arg9[%get3A_243, %get3A_244] {strides = array<i32>} : memref<128x256xf32, #tpu.memory_space<vmem>>, vector<1x16xf32>,
        %get3A_246 = vector.shape_cast %get3A_245 : vector<1x16xf32> to vector<16xf32>
        %add3A_247 = arith.addf %add3A_236, %get3A_246 : vector<16xf32>
        %mul3A_248 = arith.mulf %get3A_246, %get3A_246 : vector<16xf32>
        %add3A_249 = arith.addf %add3A_238, %mul3A_248 : vector<16xf32>
        %get3A_250 = arith.index_cast %add3A_69 : i32 to index
        %get3A_251 = arith.index_cast %mul3A_78 : i32 to index
        %get3A_252 = tpu.vector_load %arg8[%get3A_250, %get3A_251] {strides = array<i32>} : memref<128x256xf32, #tpu.memory_space<vmem>>, vector<1x16xf32>,
        %get3A_253 = vector.shape_cast %get3A_252 : vector<1x16xf32> to vector<16xf32>
        %get3A_254 = arith.constant 0 : i32
        %get3A_255 = arith.index_cast %get3A_254 : i32 to index
        %get3A_256 = arith.index_cast %mul3A_78 : i32 to index
        %get3A_257 = tpu.vector_load %arg11[%get3A_255, %get3A_256] {strides = array<i32>} : memref<4x256xf32, #tpu.memory_space<vmem>>, vector<1x16xf32>,
        %get3A_258 = vector.shape_cast %get3A_257 : vector<1x16xf32> to vector<16xf32>
        %add3A_259 = arith.addf %get3A_258, %add3A_247 : vector<16xf32>
        %swap3A = arith.constant 0 : i32
        %swap3A_260 = arith.index_cast %swap3A : i32 to index
        %swap3A_261 = arith.index_cast %mul3A_78 : i32 to index
        %swap3A_262 = tpu.vector_load %arg11[%swap3A_260, %swap3A_261] {strides = array<i32>} : memref<4x256xf32, #tpu.memory_space<vmem>>, vector<1x16xf32>,
        %swap3A_263 = vector.shape_cast %swap3A_262 : vector<1x16xf32> to vector<16xf32>
        %swap3A_264 = vector.shape_cast %add3A_259 : vector<16xf32> to vector<1x16xf32>
        tpu.vector_store %arg11[%swap3A_260, %swap3A_261], %swap3A_264 {strides = array<i32>} : memref<4x256xf32, #tpu.memory_space<vmem>>, vector<1x16xf32>,
        %get3A_265 = arith.constant 1 : i32
        %get3A_266 = arith.index_cast %get3A_265 : i32 to index
        %get3A_267 = arith.index_cast %mul3A_78 : i32 to index
        %get3A_268 = tpu.vector_load %arg11[%get3A_266, %get3A_267] {strides = array<i32>} : memref<4x256xf32, #tpu.memory_space<vmem>>, vector<1x16xf32>,
        %get3A_269 = vector.shape_cast %get3A_268 : vector<1x16xf32> to vector<16xf32>
        %add3A_270 = arith.addf %get3A_269, %add3A_249 : vector<16xf32>
        %swap3A_271 = arith.constant 1 : i32
        %swap3A_272 = arith.index_cast %swap3A_271 : i32 to index
        %swap3A_273 = arith.index_cast %mul3A_78 : i32 to index
        %swap3A_274 = tpu.vector_load %arg11[%swap3A_272, %swap3A_273] {strides = array<i32>} : memref<4x256xf32, #tpu.memory_space<vmem>>, vector<1x16xf32>,
        %swap3A_275 = vector.shape_cast %swap3A_274 : vector<1x16xf32> to vector<16xf32>
        %swap3A_276 = vector.shape_cast %add3A_270 : vector<16xf32> to vector<1x16xf32>
        tpu.vector_store %arg11[%swap3A_272, %swap3A_273], %swap3A_276 {strides = array<i32>} : memref<4x256xf32, #tpu.memory_space<vmem>>, vector<1x16xf32>,
        %get3A_277 = arith.constant 2 : i32
        %get3A_278 = arith.index_cast %get3A_277 : i32 to index
        %get3A_279 = arith.index_cast %mul3A_78 : i32 to index
        %get3A_280 = tpu.vector_load %arg11[%get3A_278, %get3A_279] {strides = array<i32>} : memref<4x256xf32, #tpu.memory_space<vmem>>, vector<1x16xf32>,
        %get3A_281 = vector.shape_cast %get3A_280 : vector<1x16xf32> to vector<16xf32>
        %mul3A_282 = arith.mulf %get3A_253, %add3A_247 : vector<16xf32>
        %add3A_283 = arith.addf %get3A_281, %mul3A_282 : vector<16xf32>
        %swap3A_284 = arith.constant 2 : i32
        %swap3A_285 = arith.index_cast %swap3A_284 : i32 to index
        %swap3A_286 = arith.index_cast %mul3A_78 : i32 to index
        %swap3A_287 = tpu.vector_load %arg11[%swap3A_285, %swap3A_286] {strides = array<i32>} : memref<4x256xf32, #tpu.memory_space<vmem>>, vector<1x16xf32>,
        %swap3A_288 = vector.shape_cast %swap3A_287 : vector<1x16xf32> to vector<16xf32>
        %swap3A_289 = vector.shape_cast %add3A_283 : vector<16xf32> to vector<1x16xf32>
        tpu.vector_store %arg11[%swap3A_285, %swap3A_286], %swap3A_289 {strides = array<i32>} : memref<4x256xf32, #tpu.memory_space<vmem>>, vector<1x16xf32>,
      }
      %scan3A_75 = arith.constant 16 : i32
    }
    %scan3A_41 = arith.constant 8 : i32
    %dma_wait3A_42 = arith.constant 0 : i32
    %dma_wait3A_43 = tpu.memref_slice %arg5[%add3A_31, %dma_wait3A_42] : memref<65536x256xf32, #tpu.memory_space<hbm>> -> memref<128x256xf32, #tpu.memory_space<hbm>>
    %dma_wait3A_44 = arith.constant 0 : i32
    %dma_wait3A_45 = tpu.memref_slice %arg5[%add3A_31, %dma_wait3A_44] : memref<65536x256xf32, #tpu.memory_space<hbm>> -> memref<128x256xf32, #tpu.memory_space<hbm>>
    tpu.wait_dma2 semaphore(%arg14 : memref<!tpu.dma_semaphore, #tpu.memory_space<semaphore_mem>>) src(%arg9 : memref<128x256xf32, #tpu.memory_space<vmem>>) dst(%dma_wait3A_45 : memref<128x256xf32, #tpu.memory_space<hbm>>)
    %dma_wait3A_46 = arith.constant 1920 : i32
    %dma_wait3A_47 = tpu.memref_slice %arg7[%dma_wait3A_46] : memref<2048xi32, #tpu.memory_space<vmem>> -> memref<128xi32, #tpu.memory_space<vmem>>
    %dma_wait3A_48 = arith.constant 0 : i32
    %dma_wait3A_49 = arith.constant 0 : i32
    %dma_wait3A_50 = tpu.memref_slice %arg2[%dma_wait3A_48, %dma_wait3A_49] : memref<4096x256xf32, #tpu.memory_space<hbm>> -> memref<4096x256xf32, #tpu.memory_space<hbm>>
    tpu.wait_indirect_dma semaphore(%arg13 : memref<!tpu.dma_semaphore, #tpu.memory_space<semaphore_mem>>) src(%dma_wait3A_50 : memref<4096x256xf32, #tpu.memory_space<hbm>>) dst(%arg10 : memref<128x256xf32, #tpu.memory_space<vmem>>)
    %add3A_51 = arith.constant 1920 : i32
    %add3A_52 = arith.addi %mul3A_2, %add3A_51 : i32
    %dma_start3A_53 = arith.constant 0 : i32
    %dma_start3A_54 = tpu.memref_slice %arg5[%add3A_52, %dma_start3A_53] : memref<65536x256xf32, #tpu.memory_space<hbm>> -> memref<128x256xf32, #tpu.memory_space<hbm>>
    %dma_start3A_55 = arith.constant 0 : i32
    %dma_start3A_56 = tpu.memref_slice %arg5[%add3A_52, %dma_start3A_55] : memref<65536x256xf32, #tpu.memory_space<hbm>> -> memref<128x256xf32, #tpu.memory_space<hbm>>
    tpu.enqueue_dma source(%arg10 : memref<128x256xf32, #tpu.memory_space<vmem>>) target(%dma_start3A_56 : memref<128x256xf32, #tpu.memory_space<hbm>>) target_semaphore(%arg15 : memref<!tpu.dma_semaphore, #tpu.memory_space<semaphore_mem>>)
    %scan3A_57 = arith.constant 0 : i32
    %scan3A_58 = arith.constant 0 : i32
    %scan3A_59 = arith.constant 8 : i32
    %scan3A_60 = arith.addi %scan3A_58, %scan3A_59 : i32
    %scan3A_61 = arith.constant 1 : i32
    scf.for %scan3A_67 = %scan3A_58 to %scan3A_60 step %scan3A_61  : i32 {
      %add3A_68 = arith.constant 120 : i32
      %add3A_69 = arith.addi %add3A_68, %scan3A_67 : i32
      %scan3A_70 = arith.constant 0 : i32
      %scan3A_71 = arith.constant 0 : i32
      %scan3A_72 = arith.constant 16 : i32
      %scan3A_73 = arith.addi %scan3A_71, %scan3A_72 : i32
      %scan3A_74 = arith.constant 1 : i32
      scf.for %scan3A_76 = %scan3A_71 to %scan3A_73 step %scan3A_74  : i32 {
        %mul3A_77 = arith.constant 16 : i32
        %mul3A_78 = arith.muli %scan3A_76, %mul3A_77 : i32
        %mul3A_79 = arith.constant 16 : i32
        %mul3A_80 = arith.muli %scan3A_67, %mul3A_79 : i32
        %get3A = arith.index_cast %mul3A_80 : i32 to index
        %get3A_81 = arith.index_cast %mul3A_78 : i32 to index
        %get3A_82 = tpu.vector_load %arg10[%get3A, %get3A_81] {strides = array<i32>} : memref<128x256xf32, #tpu.memory_space<vmem>>, vector<1x16xf32>,
        %get3A_83 = vector.shape_cast %get3A_82 : vector<1x16xf32> to vector<16xf32>
        %mul3A_84 = arith.mulf %get3A_83, %get3A_83 : vector<16xf32>
        %mul3A_85 = arith.constant 16 : i32
        %mul3A_86 = arith.muli %scan3A_67, %mul3A_85 : i32
        %add3A_87 = arith.constant 1 : i32
        %add3A_88 = arith.addi %mul3A_86, %add3A_87 : i32
        %get3A_89 = arith.index_cast %add3A_88 : i32 to index
        %get3A_90 = arith.index_cast %mul3A_78 : i32 to index
        %get3A_91 = tpu.vector_load %arg10[%get3A_89, %get3A_90] {strides = array<i32>} : memref<128x256xf32, #tpu.memory_space<vmem>>, vector<1x16xf32>,
        %get3A_92 = vector.shape_cast %get3A_91 : vector<1x16xf32> to vector<16xf32>
        %add3A_93 = arith.addf %get3A_83, %get3A_92 : vector<16xf32>
        %mul3A_94 = arith.mulf %get3A_92, %get3A_92 : vector<16xf32>
        %add3A_95 = arith.addf %mul3A_84, %mul3A_94 : vector<16xf32>
        %mul3A_96 = arith.constant 16 : i32
        %mul3A_97 = arith.muli %scan3A_67, %mul3A_96 : i32
        %add3A_98 = arith.constant 2 : i32
        %add3A_99 = arith.addi %mul3A_97, %add3A_98 : i32
        %get3A_100 = arith.index_cast %add3A_99 : i32 to index
        %get3A_101 = arith.index_cast %mul3A_78 : i32 to index
        %get3A_102 = tpu.vector_load %arg10[%get3A_100, %get3A_101] {strides = array<i32>} : memref<128x256xf32, #tpu.memory_space<vmem>>, vector<1x16xf32>,
        %get3A_103 = vector.shape_cast %get3A_102 : vector<1x16xf32> to vector<16xf32>
        %add3A_104 = arith.addf %add3A_93, %get3A_103 : vector<16xf32>
        %mul3A_105 = arith.mulf %get3A_103, %get3A_103 : vector<16xf32>
        %add3A_106 = arith.addf %add3A_95, %mul3A_105 : vector<16xf32>
        %mul3A_107 = arith.constant 16 : i32
        %mul3A_108 = arith.muli %scan3A_67, %mul3A_107 : i32
        %add3A_109 = arith.constant 3 : i32
        %add3A_110 = arith.addi %mul3A_108, %add3A_109 : i32
        %get3A_111 = arith.index_cast %add3A_110 : i32 to index
        %get3A_112 = arith.index_cast %mul3A_78 : i32 to index
        %get3A_113 = tpu.vector_load %arg10[%get3A_111, %get3A_112] {strides = array<i32>} : memref<128x256xf32, #tpu.memory_space<vmem>>, vector<1x16xf32>,
        %get3A_114 = vector.shape_cast %get3A_113 : vector<1x16xf32> to vector<16xf32>
        %add3A_115 = arith.addf %add3A_104, %get3A_114 : vector<16xf32>
        %mul3A_116 = arith.mulf %get3A_114, %get3A_114 : vector<16xf32>
        %add3A_117 = arith.addf %add3A_106, %mul3A_116 : vector<16xf32>
        %mul3A_118 = arith.constant 16 : i32
        %mul3A_119 = arith.muli %scan3A_67, %mul3A_118 : i32
        %add3A_120 = arith.constant 4 : i32
        %add3A_121 = arith.addi %mul3A_119, %add3A_120 : i32
        %get3A_122 = arith.index_cast %add3A_121 : i32 to index
        %get3A_123 = arith.index_cast %mul3A_78 : i32 to index
        %get3A_124 = tpu.vector_load %arg10[%get3A_122, %get3A_123] {strides = array<i32>} : memref<128x256xf32, #tpu.memory_space<vmem>>, vector<1x16xf32>,
        %get3A_125 = vector.shape_cast %get3A_124 : vector<1x16xf32> to vector<16xf32>
        %add3A_126 = arith.addf %add3A_115, %get3A_125 : vector<16xf32>
        %mul3A_127 = arith.mulf %get3A_125, %get3A_125 : vector<16xf32>
        %add3A_128 = arith.addf %add3A_117, %mul3A_127 : vector<16xf32>
        %mul3A_129 = arith.constant 16 : i32
        %mul3A_130 = arith.muli %scan3A_67, %mul3A_129 : i32
        %add3A_131 = arith.constant 5 : i32
        %add3A_132 = arith.addi %mul3A_130, %add3A_131 : i32
        %get3A_133 = arith.index_cast %add3A_132 : i32 to index
        %get3A_134 = arith.index_cast %mul3A_78 : i32 to index
        %get3A_135 = tpu.vector_load %arg10[%get3A_133, %get3A_134] {strides = array<i32>} : memref<128x256xf32, #tpu.memory_space<vmem>>, vector<1x16xf32>,
        %get3A_136 = vector.shape_cast %get3A_135 : vector<1x16xf32> to vector<16xf32>
        %add3A_137 = arith.addf %add3A_126, %get3A_136 : vector<16xf32>
        %mul3A_138 = arith.mulf %get3A_136, %get3A_136 : vector<16xf32>
        %add3A_139 = arith.addf %add3A_128, %mul3A_138 : vector<16xf32>
        %mul3A_140 = arith.constant 16 : i32
        %mul3A_141 = arith.muli %scan3A_67, %mul3A_140 : i32
        %add3A_142 = arith.constant 6 : i32
        %add3A_143 = arith.addi %mul3A_141, %add3A_142 : i32
        %get3A_144 = arith.index_cast %add3A_143 : i32 to index
        %get3A_145 = arith.index_cast %mul3A_78 : i32 to index
        %get3A_146 = tpu.vector_load %arg10[%get3A_144, %get3A_145] {strides = array<i32>} : memref<128x256xf32, #tpu.memory_space<vmem>>, vector<1x16xf32>,
        %get3A_147 = vector.shape_cast %get3A_146 : vector<1x16xf32> to vector<16xf32>
        %add3A_148 = arith.addf %add3A_137, %get3A_147 : vector<16xf32>
        %mul3A_149 = arith.mulf %get3A_147, %get3A_147 : vector<16xf32>
        %add3A_150 = arith.addf %add3A_139, %mul3A_149 : vector<16xf32>
        %mul3A_151 = arith.constant 16 : i32
        %mul3A_152 = arith.muli %scan3A_67, %mul3A_151 : i32
        %add3A_153 = arith.constant 7 : i32
        %add3A_154 = arith.addi %mul3A_152, %add3A_153 : i32
        %get3A_155 = arith.index_cast %add3A_154 : i32 to index
        %get3A_156 = arith.index_cast %mul3A_78 : i32 to index
        %get3A_157 = tpu.vector_load %arg10[%get3A_155, %get3A_156] {strides = array<i32>} : memref<128x256xf32, #tpu.memory_space<vmem>>, vector<1x16xf32>,
        %get3A_158 = vector.shape_cast %get3A_157 : vector<1x16xf32> to vector<16xf32>
        %add3A_159 = arith.addf %add3A_148, %get3A_158 : vector<16xf32>
        %mul3A_160 = arith.mulf %get3A_158, %get3A_158 : vector<16xf32>
        %add3A_161 = arith.addf %add3A_150, %mul3A_160 : vector<16xf32>
        %mul3A_162 = arith.constant 16 : i32
        %mul3A_163 = arith.muli %scan3A_67, %mul3A_162 : i32
        %add3A_164 = arith.constant 8 : i32
        %add3A_165 = arith.addi %mul3A_163, %add3A_164 : i32
        %get3A_166 = arith.index_cast %add3A_165 : i32 to index
        %get3A_167 = arith.index_cast %mul3A_78 : i32 to index
        %get3A_168 = tpu.vector_load %arg10[%get3A_166, %get3A_167] {strides = array<i32>} : memref<128x256xf32, #tpu.memory_space<vmem>>, vector<1x16xf32>,
        %get3A_169 = vector.shape_cast %get3A_168 : vector<1x16xf32> to vector<16xf32>
        %add3A_170 = arith.addf %add3A_159, %get3A_169 : vector<16xf32>
        %mul3A_171 = arith.mulf %get3A_169, %get3A_169 : vector<16xf32>
        %add3A_172 = arith.addf %add3A_161, %mul3A_171 : vector<16xf32>
        %mul3A_173 = arith.constant 16 : i32
        %mul3A_174 = arith.muli %scan3A_67, %mul3A_173 : i32
        %add3A_175 = arith.constant 9 : i32
        %add3A_176 = arith.addi %mul3A_174, %add3A_175 : i32
        %get3A_177 = arith.index_cast %add3A_176 : i32 to index
        %get3A_178 = arith.index_cast %mul3A_78 : i32 to index
        %get3A_179 = tpu.vector_load %arg10[%get3A_177, %get3A_178] {strides = array<i32>} : memref<128x256xf32, #tpu.memory_space<vmem>>, vector<1x16xf32>,
        %get3A_180 = vector.shape_cast %get3A_179 : vector<1x16xf32> to vector<16xf32>
        %add3A_181 = arith.addf %add3A_170, %get3A_180 : vector<16xf32>
        %mul3A_182 = arith.mulf %get3A_180, %get3A_180 : vector<16xf32>
        %add3A_183 = arith.addf %add3A_172, %mul3A_182 : vector<16xf32>
        %mul3A_184 = arith.constant 16 : i32
        %mul3A_185 = arith.muli %scan3A_67, %mul3A_184 : i32
        %add3A_186 = arith.constant 10 : i32
        %add3A_187 = arith.addi %mul3A_185, %add3A_186 : i32
        %get3A_188 = arith.index_cast %add3A_187 : i32 to index
        %get3A_189 = arith.index_cast %mul3A_78 : i32 to index
        %get3A_190 = tpu.vector_load %arg10[%get3A_188, %get3A_189] {strides = array<i32>} : memref<128x256xf32, #tpu.memory_space<vmem>>, vector<1x16xf32>,
        %get3A_191 = vector.shape_cast %get3A_190 : vector<1x16xf32> to vector<16xf32>
        %add3A_192 = arith.addf %add3A_181, %get3A_191 : vector<16xf32>
        %mul3A_193 = arith.mulf %get3A_191, %get3A_191 : vector<16xf32>
        %add3A_194 = arith.addf %add3A_183, %mul3A_193 : vector<16xf32>
        %mul3A_195 = arith.constant 16 : i32
        %mul3A_196 = arith.muli %scan3A_67, %mul3A_195 : i32
        %add3A_197 = arith.constant 11 : i32
        %add3A_198 = arith.addi %mul3A_196, %add3A_197 : i32
        %get3A_199 = arith.index_cast %add3A_198 : i32 to index
        %get3A_200 = arith.index_cast %mul3A_78 : i32 to index
        %get3A_201 = tpu.vector_load %arg10[%get3A_199, %get3A_200] {strides = array<i32>} : memref<128x256xf32, #tpu.memory_space<vmem>>, vector<1x16xf32>,
        %get3A_202 = vector.shape_cast %get3A_201 : vector<1x16xf32> to vector<16xf32>
        %add3A_203 = arith.addf %add3A_192, %get3A_202 : vector<16xf32>
        %mul3A_204 = arith.mulf %get3A_202, %get3A_202 : vector<16xf32>
        %add3A_205 = arith.addf %add3A_194, %mul3A_204 : vector<16xf32>
        %mul3A_206 = arith.constant 16 : i32
        %mul3A_207 = arith.muli %scan3A_67, %mul3A_206 : i32
        %add3A_208 = arith.constant 12 : i32
        %add3A_209 = arith.addi %mul3A_207, %add3A_208 : i32
        %get3A_210 = arith.index_cast %add3A_209 : i32 to index
        %get3A_211 = arith.index_cast %mul3A_78 : i32 to index
        %get3A_212 = tpu.vector_load %arg10[%get3A_210, %get3A_211] {strides = array<i32>} : memref<128x256xf32, #tpu.memory_space<vmem>>, vector<1x16xf32>,
        %get3A_213 = vector.shape_cast %get3A_212 : vector<1x16xf32> to vector<16xf32>
        %add3A_214 = arith.addf %add3A_203, %get3A_213 : vector<16xf32>
        %mul3A_215 = arith.mulf %get3A_213, %get3A_213 : vector<16xf32>
        %add3A_216 = arith.addf %add3A_205, %mul3A_215 : vector<16xf32>
        %mul3A_217 = arith.constant 16 : i32
        %mul3A_218 = arith.muli %scan3A_67, %mul3A_217 : i32
        %add3A_219 = arith.constant 13 : i32
        %add3A_220 = arith.addi %mul3A_218, %add3A_219 : i32
        %get3A_221 = arith.index_cast %add3A_220 : i32 to index
        %get3A_222 = arith.index_cast %mul3A_78 : i32 to index
        %get3A_223 = tpu.vector_load %arg10[%get3A_221, %get3A_222] {strides = array<i32>} : memref<128x256xf32, #tpu.memory_space<vmem>>, vector<1x16xf32>,
        %get3A_224 = vector.shape_cast %get3A_223 : vector<1x16xf32> to vector<16xf32>
        %add3A_225 = arith.addf %add3A_214, %get3A_224 : vector<16xf32>
        %mul3A_226 = arith.mulf %get3A_224, %get3A_224 : vector<16xf32>
        %add3A_227 = arith.addf %add3A_216, %mul3A_226 : vector<16xf32>
        %mul3A_228 = arith.constant 16 : i32
        %mul3A_229 = arith.muli %scan3A_67, %mul3A_228 : i32
        %add3A_230 = arith.constant 14 : i32
        %add3A_231 = arith.addi %mul3A_229, %add3A_230 : i32
        %get3A_232 = arith.index_cast %add3A_231 : i32 to index
        %get3A_233 = arith.index_cast %mul3A_78 : i32 to index
        %get3A_234 = tpu.vector_load %arg10[%get3A_232, %get3A_233] {strides = array<i32>} : memref<128x256xf32, #tpu.memory_space<vmem>>, vector<1x16xf32>,
        %get3A_235 = vector.shape_cast %get3A_234 : vector<1x16xf32> to vector<16xf32>
        %add3A_236 = arith.addf %add3A_225, %get3A_235 : vector<16xf32>
        %mul3A_237 = arith.mulf %get3A_235, %get3A_235 : vector<16xf32>
        %add3A_238 = arith.addf %add3A_227, %mul3A_237 : vector<16xf32>
        %mul3A_239 = arith.constant 16 : i32
        %mul3A_240 = arith.muli %scan3A_67, %mul3A_239 : i32
        %add3A_241 = arith.constant 15 : i32
        %add3A_242 = arith.addi %mul3A_240, %add3A_241 : i32
        %get3A_243 = arith.index_cast %add3A_242 : i32 to index
        %get3A_244 = arith.index_cast %mul3A_78 : i32 to index
        %get3A_245 = tpu.vector_load %arg10[%get3A_243, %get3A_244] {strides = array<i32>} : memref<128x256xf32, #tpu.memory_space<vmem>>, vector<1x16xf32>,
        %get3A_246 = vector.shape_cast %get3A_245 : vector<1x16xf32> to vector<16xf32>
        %add3A_247 = arith.addf %add3A_236, %get3A_246 : vector<16xf32>
        %mul3A_248 = arith.mulf %get3A_246, %get3A_246 : vector<16xf32>
        %add3A_249 = arith.addf %add3A_238, %mul3A_248 : vector<16xf32>
        %get3A_250 = arith.index_cast %add3A_69 : i32 to index
        %get3A_251 = arith.index_cast %mul3A_78 : i32 to index
        %get3A_252 = tpu.vector_load %arg8[%get3A_250, %get3A_251] {strides = array<i32>} : memref<128x256xf32, #tpu.memory_space<vmem>>, vector<1x16xf32>,
        %get3A_253 = vector.shape_cast %get3A_252 : vector<1x16xf32> to vector<16xf32>
        %get3A_254 = arith.constant 0 : i32
        %get3A_255 = arith.index_cast %get3A_254 : i32 to index
        %get3A_256 = arith.index_cast %mul3A_78 : i32 to index
        %get3A_257 = tpu.vector_load %arg11[%get3A_255, %get3A_256] {strides = array<i32>} : memref<4x256xf32, #tpu.memory_space<vmem>>, vector<1x16xf32>,
        %get3A_258 = vector.shape_cast %get3A_257 : vector<1x16xf32> to vector<16xf32>
        %add3A_259 = arith.addf %get3A_258, %add3A_247 : vector<16xf32>
        %swap3A = arith.constant 0 : i32
        %swap3A_260 = arith.index_cast %swap3A : i32 to index
        %swap3A_261 = arith.index_cast %mul3A_78 : i32 to index
        %swap3A_262 = tpu.vector_load %arg11[%swap3A_260, %swap3A_261] {strides = array<i32>} : memref<4x256xf32, #tpu.memory_space<vmem>>, vector<1x16xf32>,
        %swap3A_263 = vector.shape_cast %swap3A_262 : vector<1x16xf32> to vector<16xf32>
        %swap3A_264 = vector.shape_cast %add3A_259 : vector<16xf32> to vector<1x16xf32>
        tpu.vector_store %arg11[%swap3A_260, %swap3A_261], %swap3A_264 {strides = array<i32>} : memref<4x256xf32, #tpu.memory_space<vmem>>, vector<1x16xf32>,
        %get3A_265 = arith.constant 1 : i32
        %get3A_266 = arith.index_cast %get3A_265 : i32 to index
        %get3A_267 = arith.index_cast %mul3A_78 : i32 to index
        %get3A_268 = tpu.vector_load %arg11[%get3A_266, %get3A_267] {strides = array<i32>} : memref<4x256xf32, #tpu.memory_space<vmem>>, vector<1x16xf32>,
        %get3A_269 = vector.shape_cast %get3A_268 : vector<1x16xf32> to vector<16xf32>
        %add3A_270 = arith.addf %get3A_269, %add3A_249 : vector<16xf32>
        %swap3A_271 = arith.constant 1 : i32
        %swap3A_272 = arith.index_cast %swap3A_271 : i32 to index
        %swap3A_273 = arith.index_cast %mul3A_78 : i32 to index
        %swap3A_274 = tpu.vector_load %arg11[%swap3A_272, %swap3A_273] {strides = array<i32>} : memref<4x256xf32, #tpu.memory_space<vmem>>, vector<1x16xf32>,
        %swap3A_275 = vector.shape_cast %swap3A_274 : vector<1x16xf32> to vector<16xf32>
        %swap3A_276 = vector.shape_cast %add3A_270 : vector<16xf32> to vector<1x16xf32>
        tpu.vector_store %arg11[%swap3A_272, %swap3A_273], %swap3A_276 {strides = array<i32>} : memref<4x256xf32, #tpu.memory_space<vmem>>, vector<1x16xf32>,
        %get3A_277 = arith.constant 2 : i32
        %get3A_278 = arith.index_cast %get3A_277 : i32 to index
        %get3A_279 = arith.index_cast %mul3A_78 : i32 to index
        %get3A_280 = tpu.vector_load %arg11[%get3A_278, %get3A_279] {strides = array<i32>} : memref<4x256xf32, #tpu.memory_space<vmem>>, vector<1x16xf32>,
        %get3A_281 = vector.shape_cast %get3A_280 : vector<1x16xf32> to vector<16xf32>
        %mul3A_282 = arith.mulf %get3A_253, %add3A_247 : vector<16xf32>
        %add3A_283 = arith.addf %get3A_281, %mul3A_282 : vector<16xf32>
        %swap3A_284 = arith.constant 2 : i32
        %swap3A_285 = arith.index_cast %swap3A_284 : i32 to index
        %swap3A_286 = arith.index_cast %mul3A_78 : i32 to index
        %swap3A_287 = tpu.vector_load %arg11[%swap3A_285, %swap3A_286] {strides = array<i32>} : memref<4x256xf32, #tpu.memory_space<vmem>>, vector<1x16xf32>,
        %swap3A_288 = vector.shape_cast %swap3A_287 : vector<1x16xf32> to vector<16xf32>
        %swap3A_289 = vector.shape_cast %add3A_283 : vector<16xf32> to vector<1x16xf32>
        tpu.vector_store %arg11[%swap3A_285, %swap3A_286], %swap3A_289 {strides = array<i32>} : memref<4x256xf32, #tpu.memory_space<vmem>>, vector<1x16xf32>,
      }
      %scan3A_75 = arith.constant 16 : i32
    }
    %scan3A_62 = arith.constant 8 : i32
    %dma_wait3A_63 = arith.constant 0 : i32
    %dma_wait3A_64 = tpu.memref_slice %arg5[%add3A_52, %dma_wait3A_63] : memref<65536x256xf32, #tpu.memory_space<hbm>> -> memref<128x256xf32, #tpu.memory_space<hbm>>
    %dma_wait3A_65 = arith.constant 0 : i32
    %dma_wait3A_66 = tpu.memref_slice %arg5[%add3A_52, %dma_wait3A_65] : memref<65536x256xf32, #tpu.memory_space<hbm>> -> memref<128x256xf32, #tpu.memory_space<hbm>>
    tpu.wait_dma2 semaphore(%arg15 : memref<!tpu.dma_semaphore, #tpu.memory_space<semaphore_mem>>) src(%arg10 : memref<128x256xf32, #tpu.memory_space<vmem>>) dst(%dma_wait3A_66 : memref<128x256xf32, #tpu.memory_space<hbm>>)
    "tpu.region"() ({
      %run_scoped3A = tpu.sem_alloc : memref<!tpu.dma_semaphore, #tpu.memory_space<semaphore_mem>>
      %dma_start3A_67 = arith.constant 0 : i32
      %dma_start3A_68 = arith.constant 0 : i32
      %dma_start3A_69 = tpu.memref_slice %arg6[%add3A, %dma_start3A_67, %dma_start3A_68] : memref<32x4x256xf32, #tpu.memory_space<hbm>> -> memref<1x4x256xf32, #tpu.memory_space<hbm>>
      %dma_start3A_70 = tpu.memref_squeeze %dma_start3A_69 : memref<1x4x256xf32, #tpu.memory_space<hbm>> -> memref<4x256xf32, #tpu.memory_space<hbm>>
      %dma_start3A_71 = arith.constant 0 : i32
      %dma_start3A_72 = arith.constant 0 : i32
      %dma_start3A_73 = tpu.memref_slice %arg6[%add3A, %dma_start3A_71, %dma_start3A_72] : memref<32x4x256xf32, #tpu.memory_space<hbm>> -> memref<1x4x256xf32, #tpu.memory_space<hbm>>
      %dma_start3A_74 = tpu.memref_squeeze %dma_start3A_73 : memref<1x4x256xf32, #tpu.memory_space<hbm>> -> memref<4x256xf32, #tpu.memory_space<hbm>>
      tpu.enqueue_dma source(%arg11 : memref<4x256xf32, #tpu.memory_space<vmem>>) target(%dma_start3A_74 : memref<4x256xf32, #tpu.memory_space<hbm>>) target_semaphore(%run_scoped3A : memref<!tpu.dma_semaphore, #tpu.memory_space<semaphore_mem>>)
      %dma_wait3A_75 = arith.constant 0 : i32
      %dma_wait3A_76 = arith.constant 0 : i32
      %dma_wait3A_77 = tpu.memref_slice %arg6[%add3A, %dma_wait3A_75, %dma_wait3A_76] : memref<32x4x256xf32, #tpu.memory_space<hbm>> -> memref<1x4x256xf32, #tpu.memory_space<hbm>>
      %dma_wait3A_78 = tpu.memref_squeeze %dma_wait3A_77 : memref<1x4x256xf32, #tpu.memory_space<hbm>> -> memref<4x256xf32, #tpu.memory_space<hbm>>
      %dma_wait3A_79 = arith.constant 0 : i32
      %dma_wait3A_80 = arith.constant 0 : i32
      %dma_wait3A_81 = tpu.memref_slice %arg6[%add3A, %dma_wait3A_79, %dma_wait3A_80] : memref<32x4x256xf32, #tpu.memory_space<hbm>> -> memref<1x4x256xf32, #tpu.memory_space<hbm>>
      %dma_wait3A_82 = tpu.memref_squeeze %dma_wait3A_81 : memref<1x4x256xf32, #tpu.memory_space<hbm>> -> memref<4x256xf32, #tpu.memory_space<hbm>>
      tpu.wait_dma2 semaphore(%run_scoped3A : memref<!tpu.dma_semaphore, #tpu.memory_space<semaphore_mem>>) src(%arg11 : memref<4x256xf32, #tpu.memory_space<vmem>>) dst(%dma_wait3A_82 : memref<4x256xf32, #tpu.memory_space<hbm>>)
      tpu.yield
    }) : () -> ()
    return
  }
}

module attributes {stable_mosaic.version = 14 : i64} {
  func.func @_knn_uv_body(%arg0: i32, %arg1: i32, %arg2: memref<1x256x1024xf32, #tpu.memory_space<vmem>>, %arg3: memref<1x256x256xf32, #tpu.memory_space<vmem>>, %arg4: memref<256x256xf32, #tpu.memory_space<vmem>>, %arg5: memref<256x256xf32, #tpu.memory_space<vmem>>, %arg6: memref<1x256xf32, #tpu.memory_space<vmem>>, %arg7: memref<1x256x16xi32, #tpu.memory_space<vmem>>, %arg8: memref<1x256x256xf32, #tpu.memory_space<vmem>>, %arg9: memref<1x256x256xf32, #tpu.memory_space<vmem>>, %arg10: memref<1x2x256xf32, #tpu.memory_space<vmem>>) attributes {dimension_semantics = [#tpu.dimension_semantics<arbitrary>, #tpu.dimension_semantics<arbitrary>], iteration_bounds = array<i64: 4, 4>, scalar_prefetch = 0 : i64, scratch_operands = 0 : i64, tpu.core_type = #tpu.core_type<tc>, window_params = [{transform_indices = @transform_0, window_bounds = array<i64: 1, 256, 1024>}, {transform_indices = @transform_1, window_bounds = array<i64: 1, 256, 256>}, {pipeline_mode = #tpu.pipeline_mode<synchronous>, transform_indices = @transform_2, window_bounds = array<i64: 256, 256>}, {pipeline_mode = #tpu.pipeline_mode<synchronous>, transform_indices = @transform_3, window_bounds = array<i64: 256, 256>}, {pipeline_mode = #tpu.pipeline_mode<synchronous>, transform_indices = @transform_4, window_bounds = array<i64: 1, 256>}, {transform_indices = @transform_5, window_bounds = array<i64: 1, 256, 16>}, {transform_indices = @transform_6, window_bounds = array<i64: 1, 256, 256>}, {transform_indices = @transform_7, window_bounds = array<i64: 1, 256, 256>}, {transform_indices = @transform_8, window_bounds = array<i64: 1, 2, 256>}]} {
    %get3A = arith.constant 0 : index
    %get3A_0 = arith.constant 0 : index
    %get3A_1 = arith.constant 0 : index
    %get3A_2 = vector.load %arg2[%get3A, %get3A_0, %get3A_1] : memref<1x256x1024xf32, #tpu.memory_space<vmem>>, vector<1x256x1024xf32>
    %get3A_3 = vector.shape_cast %get3A_2 : vector<1x256x1024xf32> to vector<256x1024xf32>
    %get3A_4 = arith.constant 0 : index
    %get3A_5 = arith.constant 0 : index
    %get3A_6 = arith.constant 0 : index
    %get3A_7 = vector.load %arg3[%get3A_4, %get3A_5, %get3A_6] : memref<1x256x256xf32, #tpu.memory_space<vmem>>, vector<1x256x256xf32>
    %get3A_8 = vector.shape_cast %get3A_7 : vector<1x256x256xf32> to vector<256x256xf32>
    %dot_general3A = arith.constant dense<0.000000e+00> : vector<256x1024xf32>
    %dot_general3A_9 = tpu.matmul %get3A_8, %get3A_3, %dot_general3A {dimension_numbers = #tpu.dot_dimension_numbers<[0], [0], [1], [1], [0, 1, 1, 1], [], []>, transpose_lhs_hint = false} : vector<256x256xf32>, vector<256x1024xf32>, vector<256x1024xf32> -> vector<256x1024xf32>
    %mul3A = arith.mulf %get3A_3, %get3A_3 : vector<256x1024xf32>
    %reduce_sum3A = arith.constant dense<0.000000e+00> : vector<1024xf32>
    %reduce_sum3A_10 = vector.multi_reduction <add>, %mul3A, %reduce_sum3A [0] : vector<256x1024xf32> to vector<1024xf32>
    %broadcast_in_dim3A = vector.shape_cast %reduce_sum3A_10 : vector<1024xf32> to vector<1x1024xf32>
    %mul3A_11 = arith.mulf %get3A_8, %get3A_8 : vector<256x256xf32>
    %reduce_sum3A_12 = arith.constant dense<0.000000e+00> : vector<256xf32>
    %reduce_sum3A_13 = vector.multi_reduction <add>, %mul3A_11, %reduce_sum3A_12 [0] : vector<256x256xf32> to vector<256xf32>
    %broadcast_in_dim3A_14 = vector.shape_cast %reduce_sum3A_13 : vector<256xf32> to vector<1x256xf32>
    %transpose3A = tpu.transpose %broadcast_in_dim3A_14, [1, 0] : vector<1x256xf32> -> vector<256x1xf32>
    %add3A = vector.broadcast %transpose3A : vector<256x1xf32> to vector<256x1024xf32>
    %add3A_15 = vector.broadcast %broadcast_in_dim3A : vector<1x1024xf32> to vector<256x1024xf32>
    %add3A_16 = arith.addf %add3A, %add3A_15 : vector<256x1024xf32>
    %mul3A_17 = arith.constant 2.000000e+00 : f32
    %mul3A_18 = vector.broadcast %mul3A_17 : f32 to vector<256x1024xf32>
    %mul3A_19 = arith.mulf %mul3A_18, %dot_general3A_9 : vector<256x1024xf32>
    %sub3A = arith.subf %add3A_16, %mul3A_19 : vector<256x1024xf32>
    %max3A = arith.constant 0.000000e+00 : f32
    %max3A_20 = vector.broadcast %max3A : f32 to vector<256x1024xf32>
    %max3A_21 = arith.maximumf %sub3A, %max3A_20 : vector<256x1024xf32>
    %neg3A = arith.constant 0.000000e+00 : f32
    %neg3A_22 = vector.broadcast %neg3A : f32 to vector<256x1024xf32>
    %neg3A_23 = arith.subf %neg3A_22, %max3A_21 : vector<256x1024xf32>
    %iota3A = tpu.iota {dimensions = array<i32: 1>} : vector<256x1024xi32>
    %reduce_max3A = arith.constant dense<0xFF800000> : vector<256xf32>
    %reduce_max3A_24 = vector.multi_reduction <maximumf>, %neg3A_23, %reduce_max3A [1] : vector<256x1024xf32> to vector<256xf32>
    %broadcast_in_dim3A_25 = vector.shape_cast %reduce_max3A_24 : vector<256xf32> to vector<256x1xf32>
    %eq3A = vector.broadcast %broadcast_in_dim3A_25 : vector<256x1xf32> to vector<256x1024xf32>
    %eq3A_26 = arith.cmpf oeq, %neg3A_23, %eq3A : vector<256x1024xf32>
    %jit3A = arith.constant 1024 : i32
    %broadcast_in_dim3A_27 = vector.broadcast %jit3A : i32 to vector<256x1024xi32>
    %select_n3A = arith.select %eq3A_26, %iota3A, %broadcast_in_dim3A_27 : vector<256x1024xi1>, vector<256x1024xi32>
    %reduce_min3A = arith.constant dense<2147483647> : vector<256xi32>
    %reduce_min3A_28 = vector.multi_reduction <minsi>, %select_n3A, %reduce_min3A [1] : vector<256x1024xi32> to vector<256xi32>
    %broadcast_in_dim3A_29 = vector.shape_cast %reduce_min3A_28 : vector<256xi32> to vector<256x1xi32>
    %eq3A_30 = vector.broadcast %broadcast_in_dim3A_29 : vector<256x1xi32> to vector<256x1024xi32>
    %eq3A_31 = arith.cmpi eq, %iota3A, %eq3A_30 : vector<256x1024xi32>
    %jit3A_32 = arith.constant 0xFF800000 : f32
    %broadcast_in_dim3A_33 = vector.broadcast %jit3A_32 : f32 to vector<256x1024xf32>
    %select_n3A_34 = arith.select %eq3A_31, %broadcast_in_dim3A_33, %neg3A_23 : vector<256x1024xi1>, vector<256x1024xf32>
    %reduce_max3A_35 = arith.constant dense<0xFF800000> : vector<256xf32>
    %reduce_max3A_36 = vector.multi_reduction <maximumf>, %select_n3A_34, %reduce_max3A_35 [1] : vector<256x1024xf32> to vector<256xf32>
    %broadcast_in_dim3A_37 = vector.shape_cast %reduce_max3A_36 : vector<256xf32> to vector<256x1xf32>
    %eq3A_38 = vector.broadcast %broadcast_in_dim3A_37 : vector<256x1xf32> to vector<256x1024xf32>
    %eq3A_39 = arith.cmpf oeq, %select_n3A_34, %eq3A_38 : vector<256x1024xf32>
    %jit3A_40 = arith.constant 1024 : i32
    %broadcast_in_dim3A_41 = vector.broadcast %jit3A_40 : i32 to vector<256x1024xi32>
    %select_n3A_42 = arith.select %eq3A_39, %iota3A, %broadcast_in_dim3A_41 : vector<256x1024xi1>, vector<256x1024xi32>
    %reduce_min3A_43 = arith.constant dense<2147483647> : vector<256xi32>
    %reduce_min3A_44 = vector.multi_reduction <minsi>, %select_n3A_42, %reduce_min3A_43 [1] : vector<256x1024xi32> to vector<256xi32>
    %broadcast_in_dim3A_45 = vector.shape_cast %reduce_min3A_44 : vector<256xi32> to vector<256x1xi32>
    %eq3A_46 = vector.broadcast %broadcast_in_dim3A_45 : vector<256x1xi32> to vector<256x1024xi32>
    %eq3A_47 = arith.cmpi eq, %iota3A, %eq3A_46 : vector<256x1024xi32>
    %jit3A_48 = arith.constant 0xFF800000 : f32
    %broadcast_in_dim3A_49 = vector.broadcast %jit3A_48 : f32 to vector<256x1024xf32>
    %select_n3A_50 = arith.select %eq3A_47, %broadcast_in_dim3A_49, %select_n3A_34 : vector<256x1024xi1>, vector<256x1024xf32>
    %reduce_max3A_51 = arith.constant dense<0xFF800000> : vector<256xf32>
    %reduce_max3A_52 = vector.multi_reduction <maximumf>, %select_n3A_50, %reduce_max3A_51 [1] : vector<256x1024xf32> to vector<256xf32>
    %broadcast_in_dim3A_53 = vector.shape_cast %reduce_max3A_52 : vector<256xf32> to vector<256x1xf32>
    %eq3A_54 = vector.broadcast %broadcast_in_dim3A_53 : vector<256x1xf32> to vector<256x1024xf32>
    %eq3A_55 = arith.cmpf oeq, %select_n3A_50, %eq3A_54 : vector<256x1024xf32>
    %jit3A_56 = arith.constant 1024 : i32
    %broadcast_in_dim3A_57 = vector.broadcast %jit3A_56 : i32 to vector<256x1024xi32>
    %select_n3A_58 = arith.select %eq3A_55, %iota3A, %broadcast_in_dim3A_57 : vector<256x1024xi1>, vector<256x1024xi32>
    %reduce_min3A_59 = arith.constant dense<2147483647> : vector<256xi32>
    %reduce_min3A_60 = vector.multi_reduction <minsi>, %select_n3A_58, %reduce_min3A_59 [1] : vector<256x1024xi32> to vector<256xi32>
    %broadcast_in_dim3A_61 = vector.shape_cast %reduce_min3A_60 : vector<256xi32> to vector<256x1xi32>
    %eq3A_62 = vector.broadcast %broadcast_in_dim3A_61 : vector<256x1xi32> to vector<256x1024xi32>
    %eq3A_63 = arith.cmpi eq, %iota3A, %eq3A_62 : vector<256x1024xi32>
    %jit3A_64 = arith.constant 0xFF800000 : f32
    %broadcast_in_dim3A_65 = vector.broadcast %jit3A_64 : f32 to vector<256x1024xf32>
    %select_n3A_66 = arith.select %eq3A_63, %broadcast_in_dim3A_65, %select_n3A_50 : vector<256x1024xi1>, vector<256x1024xf32>
    %reduce_max3A_67 = arith.constant dense<0xFF800000> : vector<256xf32>
    %reduce_max3A_68 = vector.multi_reduction <maximumf>, %select_n3A_66, %reduce_max3A_67 [1] : vector<256x1024xf32> to vector<256xf32>
    %broadcast_in_dim3A_69 = vector.shape_cast %reduce_max3A_68 : vector<256xf32> to vector<256x1xf32>
    %eq3A_70 = vector.broadcast %broadcast_in_dim3A_69 : vector<256x1xf32> to vector<256x1024xf32>
    %eq3A_71 = arith.cmpf oeq, %select_n3A_66, %eq3A_70 : vector<256x1024xf32>
    %jit3A_72 = arith.constant 1024 : i32
    %broadcast_in_dim3A_73 = vector.broadcast %jit3A_72 : i32 to vector<256x1024xi32>
    %select_n3A_74 = arith.select %eq3A_71, %iota3A, %broadcast_in_dim3A_73 : vector<256x1024xi1>, vector<256x1024xi32>
    %reduce_min3A_75 = arith.constant dense<2147483647> : vector<256xi32>
    %reduce_min3A_76 = vector.multi_reduction <minsi>, %select_n3A_74, %reduce_min3A_75 [1] : vector<256x1024xi32> to vector<256xi32>
    %broadcast_in_dim3A_77 = vector.shape_cast %reduce_min3A_76 : vector<256xi32> to vector<256x1xi32>
    %eq3A_78 = vector.broadcast %broadcast_in_dim3A_77 : vector<256x1xi32> to vector<256x1024xi32>
    %eq3A_79 = arith.cmpi eq, %iota3A, %eq3A_78 : vector<256x1024xi32>
    %jit3A_80 = arith.constant 0xFF800000 : f32
    %broadcast_in_dim3A_81 = vector.broadcast %jit3A_80 : f32 to vector<256x1024xf32>
    %select_n3A_82 = arith.select %eq3A_79, %broadcast_in_dim3A_81, %select_n3A_66 : vector<256x1024xi1>, vector<256x1024xf32>
    %reduce_max3A_83 = arith.constant dense<0xFF800000> : vector<256xf32>
    %reduce_max3A_84 = vector.multi_reduction <maximumf>, %select_n3A_82, %reduce_max3A_83 [1] : vector<256x1024xf32> to vector<256xf32>
    %broadcast_in_dim3A_85 = vector.shape_cast %reduce_max3A_84 : vector<256xf32> to vector<256x1xf32>
    %eq3A_86 = vector.broadcast %broadcast_in_dim3A_85 : vector<256x1xf32> to vector<256x1024xf32>
    %eq3A_87 = arith.cmpf oeq, %select_n3A_82, %eq3A_86 : vector<256x1024xf32>
    %jit3A_88 = arith.constant 1024 : i32
    %broadcast_in_dim3A_89 = vector.broadcast %jit3A_88 : i32 to vector<256x1024xi32>
    %select_n3A_90 = arith.select %eq3A_87, %iota3A, %broadcast_in_dim3A_89 : vector<256x1024xi1>, vector<256x1024xi32>
    %reduce_min3A_91 = arith.constant dense<2147483647> : vector<256xi32>
    %reduce_min3A_92 = vector.multi_reduction <minsi>, %select_n3A_90, %reduce_min3A_91 [1] : vector<256x1024xi32> to vector<256xi32>
    %broadcast_in_dim3A_93 = vector.shape_cast %reduce_min3A_92 : vector<256xi32> to vector<256x1xi32>
    %eq3A_94 = vector.broadcast %broadcast_in_dim3A_93 : vector<256x1xi32> to vector<256x1024xi32>
    %eq3A_95 = arith.cmpi eq, %iota3A, %eq3A_94 : vector<256x1024xi32>
    %jit3A_96 = arith.constant 0xFF800000 : f32
    %broadcast_in_dim3A_97 = vector.broadcast %jit3A_96 : f32 to vector<256x1024xf32>
    %select_n3A_98 = arith.select %eq3A_95, %broadcast_in_dim3A_97, %select_n3A_82 : vector<256x1024xi1>, vector<256x1024xf32>
    %reduce_max3A_99 = arith.constant dense<0xFF800000> : vector<256xf32>
    %reduce_max3A_100 = vector.multi_reduction <maximumf>, %select_n3A_98, %reduce_max3A_99 [1] : vector<256x1024xf32> to vector<256xf32>
    %broadcast_in_dim3A_101 = vector.shape_cast %reduce_max3A_100 : vector<256xf32> to vector<256x1xf32>
    %eq3A_102 = vector.broadcast %broadcast_in_dim3A_101 : vector<256x1xf32> to vector<256x1024xf32>
    %eq3A_103 = arith.cmpf oeq, %select_n3A_98, %eq3A_102 : vector<256x1024xf32>
    %jit3A_104 = arith.constant 1024 : i32
    %broadcast_in_dim3A_105 = vector.broadcast %jit3A_104 : i32 to vector<256x1024xi32>
    %select_n3A_106 = arith.select %eq3A_103, %iota3A, %broadcast_in_dim3A_105 : vector<256x1024xi1>, vector<256x1024xi32>
    %reduce_min3A_107 = arith.constant dense<2147483647> : vector<256xi32>
    %reduce_min3A_108 = vector.multi_reduction <minsi>, %select_n3A_106, %reduce_min3A_107 [1] : vector<256x1024xi32> to vector<256xi32>
    %broadcast_in_dim3A_109 = vector.shape_cast %reduce_min3A_108 : vector<256xi32> to vector<256x1xi32>
    %eq3A_110 = vector.broadcast %broadcast_in_dim3A_109 : vector<256x1xi32> to vector<256x1024xi32>
    %eq3A_111 = arith.cmpi eq, %iota3A, %eq3A_110 : vector<256x1024xi32>
    %jit3A_112 = arith.constant 0xFF800000 : f32
    %broadcast_in_dim3A_113 = vector.broadcast %jit3A_112 : f32 to vector<256x1024xf32>
    %select_n3A_114 = arith.select %eq3A_111, %broadcast_in_dim3A_113, %select_n3A_98 : vector<256x1024xi1>, vector<256x1024xf32>
    %reduce_max3A_115 = arith.constant dense<0xFF800000> : vector<256xf32>
    %reduce_max3A_116 = vector.multi_reduction <maximumf>, %select_n3A_114, %reduce_max3A_115 [1] : vector<256x1024xf32> to vector<256xf32>
    %broadcast_in_dim3A_117 = vector.shape_cast %reduce_max3A_116 : vector<256xf32> to vector<256x1xf32>
    %eq3A_118 = vector.broadcast %broadcast_in_dim3A_117 : vector<256x1xf32> to vector<256x1024xf32>
    %eq3A_119 = arith.cmpf oeq, %select_n3A_114, %eq3A_118 : vector<256x1024xf32>
    %jit3A_120 = arith.constant 1024 : i32
    %broadcast_in_dim3A_121 = vector.broadcast %jit3A_120 : i32 to vector<256x1024xi32>
    %select_n3A_122 = arith.select %eq3A_119, %iota3A, %broadcast_in_dim3A_121 : vector<256x1024xi1>, vector<256x1024xi32>
    %reduce_min3A_123 = arith.constant dense<2147483647> : vector<256xi32>
    %reduce_min3A_124 = vector.multi_reduction <minsi>, %select_n3A_122, %reduce_min3A_123 [1] : vector<256x1024xi32> to vector<256xi32>
    %broadcast_in_dim3A_125 = vector.shape_cast %reduce_min3A_124 : vector<256xi32> to vector<256x1xi32>
    %eq3A_126 = vector.broadcast %broadcast_in_dim3A_125 : vector<256x1xi32> to vector<256x1024xi32>
    %eq3A_127 = arith.cmpi eq, %iota3A, %eq3A_126 : vector<256x1024xi32>
    %jit3A_128 = arith.constant 0xFF800000 : f32
    %broadcast_in_dim3A_129 = vector.broadcast %jit3A_128 : f32 to vector<256x1024xf32>
    %select_n3A_130 = arith.select %eq3A_127, %broadcast_in_dim3A_129, %select_n3A_114 : vector<256x1024xi1>, vector<256x1024xf32>
    %reduce_max3A_131 = arith.constant dense<0xFF800000> : vector<256xf32>
    %reduce_max3A_132 = vector.multi_reduction <maximumf>, %select_n3A_130, %reduce_max3A_131 [1] : vector<256x1024xf32> to vector<256xf32>
    %broadcast_in_dim3A_133 = vector.shape_cast %reduce_max3A_132 : vector<256xf32> to vector<256x1xf32>
    %eq3A_134 = vector.broadcast %broadcast_in_dim3A_133 : vector<256x1xf32> to vector<256x1024xf32>
    %eq3A_135 = arith.cmpf oeq, %select_n3A_130, %eq3A_134 : vector<256x1024xf32>
    %jit3A_136 = arith.constant 1024 : i32
    %broadcast_in_dim3A_137 = vector.broadcast %jit3A_136 : i32 to vector<256x1024xi32>
    %select_n3A_138 = arith.select %eq3A_135, %iota3A, %broadcast_in_dim3A_137 : vector<256x1024xi1>, vector<256x1024xi32>
    %reduce_min3A_139 = arith.constant dense<2147483647> : vector<256xi32>
    %reduce_min3A_140 = vector.multi_reduction <minsi>, %select_n3A_138, %reduce_min3A_139 [1] : vector<256x1024xi32> to vector<256xi32>
    %broadcast_in_dim3A_141 = vector.shape_cast %reduce_min3A_140 : vector<256xi32> to vector<256x1xi32>
    %eq3A_142 = vector.broadcast %broadcast_in_dim3A_141 : vector<256x1xi32> to vector<256x1024xi32>
    %eq3A_143 = arith.cmpi eq, %iota3A, %eq3A_142 : vector<256x1024xi32>
    %jit3A_144 = arith.constant 0xFF800000 : f32
    %broadcast_in_dim3A_145 = vector.broadcast %jit3A_144 : f32 to vector<256x1024xf32>
    %select_n3A_146 = arith.select %eq3A_143, %broadcast_in_dim3A_145, %select_n3A_130 : vector<256x1024xi1>, vector<256x1024xf32>
    %reduce_max3A_147 = arith.constant dense<0xFF800000> : vector<256xf32>
    %reduce_max3A_148 = vector.multi_reduction <maximumf>, %select_n3A_146, %reduce_max3A_147 [1] : vector<256x1024xf32> to vector<256xf32>
    %broadcast_in_dim3A_149 = vector.shape_cast %reduce_max3A_148 : vector<256xf32> to vector<256x1xf32>
    %eq3A_150 = vector.broadcast %broadcast_in_dim3A_149 : vector<256x1xf32> to vector<256x1024xf32>
    %eq3A_151 = arith.cmpf oeq, %select_n3A_146, %eq3A_150 : vector<256x1024xf32>
    %jit3A_152 = arith.constant 1024 : i32
    %broadcast_in_dim3A_153 = vector.broadcast %jit3A_152 : i32 to vector<256x1024xi32>
    %select_n3A_154 = arith.select %eq3A_151, %iota3A, %broadcast_in_dim3A_153 : vector<256x1024xi1>, vector<256x1024xi32>
    %reduce_min3A_155 = arith.constant dense<2147483647> : vector<256xi32>
    %reduce_min3A_156 = vector.multi_reduction <minsi>, %select_n3A_154, %reduce_min3A_155 [1] : vector<256x1024xi32> to vector<256xi32>
    %broadcast_in_dim3A_157 = vector.shape_cast %reduce_min3A_156 : vector<256xi32> to vector<256x1xi32>
    %eq3A_158 = vector.broadcast %broadcast_in_dim3A_157 : vector<256x1xi32> to vector<256x1024xi32>
    %eq3A_159 = arith.cmpi eq, %iota3A, %eq3A_158 : vector<256x1024xi32>
    %jit3A_160 = arith.constant 0xFF800000 : f32
    %broadcast_in_dim3A_161 = vector.broadcast %jit3A_160 : f32 to vector<256x1024xf32>
    %select_n3A_162 = arith.select %eq3A_159, %broadcast_in_dim3A_161, %select_n3A_146 : vector<256x1024xi1>, vector<256x1024xf32>
    %reduce_max3A_163 = arith.constant dense<0xFF800000> : vector<256xf32>
    %reduce_max3A_164 = vector.multi_reduction <maximumf>, %select_n3A_162, %reduce_max3A_163 [1] : vector<256x1024xf32> to vector<256xf32>
    %broadcast_in_dim3A_165 = vector.shape_cast %reduce_max3A_164 : vector<256xf32> to vector<256x1xf32>
    %eq3A_166 = vector.broadcast %broadcast_in_dim3A_165 : vector<256x1xf32> to vector<256x1024xf32>
    %eq3A_167 = arith.cmpf oeq, %select_n3A_162, %eq3A_166 : vector<256x1024xf32>
    %jit3A_168 = arith.constant 1024 : i32
    %broadcast_in_dim3A_169 = vector.broadcast %jit3A_168 : i32 to vector<256x1024xi32>
    %select_n3A_170 = arith.select %eq3A_167, %iota3A, %broadcast_in_dim3A_169 : vector<256x1024xi1>, vector<256x1024xi32>
    %reduce_min3A_171 = arith.constant dense<2147483647> : vector<256xi32>
    %reduce_min3A_172 = vector.multi_reduction <minsi>, %select_n3A_170, %reduce_min3A_171 [1] : vector<256x1024xi32> to vector<256xi32>
    %broadcast_in_dim3A_173 = vector.shape_cast %reduce_min3A_172 : vector<256xi32> to vector<256x1xi32>
    %eq3A_174 = vector.broadcast %broadcast_in_dim3A_173 : vector<256x1xi32> to vector<256x1024xi32>
    %eq3A_175 = arith.cmpi eq, %iota3A, %eq3A_174 : vector<256x1024xi32>
    %jit3A_176 = arith.constant 0xFF800000 : f32
    %broadcast_in_dim3A_177 = vector.broadcast %jit3A_176 : f32 to vector<256x1024xf32>
    %select_n3A_178 = arith.select %eq3A_175, %broadcast_in_dim3A_177, %select_n3A_162 : vector<256x1024xi1>, vector<256x1024xf32>
    %reduce_max3A_179 = arith.constant dense<0xFF800000> : vector<256xf32>
    %reduce_max3A_180 = vector.multi_reduction <maximumf>, %select_n3A_178, %reduce_max3A_179 [1] : vector<256x1024xf32> to vector<256xf32>
    %broadcast_in_dim3A_181 = vector.shape_cast %reduce_max3A_180 : vector<256xf32> to vector<256x1xf32>
    %eq3A_182 = vector.broadcast %broadcast_in_dim3A_181 : vector<256x1xf32> to vector<256x1024xf32>
    %eq3A_183 = arith.cmpf oeq, %select_n3A_178, %eq3A_182 : vector<256x1024xf32>
    %jit3A_184 = arith.constant 1024 : i32
    %broadcast_in_dim3A_185 = vector.broadcast %jit3A_184 : i32 to vector<256x1024xi32>
    %select_n3A_186 = arith.select %eq3A_183, %iota3A, %broadcast_in_dim3A_185 : vector<256x1024xi1>, vector<256x1024xi32>
    %reduce_min3A_187 = arith.constant dense<2147483647> : vector<256xi32>
    %reduce_min3A_188 = vector.multi_reduction <minsi>, %select_n3A_186, %reduce_min3A_187 [1] : vector<256x1024xi32> to vector<256xi32>
    %broadcast_in_dim3A_189 = vector.shape_cast %reduce_min3A_188 : vector<256xi32> to vector<256x1xi32>
    %eq3A_190 = vector.broadcast %broadcast_in_dim3A_189 : vector<256x1xi32> to vector<256x1024xi32>
    %eq3A_191 = arith.cmpi eq, %iota3A, %eq3A_190 : vector<256x1024xi32>
    %jit3A_192 = arith.constant 0xFF800000 : f32
    %broadcast_in_dim3A_193 = vector.broadcast %jit3A_192 : f32 to vector<256x1024xf32>
    %select_n3A_194 = arith.select %eq3A_191, %broadcast_in_dim3A_193, %select_n3A_178 : vector<256x1024xi1>, vector<256x1024xf32>
    %reduce_max3A_195 = arith.constant dense<0xFF800000> : vector<256xf32>
    %reduce_max3A_196 = vector.multi_reduction <maximumf>, %select_n3A_194, %reduce_max3A_195 [1] : vector<256x1024xf32> to vector<256xf32>
    %broadcast_in_dim3A_197 = vector.shape_cast %reduce_max3A_196 : vector<256xf32> to vector<256x1xf32>
    %eq3A_198 = vector.broadcast %broadcast_in_dim3A_197 : vector<256x1xf32> to vector<256x1024xf32>
    %eq3A_199 = arith.cmpf oeq, %select_n3A_194, %eq3A_198 : vector<256x1024xf32>
    %jit3A_200 = arith.constant 1024 : i32
    %broadcast_in_dim3A_201 = vector.broadcast %jit3A_200 : i32 to vector<256x1024xi32>
    %select_n3A_202 = arith.select %eq3A_199, %iota3A, %broadcast_in_dim3A_201 : vector<256x1024xi1>, vector<256x1024xi32>
    %reduce_min3A_203 = arith.constant dense<2147483647> : vector<256xi32>
    %reduce_min3A_204 = vector.multi_reduction <minsi>, %select_n3A_202, %reduce_min3A_203 [1] : vector<256x1024xi32> to vector<256xi32>
    %broadcast_in_dim3A_205 = vector.shape_cast %reduce_min3A_204 : vector<256xi32> to vector<256x1xi32>
    %eq3A_206 = vector.broadcast %broadcast_in_dim3A_205 : vector<256x1xi32> to vector<256x1024xi32>
    %eq3A_207 = arith.cmpi eq, %iota3A, %eq3A_206 : vector<256x1024xi32>
    %jit3A_208 = arith.constant 0xFF800000 : f32
    %broadcast_in_dim3A_209 = vector.broadcast %jit3A_208 : f32 to vector<256x1024xf32>
    %select_n3A_210 = arith.select %eq3A_207, %broadcast_in_dim3A_209, %select_n3A_194 : vector<256x1024xi1>, vector<256x1024xf32>
    %reduce_max3A_211 = arith.constant dense<0xFF800000> : vector<256xf32>
    %reduce_max3A_212 = vector.multi_reduction <maximumf>, %select_n3A_210, %reduce_max3A_211 [1] : vector<256x1024xf32> to vector<256xf32>
    %broadcast_in_dim3A_213 = vector.shape_cast %reduce_max3A_212 : vector<256xf32> to vector<256x1xf32>
    %eq3A_214 = vector.broadcast %broadcast_in_dim3A_213 : vector<256x1xf32> to vector<256x1024xf32>
    %eq3A_215 = arith.cmpf oeq, %select_n3A_210, %eq3A_214 : vector<256x1024xf32>
    %jit3A_216 = arith.constant 1024 : i32
    %broadcast_in_dim3A_217 = vector.broadcast %jit3A_216 : i32 to vector<256x1024xi32>
    %select_n3A_218 = arith.select %eq3A_215, %iota3A, %broadcast_in_dim3A_217 : vector<256x1024xi1>, vector<256x1024xi32>
    %reduce_min3A_219 = arith.constant dense<2147483647> : vector<256xi32>
    %reduce_min3A_220 = vector.multi_reduction <minsi>, %select_n3A_218, %reduce_min3A_219 [1] : vector<256x1024xi32> to vector<256xi32>
    %broadcast_in_dim3A_221 = vector.shape_cast %reduce_min3A_220 : vector<256xi32> to vector<256x1xi32>
    %eq3A_222 = vector.broadcast %broadcast_in_dim3A_221 : vector<256x1xi32> to vector<256x1024xi32>
    %eq3A_223 = arith.cmpi eq, %iota3A, %eq3A_222 : vector<256x1024xi32>
    %jit3A_224 = arith.constant 0xFF800000 : f32
    %broadcast_in_dim3A_225 = vector.broadcast %jit3A_224 : f32 to vector<256x1024xf32>
    %select_n3A_226 = arith.select %eq3A_223, %broadcast_in_dim3A_225, %select_n3A_210 : vector<256x1024xi1>, vector<256x1024xf32>
    %reduce_max3A_227 = arith.constant dense<0xFF800000> : vector<256xf32>
    %reduce_max3A_228 = vector.multi_reduction <maximumf>, %select_n3A_226, %reduce_max3A_227 [1] : vector<256x1024xf32> to vector<256xf32>
    %broadcast_in_dim3A_229 = vector.shape_cast %reduce_max3A_228 : vector<256xf32> to vector<256x1xf32>
    %eq3A_230 = vector.broadcast %broadcast_in_dim3A_229 : vector<256x1xf32> to vector<256x1024xf32>
    %eq3A_231 = arith.cmpf oeq, %select_n3A_226, %eq3A_230 : vector<256x1024xf32>
    %jit3A_232 = arith.constant 1024 : i32
    %broadcast_in_dim3A_233 = vector.broadcast %jit3A_232 : i32 to vector<256x1024xi32>
    %select_n3A_234 = arith.select %eq3A_231, %iota3A, %broadcast_in_dim3A_233 : vector<256x1024xi1>, vector<256x1024xi32>
    %reduce_min3A_235 = arith.constant dense<2147483647> : vector<256xi32>
    %reduce_min3A_236 = vector.multi_reduction <minsi>, %select_n3A_234, %reduce_min3A_235 [1] : vector<256x1024xi32> to vector<256xi32>
    %broadcast_in_dim3A_237 = vector.shape_cast %reduce_min3A_236 : vector<256xi32> to vector<256x1xi32>
    %eq3A_238 = vector.broadcast %broadcast_in_dim3A_237 : vector<256x1xi32> to vector<256x1024xi32>
    %eq3A_239 = arith.cmpi eq, %iota3A, %eq3A_238 : vector<256x1024xi32>
    %jit3A_240 = arith.constant 0xFF800000 : f32
    %broadcast_in_dim3A_241 = vector.broadcast %jit3A_240 : f32 to vector<256x1024xf32>
    %select_n3A_242 = arith.select %eq3A_239, %broadcast_in_dim3A_241, %select_n3A_226 : vector<256x1024xi1>, vector<256x1024xf32>
    %reduce_max3A_243 = arith.constant dense<0xFF800000> : vector<256xf32>
    %reduce_max3A_244 = vector.multi_reduction <maximumf>, %select_n3A_242, %reduce_max3A_243 [1] : vector<256x1024xf32> to vector<256xf32>
    %broadcast_in_dim3A_245 = vector.shape_cast %reduce_max3A_244 : vector<256xf32> to vector<256x1xf32>
    %eq3A_246 = vector.broadcast %broadcast_in_dim3A_245 : vector<256x1xf32> to vector<256x1024xf32>
    %eq3A_247 = arith.cmpf oeq, %select_n3A_242, %eq3A_246 : vector<256x1024xf32>
    %jit3A_248 = arith.constant 1024 : i32
    %broadcast_in_dim3A_249 = vector.broadcast %jit3A_248 : i32 to vector<256x1024xi32>
    %select_n3A_250 = arith.select %eq3A_247, %iota3A, %broadcast_in_dim3A_249 : vector<256x1024xi1>, vector<256x1024xi32>
    %reduce_min3A_251 = arith.constant dense<2147483647> : vector<256xi32>
    %reduce_min3A_252 = vector.multi_reduction <minsi>, %select_n3A_250, %reduce_min3A_251 [1] : vector<256x1024xi32> to vector<256xi32>
    %broadcast_in_dim3A_253 = vector.shape_cast %reduce_min3A_252 : vector<256xi32> to vector<256x1xi32>
    %eq3A_254 = vector.broadcast %broadcast_in_dim3A_253 : vector<256x1xi32> to vector<256x1024xi32>
    %eq3A_255 = arith.cmpi eq, %iota3A, %eq3A_254 : vector<256x1024xi32>
    %jit3A_256 = arith.constant 0xFF800000 : f32
    %broadcast_in_dim3A_257 = vector.broadcast %jit3A_256 : f32 to vector<256x1024xf32>
    %select_n3A_258 = arith.select %eq3A_255, %broadcast_in_dim3A_257, %select_n3A_242 : vector<256x1024xi1>, vector<256x1024xf32>
    %reduce_max3A_259 = arith.constant dense<0xFF800000> : vector<256xf32>
    %reduce_max3A_260 = vector.multi_reduction <maximumf>, %select_n3A_258, %reduce_max3A_259 [1] : vector<256x1024xf32> to vector<256xf32>
    %broadcast_in_dim3A_261 = vector.shape_cast %reduce_max3A_260 : vector<256xf32> to vector<256x1xf32>
    %eq3A_262 = vector.broadcast %broadcast_in_dim3A_261 : vector<256x1xf32> to vector<256x1024xf32>
    %eq3A_263 = arith.cmpf oeq, %select_n3A_258, %eq3A_262 : vector<256x1024xf32>
    %jit3A_264 = arith.constant 1024 : i32
    %broadcast_in_dim3A_265 = vector.broadcast %jit3A_264 : i32 to vector<256x1024xi32>
    %select_n3A_266 = arith.select %eq3A_263, %iota3A, %broadcast_in_dim3A_265 : vector<256x1024xi1>, vector<256x1024xi32>
    %reduce_min3A_267 = arith.constant dense<2147483647> : vector<256xi32>
    %reduce_min3A_268 = vector.multi_reduction <minsi>, %select_n3A_266, %reduce_min3A_267 [1] : vector<256x1024xi32> to vector<256xi32>
    %broadcast_in_dim3A_269 = vector.shape_cast %reduce_min3A_268 : vector<256xi32> to vector<256x1xi32>
    %concatenate3A = tpu.concatenate %broadcast_in_dim3A_29, %broadcast_in_dim3A_45, %broadcast_in_dim3A_61, %broadcast_in_dim3A_77, %broadcast_in_dim3A_93, %broadcast_in_dim3A_109, %broadcast_in_dim3A_125, %broadcast_in_dim3A_141, %broadcast_in_dim3A_157, %broadcast_in_dim3A_173, %broadcast_in_dim3A_189, %broadcast_in_dim3A_205, %broadcast_in_dim3A_221, %broadcast_in_dim3A_237, %broadcast_in_dim3A_253, %broadcast_in_dim3A_269 in 1 : vector<256x1xi32>, vector<256x1xi32>, vector<256x1xi32>, vector<256x1xi32>, vector<256x1xi32>, vector<256x1xi32>, vector<256x1xi32>, vector<256x1xi32>, vector<256x1xi32>, vector<256x1xi32>, vector<256x1xi32>, vector<256x1xi32>, vector<256x1xi32>, vector<256x1xi32>, vector<256x1xi32>, vector<256x1xi32> -> vector<256x16xi32>
    %mul3A_270 = arith.constant 1024 : i32
    %mul3A_271 = arith.muli %arg0, %mul3A_270 : i32
    %add3A_272 = vector.broadcast %mul3A_271 : i32 to vector<256x16xi32>
    %add3A_273 = arith.addi %concatenate3A, %add3A_272 : vector<256x16xi32>
    %swap3A = arith.constant 0 : index
    %swap3A_274 = arith.constant 0 : index
    %swap3A_275 = arith.constant 0 : index
    %swap3A_276 = vector.load %arg7[%swap3A, %swap3A_274, %swap3A_275] : memref<1x256x16xi32, #tpu.memory_space<vmem>>, vector<1x256x16xi32>
    %swap3A_277 = vector.shape_cast %swap3A_276 : vector<1x256x16xi32> to vector<256x16xi32>
    %swap3A_278 = vector.shape_cast %add3A_273 : vector<256x16xi32> to vector<1x256x16xi32>
    tpu.vector_store %arg7[%swap3A, %swap3A_274, %swap3A_275], %swap3A_278 {strides = array<i32>} : memref<1x256x16xi32, #tpu.memory_space<vmem>>, vector<1x256x16xi32>,
    %get3A_279 = arith.constant 0 : index
    %get3A_280 = arith.constant 0 : index
    %get3A_281 = vector.load %arg4[%get3A_279, %get3A_280] : memref<256x256xf32, #tpu.memory_space<vmem>>, vector<256x256xf32>
    %dot_general3A_282 = arith.constant dense<0.000000e+00> : vector<256x256xf32>
    %dot_general3A_283 = tpu.matmul %get3A_8, %get3A_281, %dot_general3A_282 {dimension_numbers = #tpu.dot_dimension_numbers<[0], [0], [1], [1], [0, 1, 1, 1], [], []>, transpose_lhs_hint = false} : vector<256x256xf32>, vector<256x256xf32>, vector<256x256xf32> -> vector<256x256xf32>
    %get3A_284 = arith.constant 0 : index
    %get3A_285 = arith.constant 0 : index
    %get3A_286 = vector.load %arg6[%get3A_284, %get3A_285] : memref<1x256xf32, #tpu.memory_space<vmem>>, vector<1x256xf32>
    %add3A_287 = vector.broadcast %get3A_286 : vector<1x256xf32> to vector<256x256xf32>
    %add3A_288 = arith.addf %dot_general3A_283, %add3A_287 : vector<256x256xf32>
    %swap3A_289 = arith.constant 0 : index
    %swap3A_290 = arith.constant 0 : index
    %swap3A_291 = arith.constant 0 : index
    %swap3A_292 = vector.load %arg8[%swap3A_289, %swap3A_290, %swap3A_291] : memref<1x256x256xf32, #tpu.memory_space<vmem>>, vector<1x256x256xf32>
    %swap3A_293 = vector.shape_cast %swap3A_292 : vector<1x256x256xf32> to vector<256x256xf32>
    %swap3A_294 = vector.shape_cast %add3A_288 : vector<256x256xf32> to vector<1x256x256xf32>
    tpu.vector_store %arg8[%swap3A_289, %swap3A_290, %swap3A_291], %swap3A_294 {strides = array<i32>} : memref<1x256x256xf32, #tpu.memory_space<vmem>>, vector<1x256x256xf32>,
    %get3A_295 = arith.constant 0 : index
    %get3A_296 = arith.constant 0 : index
    %get3A_297 = vector.load %arg5[%get3A_295, %get3A_296] : memref<256x256xf32, #tpu.memory_space<vmem>>, vector<256x256xf32>
    %dot_general3A_298 = arith.constant dense<0.000000e+00> : vector<256x256xf32>
    %dot_general3A_299 = tpu.matmul %get3A_8, %get3A_297, %dot_general3A_298 {dimension_numbers = #tpu.dot_dimension_numbers<[0], [0], [1], [1], [0, 1, 1, 1], [], []>, transpose_lhs_hint = false} : vector<256x256xf32>, vector<256x256xf32>, vector<256x256xf32> -> vector<256x256xf32>
    %swap3A_300 = arith.constant 0 : index
    %swap3A_301 = arith.constant 0 : index
    %swap3A_302 = arith.constant 0 : index
    %swap3A_303 = vector.load %arg9[%swap3A_300, %swap3A_301, %swap3A_302] : memref<1x256x256xf32, #tpu.memory_space<vmem>>, vector<1x256x256xf32>
    %swap3A_304 = vector.shape_cast %swap3A_303 : vector<1x256x256xf32> to vector<256x256xf32>
    %swap3A_305 = vector.shape_cast %dot_general3A_299 : vector<256x256xf32> to vector<1x256x256xf32>
    tpu.vector_store %arg9[%swap3A_300, %swap3A_301, %swap3A_302], %swap3A_305 {strides = array<i32>} : memref<1x256x256xf32, #tpu.memory_space<vmem>>, vector<1x256x256xf32>,
    %reduce_sum3A_306 = arith.constant dense<0.000000e+00> : vector<256xf32>
    %reduce_sum3A_307 = vector.multi_reduction <add>, %add3A_288, %reduce_sum3A_306 [0] : vector<256x256xf32> to vector<256xf32>
    %broadcast_in_dim3A_308 = vector.shape_cast %reduce_sum3A_307 : vector<256xf32> to vector<1x256xf32>
    %mul3A_309 = arith.mulf %add3A_288, %add3A_288 : vector<256x256xf32>
    %reduce_sum3A_310 = arith.constant dense<0.000000e+00> : vector<256xf32>
    %reduce_sum3A_311 = vector.multi_reduction <add>, %mul3A_309, %reduce_sum3A_310 [0] : vector<256x256xf32> to vector<256xf32>
    %broadcast_in_dim3A_312 = vector.shape_cast %reduce_sum3A_311 : vector<256xf32> to vector<1x256xf32>
    %concatenate3A_313 = tpu.concatenate %broadcast_in_dim3A_308, %broadcast_in_dim3A_312 in 0 : vector<1x256xf32>, vector<1x256xf32> -> vector<2x256xf32>
    %eq3A_314 = arith.constant 0 : i32
    %eq3A_315 = arith.cmpi eq, %arg1, %eq3A_314 : i32
    %convert_element_type3A = arith.extui %eq3A_315 : i1 to i32
    %cond3A = arith.constant 0 : i32
    %cond3A_316 = arith.cmpi ne, %convert_element_type3A, %cond3A : i32
    scf.if %cond3A_316 {
      %swap3A_321 = arith.constant 0 : index
      %swap3A_322 = arith.constant 0 : index
      %swap3A_323 = arith.constant 0 : index
      %swap3A_324 = vector.load %arg10[%swap3A_321, %swap3A_322, %swap3A_323] : memref<1x2x256xf32, #tpu.memory_space<vmem>>, vector<1x2x256xf32>
      %swap3A_325 = vector.shape_cast %swap3A_324 : vector<1x2x256xf32> to vector<2x256xf32>
      %swap3A_326 = vector.shape_cast %concatenate3A_313 : vector<2x256xf32> to vector<1x2x256xf32>
      tpu.vector_store %arg10[%swap3A_321, %swap3A_322, %swap3A_323], %swap3A_326 {strides = array<i32>} : memref<1x2x256xf32, #tpu.memory_space<vmem>>, vector<1x2x256xf32>,
    } else {
    }
    %ne3A = arith.constant 0 : i32
    %ne3A_317 = arith.cmpi ne, %arg1, %ne3A : i32
    %convert_element_type3A_318 = arith.extui %ne3A_317 : i1 to i32
    %cond3A_319 = arith.constant 0 : i32
    %cond3A_320 = arith.cmpi ne, %convert_element_type3A_318, %cond3A_319 : i32
    scf.if %cond3A_320 {
      %get3A_321 = arith.constant 0 : index
      %get3A_322 = arith.constant 0 : index
      %get3A_323 = arith.constant 0 : index
      %get3A_324 = vector.load %arg10[%get3A_321, %get3A_322, %get3A_323] : memref<1x2x256xf32, #tpu.memory_space<vmem>>, vector<1x2x256xf32>
      %get3A_325 = vector.shape_cast %get3A_324 : vector<1x2x256xf32> to vector<2x256xf32>
      %add3A_326 = arith.addf %get3A_325, %concatenate3A_313 : vector<2x256xf32>
      %swap3A_327 = arith.constant 0 : index
      %swap3A_328 = arith.constant 0 : index
      %swap3A_329 = arith.constant 0 : index
      %swap3A_330 = vector.load %arg10[%swap3A_327, %swap3A_328, %swap3A_329] : memref<1x2x256xf32, #tpu.memory_space<vmem>>, vector<1x2x256xf32>
      %swap3A_331 = vector.shape_cast %swap3A_330 : vector<1x2x256xf32> to vector<2x256xf32>
      %swap3A_332 = vector.shape_cast %add3A_326 : vector<2x256xf32> to vector<1x2x256xf32>
      tpu.vector_store %arg10[%swap3A_327, %swap3A_328, %swap3A_329], %swap3A_332 {strides = array<i32>} : memref<1x2x256xf32, #tpu.memory_space<vmem>>, vector<1x2x256xf32>,
    } else {
    }
    return
  }
  func.func @transform_0(%arg0: i32, %arg1: i32) -> (i32, i32, i32) {
    %c0_i32 = arith.constant 0 : i32
    %c0_i32_0 = arith.constant 0 : i32
    %c0_i32_1 = arith.constant 0 : i32
    return %arg0, %c0_i32, %c0_i32_0 : i32, i32, i32
  }
  func.func @transform_1(%arg0: i32, %arg1: i32) -> (i32, i32, i32) {
    %c0_i32 = arith.constant 0 : i32
    %c0_i32_0 = arith.constant 0 : i32
    return %arg0, %c0_i32, %arg1 : i32, i32, i32
  }
  func.func @transform_2(%arg0: i32, %arg1: i32) -> (i32, i32) {
    %c0_i32 = arith.constant 0 : i32
    %c0_i32_0 = arith.constant 0 : i32
    %c0_i32_1 = arith.constant 0 : i32
    return %c0_i32, %c0_i32_0 : i32, i32
  }
  func.func @transform_3(%arg0: i32, %arg1: i32) -> (i32, i32) {
    %c0_i32 = arith.constant 0 : i32
    %c0_i32_0 = arith.constant 0 : i32
    %c0_i32_1 = arith.constant 0 : i32
    return %c0_i32, %c0_i32_0 : i32, i32
  }
  func.func @transform_4(%arg0: i32, %arg1: i32) -> (i32, i32) {
    %c0_i32 = arith.constant 0 : i32
    %c0_i32_0 = arith.constant 0 : i32
    %c0_i32_1 = arith.constant 0 : i32
    return %c0_i32, %c0_i32_0 : i32, i32
  }
  func.func @transform_5(%arg0: i32, %arg1: i32) -> (i32, i32, i32) {
    %c0_i32 = arith.constant 0 : i32
    %c0_i32_0 = arith.constant 0 : i32
    return %arg0, %arg1, %c0_i32 : i32, i32, i32
  }
  func.func @transform_6(%arg0: i32, %arg1: i32) -> (i32, i32, i32) {
    %c0_i32 = arith.constant 0 : i32
    %c0_i32_0 = arith.constant 0 : i32
    return %arg0, %arg1, %c0_i32 : i32, i32, i32
  }
  func.func @transform_7(%arg0: i32, %arg1: i32) -> (i32, i32, i32) {
    %c0_i32 = arith.constant 0 : i32
    %c0_i32_0 = arith.constant 0 : i32
    return %arg0, %arg1, %c0_i32 : i32, i32, i32
  }
  func.func @transform_8(%arg0: i32, %arg1: i32) -> (i32, i32, i32) {
    %c0_i32 = arith.constant 0 : i32
    %c0_i32_0 = arith.constant 0 : i32
    %c0_i32_1 = arith.constant 0 : i32
    return %arg0, %c0_i32, %c0_i32_0 : i32, i32, i32
  }
}

module attributes {stable_mosaic.version = 14 : i64} {
  func.func @_final_body(%arg0: i32, %arg1: memref<1x256x1024xf32, #tpu.memory_space<vmem>>, %arg2: memref<1x256x1024xf32, #tpu.memory_space<vmem>>, %arg3: memref<1x2x256xf32, #tpu.memory_space<vmem>>, %arg4: memref<1x256xf32, #tpu.memory_space<vmem>>, %arg5: memref<1x256xf32, #tpu.memory_space<vmem>>, %arg6: memref<1x256x1024xf32, #tpu.memory_space<vmem>>, %arg7: memref<1x256x1024xf32, #tpu.memory_space<vmem>>) attributes {dimension_semantics = [#tpu.dimension_semantics<arbitrary>], iteration_bounds = array<i64: 4>, scalar_prefetch = 0 : i64, scratch_operands = 0 : i64, tpu.core_type = #tpu.core_type<tc>, window_params = [{transform_indices = @transform_0, window_bounds = array<i64: 1, 256, 1024>}, {transform_indices = @transform_1, window_bounds = array<i64: 1, 256, 1024>}, {transform_indices = @transform_2, window_bounds = array<i64: 1, 2, 256>}, {pipeline_mode = #tpu.pipeline_mode<synchronous>, transform_indices = @transform_3, window_bounds = array<i64: 1, 256>}, {pipeline_mode = #tpu.pipeline_mode<synchronous>, transform_indices = @transform_4, window_bounds = array<i64: 1, 256>}, {transform_indices = @transform_5, window_bounds = array<i64: 1, 256, 1024>}, {transform_indices = @transform_6, window_bounds = array<i64: 1, 256, 1024>}]} {
    %iota3A = tpu.iota {dimensions = array<i32: 0>} : vector<256x32xi32>
    %jit3A = arith.constant 8 : i32
    %div3A = vector.broadcast %jit3A : i32 to vector<256x32xi32>
    %div3A_0 = arith.divsi %iota3A, %div3A : vector<256x32xi32>
    %sign3A = arith.constant 0 : i32
    %sign3A_1 = vector.broadcast %sign3A : i32 to vector<256x32xi32>
    %sign3A_2 = arith.cmpi sgt, %iota3A, %sign3A_1 : vector<256x32xi32>
    %sign3A_3 = arith.extui %sign3A_2 : vector<256x32xi1> to vector<256x32xi32>
    %sign3A_4 = arith.constant 0 : i32
    %sign3A_5 = vector.broadcast %sign3A_4 : i32 to vector<256x32xi32>
    %sign3A_6 = arith.cmpi slt, %iota3A, %sign3A_5 : vector<256x32xi32>
    %sign3A_7 = arith.extui %sign3A_6 : vector<256x32xi1> to vector<256x32xi32>
    %sign3A_8 = arith.subi %sign3A_3, %sign3A_7 : vector<256x32xi32>
    %sign3A_9 = arith.constant 0 : i32
    %sign3A_10 = arith.cmpi sgt, %jit3A, %sign3A_9 : i32
    %sign3A_11 = arith.extui %sign3A_10 : i1 to i32
    %sign3A_12 = arith.constant 0 : i32
    %sign3A_13 = arith.cmpi slt, %jit3A, %sign3A_12 : i32
    %sign3A_14 = arith.extui %sign3A_13 : i1 to i32
    %sign3A_15 = arith.subi %sign3A_11, %sign3A_14 : i32
    %ne3A = vector.broadcast %sign3A_15 : i32 to vector<256x32xi32>
    %ne3A_16 = arith.cmpi ne, %sign3A_8, %ne3A : vector<256x32xi32>
    %rem3A = vector.broadcast %jit3A : i32 to vector<256x32xi32>
    %rem3A_17 = arith.remsi %iota3A, %rem3A : vector<256x32xi32>
    %ne3A_18 = arith.constant 0 : i32
    %ne3A_19 = vector.broadcast %ne3A_18 : i32 to vector<256x32xi32>
    %ne3A_20 = arith.cmpi ne, %rem3A_17, %ne3A_19 : vector<256x32xi32>
    %and3A = arith.andi %ne3A_16, %ne3A_20 : vector<256x32xi1>
    %sub3A = arith.constant 1 : i32
    %sub3A_21 = vector.broadcast %sub3A : i32 to vector<256x32xi32>
    %sub3A_22 = arith.subi %div3A_0, %sub3A_21 : vector<256x32xi32>
    %select_n3A = arith.select %and3A, %sub3A_22, %div3A_0 : vector<256x32xi1>, vector<256x32xi32>
    %iota3A_23 = tpu.iota {dimensions = array<i32: 1>} : vector<256x32xi32>
    %eq3A = arith.cmpi eq, %select_n3A, %iota3A_23 : vector<256x32xi32>
    %convert_element_type3A = arith.extui %eq3A : vector<256x32xi1> to vector<256x32xi32>
    %convert_element_type3A_24 = arith.sitofp %convert_element_type3A : vector<256x32xi32> to vector<256x32xf32>
    %get3A = arith.constant 0 : index
    %get3A_25 = arith.constant 0 : index
    %get3A_26 = arith.constant 0 : index
    %get3A_27 = vector.load %arg3[%get3A, %get3A_25, %get3A_26] : memref<1x2x256xf32, #tpu.memory_space<vmem>>, vector<1x2x256xf32>
    %get3A_28 = vector.shape_cast %get3A_27 : vector<1x2x256xf32> to vector<2x256xf32>
    %dot_general3A = arith.constant dense<0.000000e+00> : vector<2x32xf32>
    %dot_general3A_29 = tpu.matmul %get3A_28, %convert_element_type3A_24, %dot_general3A {dimension_numbers = #tpu.dot_dimension_numbers<[1], [0], [0], [1], [0, 0, 1, 1], [], []>, transpose_lhs_hint = false} : vector<2x256xf32>, vector<256x32xf32>, vector<2x32xf32> -> vector<2x32xf32>
    %slice3A = vector.extract_strided_slice %dot_general3A_29 {offsets = [0, 0], sizes = [1, 32], strides = [1, 1]} : vector<2x32xf32> to vector<1x32xf32>
    %div3A_30 = arith.constant 1.310720e+05 : f32
    %div3A_31 = vector.broadcast %div3A_30 : f32 to vector<1x32xf32>
    %div3A_32 = arith.divf %slice3A, %div3A_31 : vector<1x32xf32>
    %slice3A_33 = vector.extract_strided_slice %dot_general3A_29 {offsets = [1, 0], sizes = [1, 32], strides = [1, 1]} : vector<2x32xf32> to vector<1x32xf32>
    %div3A_34 = arith.constant 1.310720e+05 : f32
    %div3A_35 = vector.broadcast %div3A_34 : f32 to vector<1x32xf32>
    %div3A_36 = arith.divf %slice3A_33, %div3A_35 : vector<1x32xf32>
    %mul3A = arith.mulf %div3A_32, %div3A_32 : vector<1x32xf32>
    %sub3A_37 = arith.subf %div3A_36, %mul3A : vector<1x32xf32>
    %add3A = arith.constant 9.99999974E-6 : f32
    %add3A_38 = vector.broadcast %add3A : f32 to vector<1x32xf32>
    %add3A_39 = arith.addf %sub3A_37, %add3A_38 : vector<1x32xf32>
    %rsqrt3A = math.rsqrt %add3A_39 : vector<1x32xf32>
    %concatenate3A = tpu.concatenate %div3A_32, %rsqrt3A in 0 : vector<1x32xf32>, vector<1x32xf32> -> vector<2x32xf32>
    %transpose3A = tpu.transpose %convert_element_type3A_24, [1, 0] : vector<256x32xf32> -> vector<32x256xf32>
    %dot_general3A_40 = arith.constant dense<0.000000e+00> : vector<2x256xf32>
    %dot_general3A_41 = tpu.matmul %concatenate3A, %transpose3A, %dot_general3A_40 {dimension_numbers = #tpu.dot_dimension_numbers<[1], [0], [0], [1], [0, 0, 1, 1], [], []>, transpose_lhs_hint = false} : vector<2x32xf32>, vector<32x256xf32>, vector<2x256xf32> -> vector<2x256xf32>
    %get3A_42 = arith.constant 0 : index
    %get3A_43 = arith.constant 0 : index
    %get3A_44 = vector.load %arg4[%get3A_42, %get3A_43] : memref<1x256xf32, #tpu.memory_space<vmem>>, vector<1x256xf32>
    %slice3A_45 = vector.extract_strided_slice %dot_general3A_41 {offsets = [1, 0], sizes = [1, 256], strides = [1, 1]} : vector<2x256xf32> to vector<1x256xf32>
    %mul3A_46 = arith.mulf %get3A_44, %slice3A_45 : vector<1x256xf32>
    %get3A_47 = arith.constant 0 : index
    %get3A_48 = arith.constant 0 : index
    %get3A_49 = vector.load %arg5[%get3A_47, %get3A_48] : memref<1x256xf32, #tpu.memory_space<vmem>>, vector<1x256xf32>
    %slice3A_50 = vector.extract_strided_slice %dot_general3A_41 {offsets = [0, 0], sizes = [1, 256], strides = [1, 1]} : vector<2x256xf32> to vector<1x256xf32>
    %mul3A_51 = arith.mulf %slice3A_50, %mul3A_46 : vector<1x256xf32>
    %sub3A_52 = arith.subf %get3A_49, %mul3A_51 : vector<1x256xf32>
    %concatenate3A_53 = tpu.concatenate %mul3A_46, %sub3A_52 in 0 : vector<1x256xf32>, vector<1x256xf32> -> vector<2x256xf32>
    %transpose3A_54 = tpu.transpose %concatenate3A_53, [1, 0] : vector<2x256xf32> -> vector<256x2xf32>
    %slice3A_55 = vector.extract_strided_slice %transpose3A_54 {offsets = [0, 0], sizes = [256, 1], strides = [1, 1]} : vector<256x2xf32> to vector<256x1xf32>
    %slice3A_56 = vector.extract_strided_slice %transpose3A_54 {offsets = [0, 1], sizes = [256, 1], strides = [1, 1]} : vector<256x2xf32> to vector<256x1xf32>
    %get3A_57 = arith.constant 0 : index
    %get3A_58 = arith.constant 0 : index
    %get3A_59 = arith.constant 0 : index
    %get3A_60 = vector.load %arg1[%get3A_57, %get3A_58, %get3A_59] : memref<1x256x1024xf32, #tpu.memory_space<vmem>>, vector<1x256x1024xf32>
    %get3A_61 = vector.shape_cast %get3A_60 : vector<1x256x1024xf32> to vector<256x1024xf32>
    %get3A_62 = arith.constant 0 : index
    %get3A_63 = arith.constant 0 : index
    %get3A_64 = arith.constant 0 : index
    %get3A_65 = vector.load %arg2[%get3A_62, %get3A_63, %get3A_64] : memref<1x256x1024xf32, #tpu.memory_space<vmem>>, vector<1x256x1024xf32>
    %get3A_66 = vector.shape_cast %get3A_65 : vector<1x256x1024xf32> to vector<256x1024xf32>
    %gt3A = arith.constant 0.000000e+00 : f32
    %gt3A_67 = vector.broadcast %gt3A : f32 to vector<256x1xf32>
    %gt3A_68 = arith.cmpf ogt, %slice3A_55, %gt3A_67 : vector<256x1xf32>
    %mul3A_69 = vector.broadcast %slice3A_55 : vector<256x1xf32> to vector<256x1024xf32>
    %mul3A_70 = arith.mulf %mul3A_69, %get3A_61 : vector<256x1024xf32>
    %add3A_71 = vector.broadcast %slice3A_56 : vector<256x1xf32> to vector<256x1024xf32>
    %add3A_72 = arith.addf %mul3A_70, %add3A_71 : vector<256x1024xf32>
    %max3A = arith.constant 0.000000e+00 : f32
    %max3A_73 = vector.broadcast %max3A : f32 to vector<256x1024xf32>
    %max3A_74 = arith.maximumf %add3A_72, %max3A_73 : vector<256x1024xf32>
    %mul3A_75 = vector.broadcast %slice3A_55 : vector<256x1xf32> to vector<256x1024xf32>
    %mul3A_76 = arith.mulf %mul3A_75, %get3A_66 : vector<256x1024xf32>
    %add3A_77 = vector.broadcast %slice3A_56 : vector<256x1xf32> to vector<256x1024xf32>
    %add3A_78 = arith.addf %mul3A_76, %add3A_77 : vector<256x1024xf32>
    %max3A_79 = arith.constant 0.000000e+00 : f32
    %max3A_80 = vector.broadcast %max3A_79 : f32 to vector<256x1024xf32>
    %max3A_81 = arith.maximumf %add3A_78, %max3A_80 : vector<256x1024xf32>
    %broadcast_in_dim3A = vector.shape_cast %gt3A_68 : vector<256x1xi1> to vector<256x1xi1>
    %broadcast_in_dim3A_82 = vector.broadcast %broadcast_in_dim3A : vector<256x1xi1> to vector<256x1024xi1>
    %select_n3A_83 = arith.select %broadcast_in_dim3A_82, %max3A_74, %max3A_81 : vector<256x1024xi1>, vector<256x1024xf32>
    %get3A_84 = arith.constant 0 : index
    %get3A_85 = arith.constant 0 : index
    %get3A_86 = arith.constant 0 : index
    %get3A_87 = vector.load %arg6[%get3A_84, %get3A_85, %get3A_86] : memref<1x256x1024xf32, #tpu.memory_space<vmem>>, vector<1x256x1024xf32>
    %get3A_88 = vector.shape_cast %get3A_87 : vector<1x256x1024xf32> to vector<256x1024xf32>
    %add3A_89 = arith.addf %select_n3A_83, %get3A_88 : vector<256x1024xf32>
    %swap3A = arith.constant 0 : index
    %swap3A_90 = arith.constant 0 : index
    %swap3A_91 = arith.constant 0 : index
    %swap3A_92 = vector.load %arg7[%swap3A, %swap3A_90, %swap3A_91] : memref<1x256x1024xf32, #tpu.memory_space<vmem>>, vector<1x256x1024xf32>
    %swap3A_93 = vector.shape_cast %swap3A_92 : vector<1x256x1024xf32> to vector<256x1024xf32>
    %swap3A_94 = vector.shape_cast %add3A_89 : vector<256x1024xf32> to vector<1x256x1024xf32>
    tpu.vector_store %arg7[%swap3A, %swap3A_90, %swap3A_91], %swap3A_94 {strides = array<i32>} : memref<1x256x1024xf32, #tpu.memory_space<vmem>>, vector<1x256x1024xf32>,
    return
  }
  func.func @transform_0(%arg0: i32) -> (i32, i32, i32) {
    %c0_i32 = arith.constant 0 : i32
    %c0_i32_0 = arith.constant 0 : i32
    %c0_i32_1 = arith.constant 0 : i32
    return %arg0, %c0_i32, %c0_i32_0 : i32, i32, i32
  }
  func.func @transform_1(%arg0: i32) -> (i32, i32, i32) {
    %c0_i32 = arith.constant 0 : i32
    %c0_i32_0 = arith.constant 0 : i32
    %c0_i32_1 = arith.constant 0 : i32
    return %arg0, %c0_i32, %c0_i32_0 : i32, i32, i32
  }
  func.func @transform_2(%arg0: i32) -> (i32, i32, i32) {
    %c0_i32 = arith.constant 0 : i32
    %c0_i32_0 = arith.constant 0 : i32
    %c0_i32_1 = arith.constant 0 : i32
    return %arg0, %c0_i32, %c0_i32_0 : i32, i32, i32
  }
  func.func @transform_3(%arg0: i32) -> (i32, i32) {
    %c0_i32 = arith.constant 0 : i32
    %c0_i32_0 = arith.constant 0 : i32
    %c0_i32_1 = arith.constant 0 : i32
    return %c0_i32, %c0_i32_0 : i32, i32
  }
  func.func @transform_4(%arg0: i32) -> (i32, i32) {
    %c0_i32 = arith.constant 0 : i32
    %c0_i32_0 = arith.constant 0 : i32
    %c0_i32_1 = arith.constant 0 : i32
    return %c0_i32, %c0_i32_0 : i32, i32
  }
  func.func @transform_5(%arg0: i32) -> (i32, i32, i32) {
    %c0_i32 = arith.constant 0 : i32
    %c0_i32_0 = arith.constant 0 : i32
    %c0_i32_1 = arith.constant 0 : i32
    return %arg0, %c0_i32, %c0_i32_0 : i32, i32, i32
  }
  func.func @transform_6(%arg0: i32) -> (i32, i32, i32) {
    %c0_i32 = arith.constant 0 : i32
    %c0_i32_0 = arith.constant 0 : i32
    %c0_i32_1 = arith.constant 0 : i32
    return %arg0, %c0_i32, %c0_i32_0 : i32, i32, i32
  }
}

module attributes {stable_mosaic.version = 14 : i64} {
  func.func @_mlp_body(%arg0: i32, %arg1: i32, %arg2: memref<1x2048x256xf32, #tpu.memory_space<vmem>>, %arg3: memref<1x128x256xf32, #tpu.memory_space<vmem>>, %arg4: memref<1x8x4x256xf32, #tpu.memory_space<vmem>>, %arg5: memref<1x2x256xf32, #tpu.memory_space<vmem>>, %arg6: memref<1x256xf32, #tpu.memory_space<vmem>>, %arg7: memref<1x256xf32, #tpu.memory_space<vmem>>, %arg8: memref<256x256xf32, #tpu.memory_space<vmem>>, %arg9: memref<1x256xf32, #tpu.memory_space<vmem>>, %arg10: memref<1x256x128xf32, #tpu.memory_space<vmem>>, %arg11: memref<1x256x128xf32, #tpu.memory_space<vmem>>, %arg12: memref<1x2x256xf32, #tpu.memory_space<vmem>>, %arg13: memref<2x256xf32, #tpu.memory_space<vmem>>) attributes {dimension_semantics = [#tpu.dimension_semantics<arbitrary>, #tpu.dimension_semantics<arbitrary>], iteration_bounds = array<i64: 4, 8>, scalar_prefetch = 0 : i64, scratch_operands = 1 : i64, tpu.core_type = #tpu.core_type<tc>, window_params = [{transform_indices = @transform_0, window_bounds = array<i64: 1, 2048, 256>}, {transform_indices = @transform_1, window_bounds = array<i64: 1, 128, 256>}, {transform_indices = @transform_2, window_bounds = array<i64: 1, 8, 4, 256>}, {transform_indices = @transform_3, window_bounds = array<i64: 1, 2, 256>}, {pipeline_mode = #tpu.pipeline_mode<synchronous>, transform_indices = @transform_4, window_bounds = array<i64: 1, 256>}, {pipeline_mode = #tpu.pipeline_mode<synchronous>, transform_indices = @transform_5, window_bounds = array<i64: 1, 256>}, {pipeline_mode = #tpu.pipeline_mode<synchronous>, transform_indices = @transform_6, window_bounds = array<i64: 256, 256>}, {pipeline_mode = #tpu.pipeline_mode<synchronous>, transform_indices = @transform_7, window_bounds = array<i64: 1, 256>}, {transform_indices = @transform_8, window_bounds = array<i64: 1, 256, 128>}, {transform_indices = @transform_9, window_bounds = array<i64: 1, 256, 128>}, {transform_indices = @transform_10, window_bounds = array<i64: 1, 2, 256>}]} {
    %get3A = arith.constant 0 : index
    %get3A_0 = arith.constant 0 : index
    %get3A_1 = arith.constant 0 : index
    %get3A_2 = vector.load %arg3[%get3A, %get3A_0, %get3A_1] : memref<1x128x256xf32, #tpu.memory_space<vmem>>, vector<1x128x256xf32>
    %get3A_3 = vector.shape_cast %get3A_2 : vector<1x128x256xf32> to vector<128x256xf32>
    %eq3A = arith.constant 0 : i32
    %eq3A_4 = arith.cmpi eq, %arg1, %eq3A : i32
    %convert_element_type3A = arith.extui %eq3A_4 : i1 to i32
    %cond3A = arith.constant 0 : i32
    %cond3A_5 = arith.cmpi ne, %convert_element_type3A, %cond3A : i32
    scf.if %cond3A_5 {
      %iota3A = tpu.iota {dimensions = array<i32: 0>} : vector<256x32xi32>
      %jit3A = arith.constant 8 : i32
      %div3A = vector.broadcast %jit3A : i32 to vector<256x32xi32>
      %div3A_65 = arith.divsi %iota3A, %div3A : vector<256x32xi32>
      %sign3A = arith.constant 0 : i32
      %sign3A_66 = vector.broadcast %sign3A : i32 to vector<256x32xi32>
      %sign3A_67 = arith.cmpi sgt, %iota3A, %sign3A_66 : vector<256x32xi32>
      %sign3A_68 = arith.extui %sign3A_67 : vector<256x32xi1> to vector<256x32xi32>
      %sign3A_69 = arith.constant 0 : i32
      %sign3A_70 = vector.broadcast %sign3A_69 : i32 to vector<256x32xi32>
      %sign3A_71 = arith.cmpi slt, %iota3A, %sign3A_70 : vector<256x32xi32>
      %sign3A_72 = arith.extui %sign3A_71 : vector<256x32xi1> to vector<256x32xi32>
      %sign3A_73 = arith.subi %sign3A_68, %sign3A_72 : vector<256x32xi32>
      %sign3A_74 = arith.constant 0 : i32
      %sign3A_75 = arith.cmpi sgt, %jit3A, %sign3A_74 : i32
      %sign3A_76 = arith.extui %sign3A_75 : i1 to i32
      %sign3A_77 = arith.constant 0 : i32
      %sign3A_78 = arith.cmpi slt, %jit3A, %sign3A_77 : i32
      %sign3A_79 = arith.extui %sign3A_78 : i1 to i32
      %sign3A_80 = arith.subi %sign3A_76, %sign3A_79 : i32
      %ne3A_81 = vector.broadcast %sign3A_80 : i32 to vector<256x32xi32>
      %ne3A_82 = arith.cmpi ne, %sign3A_73, %ne3A_81 : vector<256x32xi32>
      %rem3A = vector.broadcast %jit3A : i32 to vector<256x32xi32>
      %rem3A_83 = arith.remsi %iota3A, %rem3A : vector<256x32xi32>
      %ne3A_84 = arith.constant 0 : i32
      %ne3A_85 = vector.broadcast %ne3A_84 : i32 to vector<256x32xi32>
      %ne3A_86 = arith.cmpi ne, %rem3A_83, %ne3A_85 : vector<256x32xi32>
      %and3A = arith.andi %ne3A_82, %ne3A_86 : vector<256x32xi1>
      %sub3A = arith.constant 1 : i32
      %sub3A_87 = vector.broadcast %sub3A : i32 to vector<256x32xi32>
      %sub3A_88 = arith.subi %div3A_65, %sub3A_87 : vector<256x32xi32>
      %select_n3A = arith.select %and3A, %sub3A_88, %div3A_65 : vector<256x32xi1>, vector<256x32xi32>
      %iota3A_89 = tpu.iota {dimensions = array<i32: 1>} : vector<256x32xi32>
      %eq3A_90 = arith.cmpi eq, %select_n3A, %iota3A_89 : vector<256x32xi32>
      %convert_element_type3A_91 = arith.extui %eq3A_90 : vector<256x32xi1> to vector<256x32xi32>
      %convert_element_type3A_92 = arith.sitofp %convert_element_type3A_91 : vector<256x32xi32> to vector<256x32xf32>
      %get3A_93 = arith.constant 0 : index
      %get3A_94 = arith.constant 0 : index
      %get3A_95 = arith.constant 0 : index
      %get3A_96 = arith.constant 0 : index
      %get3A_97 = vector.load %arg4[%get3A_93, %get3A_94, %get3A_95, %get3A_96] : memref<1x8x4x256xf32, #tpu.memory_space<vmem>>, vector<1x8x4x256xf32>
      %get3A_98 = vector.shape_cast %get3A_97 : vector<1x8x4x256xf32> to vector<8x4x256xf32>
      %reduce_sum3A_99 = arith.constant dense<0.000000e+00> : vector<4x256xf32>
      %reduce_sum3A_100 = vector.multi_reduction <add>, %get3A_98, %reduce_sum3A_99 [0] : vector<8x4x256xf32> to vector<4x256xf32>
      %get3A_101 = arith.constant 0 : index
      %get3A_102 = arith.constant 0 : index
      %get3A_103 = arith.constant 0 : index
      %get3A_104 = vector.load %arg5[%get3A_101, %get3A_102, %get3A_103] : memref<1x2x256xf32, #tpu.memory_space<vmem>>, vector<1x2x256xf32>
      %get3A_105 = vector.shape_cast %get3A_104 : vector<1x2x256xf32> to vector<2x256xf32>
      %slice3A = vector.extract_strided_slice %get3A_105 {offsets = [0, 0], sizes = [1, 256], strides = [1, 1]} : vector<2x256xf32> to vector<1x256xf32>
      %mul3A_106 = arith.constant 1.600000e+01 : f32
      %mul3A_107 = vector.broadcast %mul3A_106 : f32 to vector<1x256xf32>
      %mul3A_108 = arith.mulf %mul3A_107, %slice3A : vector<1x256xf32>
      %slice3A_109 = vector.extract_strided_slice %reduce_sum3A_100 {offsets = [0, 0], sizes = [1, 256], strides = [1, 1]} : vector<4x256xf32> to vector<1x256xf32>
      %add3A_110 = arith.addf %mul3A_108, %slice3A_109 : vector<1x256xf32>
      %slice3A_111 = vector.extract_strided_slice %get3A_105 {offsets = [1, 0], sizes = [1, 256], strides = [1, 1]} : vector<2x256xf32> to vector<1x256xf32>
      %mul3A_112 = arith.constant 1.600000e+01 : f32
      %mul3A_113 = vector.broadcast %mul3A_112 : f32 to vector<1x256xf32>
      %mul3A_114 = arith.mulf %mul3A_113, %slice3A_111 : vector<1x256xf32>
      %slice3A_115 = vector.extract_strided_slice %reduce_sum3A_100 {offsets = [1, 0], sizes = [1, 256], strides = [1, 1]} : vector<4x256xf32> to vector<1x256xf32>
      %add3A_116 = arith.addf %mul3A_114, %slice3A_115 : vector<1x256xf32>
      %slice3A_117 = vector.extract_strided_slice %reduce_sum3A_100 {offsets = [2, 0], sizes = [1, 256], strides = [1, 1]} : vector<4x256xf32> to vector<1x256xf32>
      %mul3A_118 = arith.constant 2.000000e+00 : f32
      %mul3A_119 = vector.broadcast %mul3A_118 : f32 to vector<1x256xf32>
      %mul3A_120 = arith.mulf %mul3A_119, %slice3A_117 : vector<1x256xf32>
      %add3A_121 = arith.addf %add3A_116, %mul3A_120 : vector<1x256xf32>
      %concatenate3A_122 = tpu.concatenate %add3A_110, %add3A_121 in 0 : vector<1x256xf32>, vector<1x256xf32> -> vector<2x256xf32>
      %dot_general3A_123 = arith.constant dense<0.000000e+00> : vector<2x32xf32>
      %dot_general3A_124 = tpu.matmul %concatenate3A_122, %convert_element_type3A_92, %dot_general3A_123 {dimension_numbers = #tpu.dot_dimension_numbers<[1], [0], [0], [1], [0, 0, 1, 1], [], []>, transpose_lhs_hint = false} : vector<2x256xf32>, vector<256x32xf32>, vector<2x32xf32> -> vector<2x32xf32>
      %slice3A_125 = vector.extract_strided_slice %dot_general3A_124 {offsets = [0, 0], sizes = [1, 32], strides = [1, 1]} : vector<2x32xf32> to vector<1x32xf32>
      %div3A_126 = arith.constant 1.310720e+05 : f32
      %div3A_127 = vector.broadcast %div3A_126 : f32 to vector<1x32xf32>
      %div3A_128 = arith.divf %slice3A_125, %div3A_127 : vector<1x32xf32>
      %slice3A_129 = vector.extract_strided_slice %dot_general3A_124 {offsets = [1, 0], sizes = [1, 32], strides = [1, 1]} : vector<2x32xf32> to vector<1x32xf32>
      %div3A_130 = arith.constant 1.310720e+05 : f32
      %div3A_131 = vector.broadcast %div3A_130 : f32 to vector<1x32xf32>
      %div3A_132 = arith.divf %slice3A_129, %div3A_131 : vector<1x32xf32>
      %mul3A_133 = arith.mulf %div3A_128, %div3A_128 : vector<1x32xf32>
      %sub3A_134 = arith.subf %div3A_132, %mul3A_133 : vector<1x32xf32>
      %add3A_135 = arith.constant 9.99999974E-6 : f32
      %add3A_136 = vector.broadcast %add3A_135 : f32 to vector<1x32xf32>
      %add3A_137 = arith.addf %sub3A_134, %add3A_136 : vector<1x32xf32>
      %rsqrt3A = math.rsqrt %add3A_137 : vector<1x32xf32>
      %concatenate3A_138 = tpu.concatenate %div3A_128, %rsqrt3A in 0 : vector<1x32xf32>, vector<1x32xf32> -> vector<2x32xf32>
      %transpose3A_139 = tpu.transpose %convert_element_type3A_92, [1, 0] : vector<256x32xf32> -> vector<32x256xf32>
      %dot_general3A_140 = arith.constant dense<0.000000e+00> : vector<2x256xf32>
      %dot_general3A_141 = tpu.matmul %concatenate3A_138, %transpose3A_139, %dot_general3A_140 {dimension_numbers = #tpu.dot_dimension_numbers<[1], [0], [0], [1], [0, 0, 1, 1], [], []>, transpose_lhs_hint = false} : vector<2x32xf32>, vector<32x256xf32>, vector<2x256xf32> -> vector<2x256xf32>
      %get3A_142 = arith.constant 0 : index
      %get3A_143 = arith.constant 0 : index
      %get3A_144 = vector.load %arg6[%get3A_142, %get3A_143] : memref<1x256xf32, #tpu.memory_space<vmem>>, vector<1x256xf32>
      %slice3A_145 = vector.extract_strided_slice %dot_general3A_141 {offsets = [1, 0], sizes = [1, 256], strides = [1, 1]} : vector<2x256xf32> to vector<1x256xf32>
      %mul3A_146 = arith.mulf %get3A_144, %slice3A_145 : vector<1x256xf32>
      %get3A_147 = arith.constant 0 : index
      %get3A_148 = arith.constant 0 : index
      %get3A_149 = vector.load %arg7[%get3A_147, %get3A_148] : memref<1x256xf32, #tpu.memory_space<vmem>>, vector<1x256xf32>
      %slice3A_150 = vector.extract_strided_slice %dot_general3A_141 {offsets = [0, 0], sizes = [1, 256], strides = [1, 1]} : vector<2x256xf32> to vector<1x256xf32>
      %mul3A_151 = arith.mulf %slice3A_150, %mul3A_146 : vector<1x256xf32>
      %sub3A_152 = arith.subf %get3A_149, %mul3A_151 : vector<1x256xf32>
      %concatenate3A_153 = tpu.concatenate %mul3A_146, %sub3A_152 in 0 : vector<1x256xf32>, vector<1x256xf32> -> vector<2x256xf32>
      %swap3A_154 = arith.constant 0 : index
      %swap3A_155 = arith.constant 0 : index
      %swap3A_156 = vector.load %arg13[%swap3A_154, %swap3A_155] : memref<2x256xf32, #tpu.memory_space<vmem>>, vector<2x256xf32>
      tpu.vector_store %arg13[%swap3A_154, %swap3A_155], %concatenate3A_153 {strides = array<i32>} : memref<2x256xf32, #tpu.memory_space<vmem>>, vector<2x256xf32>,
    } else {
    }
    %get3A_6 = arith.constant 0 : index
    %get3A_7 = arith.constant 0 : index
    %get3A_8 = vector.load %arg13[%get3A_6, %get3A_7] : memref<2x256xf32, #tpu.memory_space<vmem>>, vector<1x256xf32>
    %get3A_9 = arith.constant 1 : index
    %get3A_10 = arith.constant 0 : index
    %get3A_11 = vector.load %arg13[%get3A_9, %get3A_10] : memref<2x256xf32, #tpu.memory_space<vmem>>, vector<1x256xf32>
    %get3A_12 = arith.constant 0 : index
    %get3A_13 = arith.constant 0 : index
    %get3A_14 = arith.constant 0 : index
    %get3A_15 = vector.load %arg2[%get3A_12, %get3A_13, %get3A_14] : memref<1x2048x256xf32, #tpu.memory_space<vmem>>, vector<1x2048x256xf32>
    %get3A_16 = vector.shape_cast %get3A_15 : vector<1x2048x256xf32> to vector<2048x256xf32>
    %reshape3A = vector.shape_cast %get3A_16 : vector<2048x256xf32> to vector<128x16x256xf32>
    %broadcast_in_dim3A = vector.shape_cast %get3A_3 : vector<128x256xf32> to vector<128x1x256xf32>
    %add3A = vector.broadcast %broadcast_in_dim3A : vector<128x1x256xf32> to vector<128x16x256xf32>
    %add3A_17 = arith.addf %reshape3A, %add3A : vector<128x16x256xf32>
    %broadcast_in_dim3A_18 = vector.shape_cast %get3A_8 : vector<1x256xf32> to vector<1x1x256xf32>
    %mul3A = vector.broadcast %broadcast_in_dim3A_18 : vector<1x1x256xf32> to vector<128x16x256xf32>
    %mul3A_19 = arith.mulf %add3A_17, %mul3A : vector<128x16x256xf32>
    %broadcast_in_dim3A_20 = vector.shape_cast %get3A_11 : vector<1x256xf32> to vector<1x1x256xf32>
    %add3A_21 = vector.broadcast %broadcast_in_dim3A_20 : vector<1x1x256xf32> to vector<128x16x256xf32>
    %add3A_22 = arith.addf %mul3A_19, %add3A_21 : vector<128x16x256xf32>
    %max3A = arith.constant 0.000000e+00 : f32
    %max3A_23 = vector.broadcast %max3A : f32 to vector<128x16x256xf32>
    %max3A_24 = arith.maximumf %add3A_22, %max3A_23 : vector<128x16x256xf32>
    %reshape3A_25 = vector.shape_cast %max3A_24 : vector<128x16x256xf32> to vector<2048x256xf32>
    %get3A_26 = arith.constant 0 : index
    %get3A_27 = arith.constant 0 : index
    %get3A_28 = vector.load %arg8[%get3A_26, %get3A_27] : memref<256x256xf32, #tpu.memory_space<vmem>>, vector<256x256xf32>
    %dot_general3A = arith.constant dense<0.000000e+00> : vector<2048x256xf32>
    %dot_general3A_29 = tpu.matmul %reshape3A_25, %get3A_28, %dot_general3A {dimension_numbers = #tpu.dot_dimension_numbers<[1], [0], [0], [1], [0, 0, 1, 1], [], []>, transpose_lhs_hint = false} : vector<2048x256xf32>, vector<256x256xf32>, vector<2048x256xf32> -> vector<2048x256xf32>
    %get3A_30 = arith.constant 0 : index
    %get3A_31 = arith.constant 0 : index
    %get3A_32 = vector.load %arg9[%get3A_30, %get3A_31] : memref<1x256xf32, #tpu.memory_space<vmem>>, vector<1x256xf32>
    %add3A_33 = vector.broadcast %get3A_32 : vector<1x256xf32> to vector<2048x256xf32>
    %add3A_34 = arith.addf %dot_general3A_29, %add3A_33 : vector<2048x256xf32>
    %reduce_sum3A = arith.constant dense<0.000000e+00> : vector<256xf32>
    %reduce_sum3A_35 = vector.multi_reduction <add>, %add3A_34, %reduce_sum3A [0] : vector<2048x256xf32> to vector<256xf32>
    %broadcast_in_dim3A_36 = vector.shape_cast %reduce_sum3A_35 : vector<256xf32> to vector<1x256xf32>
    %mul3A_37 = arith.mulf %add3A_34, %add3A_34 : vector<2048x256xf32>
    %reduce_sum3A_38 = arith.constant dense<0.000000e+00> : vector<256xf32>
    %reduce_sum3A_39 = vector.multi_reduction <add>, %mul3A_37, %reduce_sum3A_38 [0] : vector<2048x256xf32> to vector<256xf32>
    %broadcast_in_dim3A_40 = vector.shape_cast %reduce_sum3A_39 : vector<256xf32> to vector<1x256xf32>
    %concatenate3A = tpu.concatenate %broadcast_in_dim3A_36, %broadcast_in_dim3A_40 in 0 : vector<1x256xf32>, vector<1x256xf32> -> vector<2x256xf32>
    %eq3A_41 = arith.constant 0 : i32
    %eq3A_42 = arith.cmpi eq, %arg1, %eq3A_41 : i32
    %convert_element_type3A_43 = arith.extui %eq3A_42 : i1 to i32
    %cond3A_44 = arith.constant 0 : i32
    %cond3A_45 = arith.cmpi ne, %convert_element_type3A_43, %cond3A_44 : i32
    scf.if %cond3A_45 {
      %swap3A_65 = arith.constant 0 : index
      %swap3A_66 = arith.constant 0 : index
      %swap3A_67 = arith.constant 0 : index
      %swap3A_68 = vector.load %arg12[%swap3A_65, %swap3A_66, %swap3A_67] : memref<1x2x256xf32, #tpu.memory_space<vmem>>, vector<1x2x256xf32>
      %swap3A_69 = vector.shape_cast %swap3A_68 : vector<1x2x256xf32> to vector<2x256xf32>
      %swap3A_70 = vector.shape_cast %concatenate3A : vector<2x256xf32> to vector<1x2x256xf32>
      tpu.vector_store %arg12[%swap3A_65, %swap3A_66, %swap3A_67], %swap3A_70 {strides = array<i32>} : memref<1x2x256xf32, #tpu.memory_space<vmem>>, vector<1x2x256xf32>,
    } else {
    }
    %ne3A = arith.constant 0 : i32
    %ne3A_46 = arith.cmpi ne, %arg1, %ne3A : i32
    %convert_element_type3A_47 = arith.extui %ne3A_46 : i1 to i32
    %cond3A_48 = arith.constant 0 : i32
    %cond3A_49 = arith.cmpi ne, %convert_element_type3A_47, %cond3A_48 : i32
    scf.if %cond3A_49 {
      %get3A_65 = arith.constant 0 : index
      %get3A_66 = arith.constant 0 : index
      %get3A_67 = arith.constant 0 : index
      %get3A_68 = vector.load %arg12[%get3A_65, %get3A_66, %get3A_67] : memref<1x2x256xf32, #tpu.memory_space<vmem>>, vector<1x2x256xf32>
      %get3A_69 = vector.shape_cast %get3A_68 : vector<1x2x256xf32> to vector<2x256xf32>
      %add3A_70 = arith.addf %get3A_69, %concatenate3A : vector<2x256xf32>
      %swap3A_71 = arith.constant 0 : index
      %swap3A_72 = arith.constant 0 : index
      %swap3A_73 = arith.constant 0 : index
      %swap3A_74 = vector.load %arg12[%swap3A_71, %swap3A_72, %swap3A_73] : memref<1x2x256xf32, #tpu.memory_space<vmem>>, vector<1x2x256xf32>
      %swap3A_75 = vector.shape_cast %swap3A_74 : vector<1x2x256xf32> to vector<2x256xf32>
      %swap3A_76 = vector.shape_cast %add3A_70 : vector<2x256xf32> to vector<1x2x256xf32>
      tpu.vector_store %arg12[%swap3A_71, %swap3A_72, %swap3A_73], %swap3A_76 {strides = array<i32>} : memref<1x2x256xf32, #tpu.memory_space<vmem>>, vector<1x2x256xf32>,
    } else {
    }
    %reshape3A_50 = vector.shape_cast %add3A_34 : vector<2048x256xf32> to vector<128x16x256xf32>
    %reduce_max3A = arith.constant dense<0xFF800000> : vector<128x256xf32>
    %reduce_max3A_51 = vector.multi_reduction <maximumf>, %reshape3A_50, %reduce_max3A [1] : vector<128x16x256xf32> to vector<128x256xf32>
    %transpose3A = tpu.transpose %reduce_max3A_51, [1, 0] : vector<128x256xf32> -> vector<256x128xf32>
    %swap3A = arith.constant 0 : index
    %swap3A_52 = arith.constant 0 : index
    %swap3A_53 = arith.constant 0 : index
    %swap3A_54 = vector.load %arg10[%swap3A, %swap3A_52, %swap3A_53] : memref<1x256x128xf32, #tpu.memory_space<vmem>>, vector<1x256x128xf32>
    %swap3A_55 = vector.shape_cast %swap3A_54 : vector<1x256x128xf32> to vector<256x128xf32>
    %swap3A_56 = vector.shape_cast %transpose3A : vector<256x128xf32> to vector<1x256x128xf32>
    tpu.vector_store %arg10[%swap3A, %swap3A_52, %swap3A_53], %swap3A_56 {strides = array<i32>} : memref<1x256x128xf32, #tpu.memory_space<vmem>>, vector<1x256x128xf32>,
    %reduce_min3A = arith.constant dense<0x7F800000> : vector<128x256xf32>
    %reduce_min3A_57 = vector.multi_reduction <minimumf>, %reshape3A_50, %reduce_min3A [1] : vector<128x16x256xf32> to vector<128x256xf32>
    %transpose3A_58 = tpu.transpose %reduce_min3A_57, [1, 0] : vector<128x256xf32> -> vector<256x128xf32>
    %swap3A_59 = arith.constant 0 : index
    %swap3A_60 = arith.constant 0 : index
    %swap3A_61 = arith.constant 0 : index
    %swap3A_62 = vector.load %arg11[%swap3A_59, %swap3A_60, %swap3A_61] : memref<1x256x128xf32, #tpu.memory_space<vmem>>, vector<1x256x128xf32>
    %swap3A_63 = vector.shape_cast %swap3A_62 : vector<1x256x128xf32> to vector<256x128xf32>
    %swap3A_64 = vector.shape_cast %transpose3A_58 : vector<256x128xf32> to vector<1x256x128xf32>
    tpu.vector_store %arg11[%swap3A_59, %swap3A_60, %swap3A_61], %swap3A_64 {strides = array<i32>} : memref<1x256x128xf32, #tpu.memory_space<vmem>>, vector<1x256x128xf32>,
    return
  }
  func.func @transform_0(%arg0: i32, %arg1: i32) -> (i32, i32, i32) {
    %c0_i32 = arith.constant 0 : i32
    %c0_i32_0 = arith.constant 0 : i32
    return %arg0, %arg1, %c0_i32 : i32, i32, i32
  }
  func.func @transform_1(%arg0: i32, %arg1: i32) -> (i32, i32, i32) {
    %c0_i32 = arith.constant 0 : i32
    %c0_i32_0 = arith.constant 0 : i32
    return %arg0, %arg1, %c0_i32 : i32, i32, i32
  }
  func.func @transform_2(%arg0: i32, %arg1: i32) -> (i32, i32, i32, i32) {
    %c0_i32 = arith.constant 0 : i32
    %c0_i32_0 = arith.constant 0 : i32
    %c0_i32_1 = arith.constant 0 : i32
    %c0_i32_2 = arith.constant 0 : i32
    return %arg0, %c0_i32, %c0_i32_0, %c0_i32_1 : i32, i32, i32, i32
  }
  func.func @transform_3(%arg0: i32, %arg1: i32) -> (i32, i32, i32) {
    %c0_i32 = arith.constant 0 : i32
    %c0_i32_0 = arith.constant 0 : i32
    %c0_i32_1 = arith.constant 0 : i32
    return %arg0, %c0_i32, %c0_i32_0 : i32, i32, i32
  }
  func.func @transform_4(%arg0: i32, %arg1: i32) -> (i32, i32) {
    %c0_i32 = arith.constant 0 : i32
    %c0_i32_0 = arith.constant 0 : i32
    %c0_i32_1 = arith.constant 0 : i32
    return %c0_i32, %c0_i32_0 : i32, i32
  }
  func.func @transform_5(%arg0: i32, %arg1: i32) -> (i32, i32) {
    %c0_i32 = arith.constant 0 : i32
    %c0_i32_0 = arith.constant 0 : i32
    %c0_i32_1 = arith.constant 0 : i32
    return %c0_i32, %c0_i32_0 : i32, i32
  }
  func.func @transform_6(%arg0: i32, %arg1: i32) -> (i32, i32) {
    %c0_i32 = arith.constant 0 : i32
    %c0_i32_0 = arith.constant 0 : i32
    %c0_i32_1 = arith.constant 0 : i32
    return %c0_i32, %c0_i32_0 : i32, i32
  }
  func.func @transform_7(%arg0: i32, %arg1: i32) -> (i32, i32) {
    %c0_i32 = arith.constant 0 : i32
    %c0_i32_0 = arith.constant 0 : i32
    %c0_i32_1 = arith.constant 0 : i32
    return %c0_i32, %c0_i32_0 : i32, i32
  }
  func.func @transform_8(%arg0: i32, %arg1: i32) -> (i32, i32, i32) {
    %c0_i32 = arith.constant 0 : i32
    %c0_i32_0 = arith.constant 0 : i32
    return %arg0, %c0_i32, %arg1 : i32, i32, i32
  }
  func.func @transform_9(%arg0: i32, %arg1: i32) -> (i32, i32, i32) {
    %c0_i32 = arith.constant 0 : i32
    %c0_i32_0 = arith.constant 0 : i32
    return %arg0, %c0_i32, %arg1 : i32, i32, i32
  }
  func.func @transform_10(%arg0: i32, %arg1: i32) -> (i32, i32, i32) {
    %c0_i32 = arith.constant 0 : i32
    %c0_i32_0 = arith.constant 0 : i32
    %c0_i32_1 = arith.constant 0 : i32
    return %arg0, %c0_i32, %c0_i32_0 : i32, i32, i32
  }
}

</mosaic_0001>

<sc_bundles>
// kernel: kernel.6.cloned.1.call-start
scs
__scs_entry_jumppad:
0x0: {  	(pc) =	sbr.rel $0x88, $3  }
0x1: {  	(tag) =	ssettag $0x0;
	lr =	simm.s32 $0x1  }
0x2: {  	[smem:$0x3F98] =	sst lr;
	_ =	strace $0xD0000000  }
0x3: {  	_ = 	snop  }
0x4: {  	_ = 	snop  }
0x5: {  	_ = 	snop  }
0x6: {  	_ = 	snop  }
0x7: {  	_ = 	snop  }
__scs_overlays_trampoline_lowered:
0x8: {  	[smem:$0x3FA7] =	sst s0  }
0x9: {  	[smem:$0x3FA8] =	sst s1  }
0xa: {  	[smem:$0x3FA9] =	sst s2  }
0xb: {  	[smem:$0x3FAA] =	sst s3  }
0xc: {  	[smem:$0x3FAB] =	sst s4  }
0xd: {  	[smem:$0x3FAC] =	sst s5  }
0xe: {  	[smem:$0x3FAD] =	sst s6  }
0xf: {  	[smem:$0x3FAE] =	sst s7  }
0x10: {  	[smem:$0x3FAF] =	sst s8  }
0x11: {  	[smem:$0x3FB0] =	sst s9;
	s0 =	simm.s32 @!p0 $0x0  }
0x12: {  	s1 =	sld [smem:$0x3F96];
	s0 =	simm.s32 @p0 $0x1  }
0x13: {  	[smem:$0x3FB1] =	sst s0;
	s0 =	simm.s32 @!p1 $0x0  }
0x14: {  	s2 =	sld [smem:$0x3F95];
	s0 =	simm.s32 @p1 $0x1  }
0x15: {  	[smem:$0x3FB2] =	sst s0;
	s0 =	simm.s32 @!p2 $0x0  }
0x16: {  	s3 =	sld [smem:$0x3FDB];
	s0 =	simm.s32 @p2 $0x1  }
0x17: {  	s4 =	simm.s32 $0x1BF5;
	[smem:$0x3FB4] =	sst s0  }
0x18: {  	s0 =	sld [smem:$0x3F97];
	_ =	swait.ge [sflag:s4], $0x0  }
0x19: {  	s7 =	sld [smem:$0x3F98]  }
0x1a: {  	s8 =	sadd.s32 $0xFFFFE003, lr  }
0x1b: {  	s9 =	sadd.s32 $0xFFFFFEF7, lr;
	s5 =	simm.s32 $0xFFFFFFFF;
	p2 =	slt.u32 s8, $0xFFFFF086  }
0x1c: {  	p1 =	slt.u32 s9, $0xF7A;
	s5 =	simm.s32 @!p2 $0x0  }
0x1d: {  	s5 =	simm.s32 @p1 $0x1;
	p0 =	seq.s32 s7, s2  }
0x1e: {  	s7 =	smul.u32 @!p0 $0xF7A, s2;
	p2 =	seq.s32 @!p0 s5, $0x0  }
0x1f: {  	s9 =	smul.u32 $0xF7A, s1;
	s8 =	simm.s32 @!p0 $0x1BF5;
	p2 =	por !p2, p0  }
0x20: {  	[sflag:s8] =	ssyncset.s32 @!p0 $0xFFFFF086;
	s6 =	sadd.s32 @!p0 s3, s7;
	s7 =	simm.s32 @!p0 $0x108  }
0x21: {  	s3 =	sadd.s32 s3, s9;
	s6 =	sadd.s32 @!p0 $0x88, s6;
	s7 =	simm.s32 @p2 $0x1082  }
0x22: {  	[simem:s7], [sflag:s8] =	dma.local @!p0 [hbm:s6], $0xF7A  }
0x23: {  	s9 =	sor.u32 $0xD0000000, s2;
	s6 =	simm.s32 $0x108;
	_ =	swait.ge @!p0 [sflag:s8], $0x0  }
0x24: {  	s3 =	sadd.s32 $0x88, s3;
	s6 =	simm.s32 @!p1 $0x1082;
	[sflag:s4] =	ssyncset.s32 $0xFFFFF086  }
0x25: {  	[simem:s6], [sflag:s4] =	dma.local [hbm:s3], $0xF7A  }
0x26: {  	[smem:$0x3F98] =	sst s1;
	(tag) =	ssettag s2;
	_ =	strace s9  }
0x27: {  	s1 =	sld [smem:$0x3FA8]  }
0x28: {  	s2 =	sld [smem:$0x3FA9]  }
0x29: {  	s4 =	sld [smem:$0x3FAB]  }
0x2a: {  	p0 =	seq.s32 s5, $0x0;
	s5 =	sld [smem:$0x3FAC]  }
0x2b: {  	s6 =	sld [smem:$0x3FAD]  }
0x2c: {  	s7 =	sld [smem:$0x3FAE]  }
0x2d: {  	s3 =	simm.s32 $0x108;
	s8 =	sld [smem:$0x3FAF]  }
0x2e: {  	s3 =	simm.s32 @!p0 $0x1082;
	s9 =	sld [smem:$0x3FB0]  }
0x2f: {  	lr =	sadd.s32 s0, s3;
	s0 =	sld [smem:$0x3FA7]  }
0x30: {  	s3 =	sld [smem:$0x3FAA]  }
0x31: {  	[smem:$0x3FB3] =	sst s10  }
0x32: {  	s10 =	sld [smem:$0x3FB1];
	_ =	sdelay $0x3  }
0x33: {  	p0 =	seq.s32 s10, $0x1;
	s10 =	sld [smem:$0x3FB3];
	_ =	sdelay $0x3  }
0x34: {  	[smem:$0x3FB3] =	sst s10  }
0x35: {  	s10 =	sld [smem:$0x3FB2];
	_ =	sdelay $0x3  }
0x36: {  	p1 =	seq.s32 s10, $0x1;
	s10 =	sld [smem:$0x3FB3];
	_ =	sdelay $0x3  }
0x37: {  	[smem:$0x3FB3] =	sst s10  }
0x38: {  	s10 =	sld [smem:$0x3FB4]  }
0x39: {  	_ = 	snop;
	(pc) =	sbr.ind lr, $3  }
0x3a: {  	_ = 	snop  }
0x3b: {  	_ = 	snop  }
0x3c: {  	p2 =	seq.s32 s10, $0x1;
	s10 =	sld [smem:$0x3FB3]  }
0x3d: {  	_ =	shalt  }
0x3e: {  	_ =	shalt  }
0x3f: {  	_ =	shalt  }
0x40: {  	_ =	shalt  }
0x41: {  	_ =	shalt  }
0x42: {  	_ =	shalt  }
0x43: {  	_ =	shalt  }
0x44: {  	_ =	shalt  }
0x45: {  	_ =	shalt  }
0x46: {  	_ =	shalt  }
0x47: {  	_ =	shalt  }
0x48: {  	_ =	shalt  }
0x49: {  	_ =	shalt  }
0x4a: {  	_ =	shalt  }
0x4b: {  	_ =	shalt  }
0x4c: {  	_ =	shalt  }
0x4d: {  	_ =	shalt  }
0x4e: {  	_ =	shalt  }
0x4f: {  	_ =	shalt  }
0x50: {  	_ =	shalt  }
0x51: {  	_ =	shalt  }
0x52: {  	_ =	shalt  }
0x53: {  	_ =	shalt  }
0x54: {  	_ =	shalt  }
0x55: {  	_ =	shalt  }
0x56: {  	_ =	shalt  }
0x57: {  	_ =	shalt  }
0x58: {  	_ =	shalt  }
0x59: {  	_ =	shalt  }
0x5a: {  	_ =	shalt  }
0x5b: {  	_ =	shalt  }
0x5c: {  	_ =	shalt  }
0x5d: {  	_ =	shalt  }
0x5e: {  	_ =	shalt  }
0x5f: {  	_ =	shalt  }
0x60: {  	_ =	shalt  }
0x61: {  	_ =	shalt  }
0x62: {  	_ =	shalt  }
0x63: {  	_ =	shalt  }
0x64: {  	_ =	shalt  }
0x65: {  	_ =	shalt  }
0x66: {  	_ =	shalt  }
0x67: {  	_ =	shalt  }
0x68: {  	_ =	shalt  }
0x69: {  	_ =	shalt  }
0x6a: {  	_ =	shalt  }
0x6b: {  	_ =	shalt  }
0x6c: {  	_ =	shalt  }
0x6d: {  	_ =	shalt  }
0x6e: {  	_ =	shalt  }
0x6f: {  	_ =	shalt  }
0x70: {  	_ =	shalt  }
0x71: {  	_ =	shalt  }
0x72: {  	_ =	shalt  }
0x73: {  	_ =	shalt  }
0x74: {  	_ =	shalt  }
0x75: {  	_ =	shalt  }
0x76: {  	_ =	shalt  }
0x77: {  	_ =	shalt  }
0x78: {  	_ =	shalt  }
0x79: {  	_ =	shalt  }
0x7a: {  	_ =	shalt  }
0x7b: {  	_ =	shalt  }
0x7c: {  	_ =	shalt  }
0x7d: {  	_ =	shalt  }
0x7e: {  	_ =	shalt  }
0x7f: {  	_ =	shalt  }
0x80: {  	_ =	shalt  }
0x81: {  	_ =	shalt  }
0x82: {  	_ =	shalt  }
0x83: {  	_ =	shalt  }
0x84: {  	_ =	shalt  }
0x85: {  	_ =	shalt  }
0x86: {  	_ =	shalt  }
0x87: {  	_ =	shalt  }
.Lfunc_end0:
.L_simem_size_0:
called_computation_lowered:
.L_overlay_start_0:
0x88: {  	s2 =	sld [smem:$0x3FD9]  }
0x89: {  	s3 =	sld [smem:$0x3FFE];
	_ =	sdelay $0x1  }
0x8a: {  	s1 =	srdreg.scid  }
0x8b: {  	s0 =	sand.u32 $0x1, s1  }
0x8c: {  	s17 =	sshll.u32 s0, $0xA;
	s2 =	sadd.s32 s3, s2  }
0x8d: {  	s2 =	sadd.s32 s2, s17  }
0x8e: {  	[smem:$0x3FBF] =	sst s2  }
0x8f: {  	_ = 	snop  }
0x90: {  	s2 =	sld [smem:$0x3FD0];
	(tm) =	ssettm $0x1  }
0x91: {  	s18 =	sld [smem:$0x3FFB];
	_ =	sdelay $0x3  }
0x92: {  	_ =	strace s18  }
0x93: {  	s3 =	sld [smem:$0x3FFC];
	_ =	sdelay $0x3  }
0x94: {  	_ =	strace s3  }
0x95: {  	s3 =	sld [smem:$0x3FFD];
	_ =	sdelay $0x3  }
0x96: {  	_ =	strace s3  }
0x97: {  	_ =	strace $0x8FFFFFFF  }
0x98: {  	s19 =	sld [smem:$0x3FDB];
	_ =	sdelay $0x1  }
0x99: {  	s4 =	simm.s32 $_scs_section_size  }
0x9a: {  	s5 =	simm.s32 $_size__tile_overlayer_lowered;
	s6 =	simm.s32 $_tile_overlayer_lowered  }
0x9b: {  	s22 =	simm.s32 $0x1BFF;
	s21 =	sshll.u32 s6, $0x1;
	s3 =	sadd.s32 s4, s19  }
0x9c: {  	s7 =	simm.s32 $0x0;
	s20 =	sshll.u32 s5, $0x1;
	s5 =	sadd.s32 s21, s3  }
0x9d: {  	[timem:s7], [sflag:s22] =	dma.local [hbm:s5], s20  }
0x9e: {  	_ =	swait.ge [sflag:s22], s20  }
0x9f: {  	s4 =	ssub.s32 $0x0, s20;
	[sflag:s22] =	ssyncset.done $0x0  }
0xa0: {  	[sflag:s22] =	ssyncadd.s32 s4;
	_ =	sdelay $0x1  }
0xa1: {  	s23 =	simm.s32 $0x1B8B  }
0xa2: {  	_ =	swait.ge [sflag:s23], $0x1  }
0xa3: {  	[sflag:s23] =	ssyncset.done $0x0  }
0xa4: {  	s25 =	simm.s32 $0x1B8E;
	s24 =	sld [smem:$0x3FFE];
	[sflag:s23] =	ssyncadd.s32 $0xFFFFFFFF  }
0xa5: {  	s26 =	simm.s32 $execute0_lowered;
	[smem:$0x3FD2] =	sst s25  }
0xa6: {  	s5 =	sshll.u32 s26, $0x1;
	_ =	strace $0x80000046;
	[dreg:$0x1] =	wrdreg $0xFFFFFFFF  }
0xa7: {  	s28 =	simm.s32 $_size_execute0_lowered;
	s3 =	sadd.s32 s3, s5;
	[dreg:$0x0] =	wrdreg $0x0  }
0xa8: {  	s5 =	sshll.u32 s28, $0x1;
	[dreg:$0x2] =	wrdreg s3  }
0xa9: {  	[dreg:$0x3] =	wrdreg s5  }
0xaa: {  	[dreg:$0x4] =	wrdreg $0xC0  }
0xab: {  	_ =	task [dreg:s7], $0x5FFFF  }
0xac: {  	[dreg:$0x1] =	wrdreg $0xFFFFFFFF  }
0xad: {  	[dreg:$0x0] =	wrdreg $0x60  }
0xae: {  	[dreg:$0x2] =	wrdreg s2  }
0xaf: {  	[dreg:$0x3] =	wrdreg s24  }
0xb0: {  	[dreg:$0x4] =	wrdreg $0x9  }
0xb1: {  	_ =	task.clear_ibuf [dreg:s7], $0x5FFFF;
	_ =	strace $0x90000046  }
0xb2: {  	s29 =	simm.s32 $0x9;
	_ =	strace $0x80000048  }
0xb3: {  	_ =	swait.ge [sflag:s29], $0x1  }
0xb4: {  	[sflag:s29] =	ssyncadd.s32 $0xFFFFFFFF  }
0xb5: {  	_ =	strace $0x90000048  }
0xb6: {  	_ =	sfence  }
0xb7: {  	s30 =	sld [smem:$0x0];
	_ =	sdelay $0x2  }
0xb8: {  	s31 =	sshll.u32 s1, $0xD;
	s1 =	sshrl.u32 s1, $0x2  }
0xb9: {  	s3 =	sand.u32 $0x4000, s31;
	s1 =	sadd.s32 s1, s30  }
0xba: {  	s0 =	sor.u32 s3, s0;
	s1 =	sshll.u32 s1, $0x11  }
0xbb: {  	s0 =	sor.u32 s1, s0  }
0xbc: {  	s0 =	sadd.s32 $0x8F2B, s0  }
0xbd: {  	[sflag:s0] =	ssyncadd.remote.s32 $0x1  }
0xbe: {  	_ =	sfence.sel $0xFFFF  }
0xbf: {  	[dreg:$0x0] =	wrdreg $0xFFFFFFFF;
	(pc) =	sbr.abs _section_cstart, $3  }
0xc0: {  	[dreg:$0x1] =	wrdreg $0xFFFFFFFF  }
0xc1: {  	_ =	task.clear_ibuf [dreg:s7], $0x2FFFF;
	_ =	strace $0x9FFFFFFF  }
0xc2: {  	(tm) =	ssettm $0x7FFFFFFF  }
0xc3: {  	_ =	shalt  }
tec
execute0_lowered:
.L_overlay_start_1:
0x0: {  	(tag) =	ssettag $0x1  }
0x1: {  	s2 =	rddreg [dreg:$0x0]  }
0x2: {  	s0 =	srdreg.scid;
	s3 =	stileid.u32  }
0x3: {  	s1 =	rddreg [dreg:$0x1];
	s13 =	simm.s32 $0x8800;
	s30 =	simm.s32 $0x10800  }
0x4: {  	s15 =	simm.s32 $0x17000;
	s16 =	simm.s32 $0x17800;
	s17 =	simm.s32 $0x18000  }
0x5: {  	s18 =	simm.s32 $0x1;
	s19 =	simm.s32 $0x3;
	s20 =	simm.s32 $0x2  }
0x6: {  	s0 =	sand.u32 $0x1, s0;
	s4 =	sshll.u32 s3, $0x1;
	s3 =	simm.s32 $0x0  }
0x7: {  	s21 =	simm.s32 $0x4;
	s4 =	sor.u32 s0, s4;
	[smem:$0x7FF] =	sst s3  }
0x8: {  	s0 =	ssub.s32 $0x2, s0;
	s5 =	sshll.u32 s4, $0x8;
	s6 =	sshll.u32 s4, $0xC  }
0x9: {  	_ =	strace $0x80000047;
	s7 =	sshll.u32 s4, $0x10;
	s5 =	sadd.s32 s5, s1  }
0xa: {  	s4 =	sshll.u32 s4, $0x7;
	s6 =	sadd.s32 s6, s1;
	s26 =	sadd.s32 $0x22800, s5  }
0xb: {  	s7 =	sadd.s32 s7, s1;
	s28 =	sadd.s32 $0x2800, s6;
	[dreg:$0x3] =	wrdreg s26  }
0xc: {  	s25 =	sshrl.u32 s0, $0x1;
	s29 =	sadd.s32 $0x33800, s7;
	[dreg:$0x4] =	wrdreg s28  }
0xd: {  	s1 =	sadd.s32 s4, s1;
	s31 =	sadd.s32 $0x34800, s7;
	[dreg:$0x5] =	wrdreg s29  }
0xe: {  	v3 =	vlaneseq.u32;
	s0 =	ssub.s32 s0, s25;
	s1 =	sadd.s32 $0x24800, s1;
	[dreg:$0x6] =	wrdreg s31  }
0xf: {  	v0 =	vimm.f32 $0.0e+00;
	vm0 =	vmmov $0xffff;
	v2 =	vshrl.u32 v3, $0x3;
	s4 =	simm.s32 $0x5;
	s0 =	smax.u32 s0, $0x1;
	[dreg:$0x7] =	wrdreg s1  }
0x10: {  	v1 =	vand.u32 $0x7, v3;
	v3 =	vor.u32 $0x8, v3;
	v2 =	vmul.u32 $0x8, v2;
	s6 =	sadd.s32 $0x25800, s7;
	[dreg:$0x8] =	wrdreg s0;
	s1 =	simm.s32 $0x0  }
.LBB2_1:
0x11: {  	[dreg:$0x9] =	wrdreg s1  }
0x12: {  	s0 =	rddreg [dreg:$0x3]  }
0x13: {  	[tilespmem:s3], [sflag:$0x5] =	stream.linear.gather [hbm4b:s0+s3], $0x800, $0x38;
	[tilespmem:$0x18C00] =	vst v63  }
0x14: {  	_ =	swait.ge [sflag:s4], $0x800  }
0x15: {  	[sflag:s4] =	ssyncset.done $0x0  }
0x16: {  	s28 =	simm.s32 $0x800;
	s26 =	rddreg [dreg:$0x4];
	[sflag:s4] =	ssyncadd.s32 $0xFFFFF800  }
0x17: {  	[tilespmem:s28], [sflag:$0x5] =	stream.linear.gather [hbm4b:s26+s3], $0x8000, $0x38;
	[tilespmem:$0x18C00] =	vst v63  }
0x18: {  	_ =	swait.ge [sflag:s4], $0x8000  }
0x19: {  	s29 =	sand.u32 $0x70, s3;
	s31 =	sand.u32 $0x200, s3;
	[sflag:s4] =	ssyncset.done $0x0  }
0x1a: {  	[sflag:s4] =	ssyncadd.s32 $0xFFFF8000;
	s4 =	sor.u32 s29, s31  }
0x1b: {  	[tilespmem:s4+$0x18980] =	vst v0  }
0x1c: {  	[tilespmem:s4+$0x18800] =	vst v0  }
0x1d: {  	s1 =	simm.s32 $0x0;
	s0 =	simm.s32 $0x10;
	[tilespmem:s4+$0x18880] =	vst v0  }
.LBB2_2:
0x1e: {  	s5 =	sand.u32 $0x70, s0;
	[tilespmem:s4+$0x18900] =	vst v0;
	s1 =	sadd.s32 $0x40, s1;
	p0 =	sne.s32 s0, $0xF0  }
.Ltmp0:
0x1f: {  	s0 =	sadd.s32 $0x10, s0;
	s4 =	sand.u32 $0x200, s1;
	(pc) =	sbr.rel @p0 .LBB2_2-.Ltmp0, $4  }
0x20: {  	s4 =	sor.u32 s5, s4  }
0x21: {  	[tilespmem:s4+$0x18980] =	vst v0  }
0x22: {  	[tilespmem:s4+$0x18800] =	vst v0  }
0x23: {  	[tilespmem:s4+$0x18880] =	vst v0  }
0x24: {  	[tilespmem:s4+$0x18900] =	vst v0  }
0x25: {  	v4 =	vld [tilespmem:$0x0];
	_ =	sdelay $0x4  }
0x26: {  	v5 =	vshll.u32 v4, $0x1  }
0x27: {  	v4 =	vand.u32 $0x7, v4;
	v5 =	vand.u32 $0xFFFFFFF0, v5  }
0x28: {  	v4 =	vor.u32 v4, v5  }
0x29: {  	v5 =	vperm.xlane v4, v1;
	_ =	sdelay $0x1  }
0x2a: {  	v4 =	vperm.xlane v4, v3;
	v5 =	vadd.s32 v2, v5;
	_ =	sdelay $0x1  }
0x2b: {  	v4 =	vadd.s32 v2, v4;
	_ =	sdelay $0x1  }
0x2c: {  	s22 =	simm.s32 $0x0  }
0x2d: {  	[tilespmem:s13], [sflag:$0x1] =	stream.indirect_vreg.gather [hbm4b:s2+s22], $0x80, v5, vm0, $0xb8;
	[tilespmem:$0x18C00] =	vst v63  }
0x2e: {  	s0 =	simm.s32 $0x9000  }
0x2f: {  	[tilespmem:s0], [sflag:$0x1] =	stream.indirect_vreg.gather [hbm4b:s2+s22], $0x80, v4, vm0, $0xb8;
	[tilespmem:$0x18C00] =	vst v63  }
0x30: {  	v4 =	vld [tilespmem:$0x10];
	_ =	sdelay $0x4  }
0x31: {  	v5 =	vshll.u32 v4, $0x1  }
0x32: {  	v4 =	vand.u32 $0x7, v4;
	v5 =	vand.u32 $0xFFFFFFF0, v5  }
0x33: {  	v4 =	vor.u32 v4, v5  }
0x34: {  	v5 =	vperm.xlane v4, v1;
	_ =	sdelay $0x1  }
0x35: {  	v4 =	vperm.xlane v4, v3;
	v5 =	vadd.s32 v2, v5;
	_ =	sdelay $0x1  }
0x36: {  	v4 =	vadd.s32 v2, v4;
	_ =	sdelay $0x1  }
0x37: {  	s12 =	simm.s32 $0x9800  }
0x38: {  	[tilespmem:s12], [sflag:$0x1] =	stream.indirect_vreg.gather [hbm4b:s2+s22], $0x80, v5, vm0, $0xb8;
	[tilespmem:$0x18C00] =	vst v63  }
0x39: {  	s14 =	simm.s32 $0xA000  }
0x3a: {  	[tilespmem:s14], [sflag:$0x1] =	stream.indirect_vreg.gather [hbm4b:s2+s22], $0x80, v4, vm0, $0xb8;
	[tilespmem:$0x18C00] =	vst v63  }
0x3b: {  	v4 =	vld [tilespmem:$0x20];
	_ =	sdelay $0x4  }
0x3c: {  	v5 =	vshll.u32 v4, $0x1  }
0x3d: {  	v4 =	vand.u32 $0x7, v4;
	v5 =	vand.u32 $0xFFFFFFF0, v5  }
0x3e: {  	v4 =	vor.u32 v4, v5  }
0x3f: {  	v5 =	vperm.xlane v4, v1;
	_ =	sdelay $0x1  }
0x40: {  	v4 =	vperm.xlane v4, v3;
	v5 =	vadd.s32 v2, v5;
	_ =	sdelay $0x1  }
0x41: {  	v4 =	vadd.s32 v2, v4;
	_ =	sdelay $0x1  }
0x42: {  	s23 =	simm.s32 $0xA800  }
0x43: {  	[tilespmem:s23], [sflag:$0x1] =	stream.indirect_vreg.gather [hbm4b:s2+s22], $0x80, v5, vm0, $0xb8;
	[tilespmem:$0x18C00] =	vst v63  }
0x44: {  	s24 =	simm.s32 $0xB000  }
0x45: {  	[tilespmem:s24], [sflag:$0x1] =	stream.indirect_vreg.gather [hbm4b:s2+s22], $0x80, v4, vm0, $0xb8;
	[tilespmem:$0x18C00] =	vst v63  }
0x46: {  	v4 =	vld [tilespmem:$0x30];
	_ =	sdelay $0x4  }
0x47: {  	v5 =	vshll.u32 v4, $0x1  }
0x48: {  	v4 =	vand.u32 $0x7, v4;
	v5 =	vand.u32 $0xFFFFFFF0, v5  }
0x49: {  	v4 =	vor.u32 v4, v5  }
0x4a: {  	v5 =	vperm.xlane v4, v1;
	_ =	sdelay $0x1  }
0x4b: {  	v4 =	vperm.xlane v4, v3;
	v5 =	vadd.s32 v2, v5;
	_ =	sdelay $0x1  }
0x4c: {  	v4 =	vadd.s32 v2, v4;
	_ =	sdelay $0x1  }
0x4d: {  	s25 =	simm.s32 $0xB800  }
0x4e: {  	[tilespmem:s25], [sflag:$0x1] =	stream.indirect_vreg.gather [hbm4b:s2+s22], $0x80, v5, vm0, $0xb8;
	[tilespmem:$0x18C00] =	vst v63  }
0x4f: {  	s26 =	simm.s32 $0xC000  }
0x50: {  	[tilespmem:s26], [sflag:$0x1] =	stream.indirect_vreg.gather [hbm4b:s2+s22], $0x80, v4, vm0, $0xb8;
	[tilespmem:$0x18C00] =	vst v63  }
0x51: {  	v4 =	vld [tilespmem:$0x40];
	_ =	sdelay $0x4  }
0x52: {  	v5 =	vshll.u32 v4, $0x1  }
0x53: {  	v4 =	vand.u32 $0x7, v4;
	v5 =	vand.u32 $0xFFFFFFF0, v5  }
0x54: {  	v4 =	vor.u32 v4, v5  }
0x55: {  	v5 =	vperm.xlane v4, v1;
	_ =	sdelay $0x1  }
0x56: {  	v4 =	vperm.xlane v4, v3;
	v5 =	vadd.s32 v2, v5;
	_ =	sdelay $0x1  }
0x57: {  	v4 =	vadd.s32 v2, v4;
	_ =	sdelay $0x1  }
0x58: {  	s28 =	simm.s32 $0xC800  }
0x59: {  	[tilespmem:s28], [sflag:$0x1] =	stream.indirect_vreg.gather [hbm4b:s2+s22], $0x80, v5, vm0, $0xb8;
	[tilespmem:$0x18C00] =	vst v63  }
0x5a: {  	s29 =	simm.s32 $0xD000  }
0x5b: {  	[tilespmem:s29], [sflag:$0x1] =	stream.indirect_vreg.gather [hbm4b:s2+s22], $0x80, v4, vm0, $0xb8;
	[tilespmem:$0x18C00] =	vst v63  }
0x5c: {  	v4 =	vld [tilespmem:$0x50];
	_ =	sdelay $0x4  }
0x5d: {  	v5 =	vshll.u32 v4, $0x1  }
0x5e: {  	v4 =	vand.u32 $0x7, v4;
	v5 =	vand.u32 $0xFFFFFFF0, v5  }
0x5f: {  	v4 =	vor.u32 v4, v5  }
0x60: {  	v5 =	vperm.xlane v4, v1;
	_ =	sdelay $0x1  }
0x61: {  	v4 =	vperm.xlane v4, v3;
	v5 =	vadd.s32 v2, v5;
	_ =	sdelay $0x1  }
0x62: {  	v4 =	vadd.s32 v2, v4;
	_ =	sdelay $0x1  }
0x63: {  	s31 =	simm.s32 $0xD800  }
0x64: {  	[tilespmem:s31], [sflag:$0x1] =	stream.indirect_vreg.gather [hbm4b:s2+s22], $0x80, v5, vm0, $0xb8;
	[tilespmem:$0x18C00] =	vst v63  }
0x65: {  	s1 =	simm.s32 $0xE000  }
0x66: {  	[tilespmem:s1], [sflag:$0x1] =	stream.indirect_vreg.gather [hbm4b:s2+s22], $0x80, v4, vm0, $0xb8;
	[tilespmem:$0x18C00] =	vst v63  }
0x67: {  	v4 =	vld [tilespmem:$0x60];
	_ =	sdelay $0x4  }
0x68: {  	v5 =	vshll.u32 v4, $0x1  }
0x69: {  	v4 =	vand.u32 $0x7, v4;
	v5 =	vand.u32 $0xFFFFFFF0, v5  }
0x6a: {  	v4 =	vor.u32 v4, v5  }
0x6b: {  	v5 =	vperm.xlane v4, v1;
	_ =	sdelay $0x1  }
0x6c: {  	v4 =	vperm.xlane v4, v3;
	v5 =	vadd.s32 v2, v5;
	_ =	sdelay $0x1  }
0x6d: {  	v4 =	vadd.s32 v2, v4;
	_ =	sdelay $0x1  }
0x6e: {  	s4 =	simm.s32 $0xE800  }
0x6f: {  	[tilespmem:s4], [sflag:$0x1] =	stream.indirect_vreg.gather [hbm4b:s2+s22], $0x80, v5, vm0, $0xb8;
	[tilespmem:$0x18C00] =	vst v63  }
0x70: {  	s5 =	simm.s32 $0xF000  }
0x71: {  	[tilespmem:s5], [sflag:$0x1] =	stream.indirect_vreg.gather [hbm4b:s2+s22], $0x80, v4, vm0, $0xb8;
	[tilespmem:$0x18C00] =	vst v63  }
0x72: {  	v4 =	vld [tilespmem:$0x70];
	_ =	sdelay $0x4  }
0x73: {  	v5 =	vshll.u32 v4, $0x1  }
0x74: {  	v4 =	vand.u32 $0x7, v4;
	v5 =	vand.u32 $0xFFFFFFF0, v5  }
0x75: {  	v4 =	vor.u32 v4, v5  }
0x76: {  	v5 =	vperm.xlane v4, v1;
	_ =	sdelay $0x1  }
0x77: {  	v4 =	vperm.xlane v4, v3;
	v5 =	vadd.s32 v2, v5;
	_ =	sdelay $0x1  }
0x78: {  	v4 =	vadd.s32 v2, v4;
	_ =	sdelay $0x1  }
0x79: {  	s7 =	simm.s32 $0xF800  }
0x7a: {  	[tilespmem:s7], [sflag:$0x1] =	stream.indirect_vreg.gather [hbm4b:s2+s22], $0x80, v5, vm0, $0xb8;
	[tilespmem:$0x18C00] =	vst v63  }
0x7b: {  	s8 =	simm.s32 $0x10000  }
0x7c: {  	[tilespmem:s8], [sflag:$0x1] =	stream.indirect_vreg.gather [hbm4b:s2+s22], $0x80, v4, vm0, $0xb8;
	[tilespmem:$0x18C00] =	vst v63  }
0x7d: {  	v4 =	vld [tilespmem:$0x80];
	_ =	sdelay $0x4  }
0x7e: {  	v5 =	vshll.u32 v4, $0x1  }
0x7f: {  	v4 =	vand.u32 $0x7, v4;
	v5 =	vand.u32 $0xFFFFFFF0, v5  }
0x80: {  	v4 =	vor.u32 v4, v5  }
0x81: {  	v5 =	vperm.xlane v4, v1;
	_ =	sdelay $0x1  }
0x82: {  	v4 =	vperm.xlane v4, v3;
	v5 =	vadd.s32 v2, v5;
	_ =	sdelay $0x1  }
0x83: {  	v4 =	vadd.s32 v2, v4;
	_ =	sdelay $0x2  }
0x84: {  	[tilespmem:s30], [sflag:$0x2] =	stream.indirect_vreg.gather [hbm4b:s2+s22], $0x80, v5, vm0, $0xb8;
	[tilespmem:$0x18C00] =	vst v63  }
0x85: {  	s9 =	simm.s32 $0x11000  }
0x86: {  	[tilespmem:s9], [sflag:$0x2] =	stream.indirect_vreg.gather [hbm4b:s2+s22], $0x80, v4, vm0, $0xb8;
	[tilespmem:$0x18C00] =	vst v63  }
0x87: {  	v4 =	vld [tilespmem:$0x90];
	_ =	sdelay $0x4  }
0x88: {  	v5 =	vshll.u32 v4, $0x1  }
0x89: {  	v4 =	vand.u32 $0x7, v4;
	v5 =	vand.u32 $0xFFFFFFF0, v5  }
0x8a: {  	v4 =	vor.u32 v4, v5  }
0x8b: {  	v5 =	vperm.xlane v4, v1;
	_ =	sdelay $0x1  }
0x8c: {  	v4 =	vperm.xlane v4, v3;
	v5 =	vadd.s32 v2, v5;
	_ =	sdelay $0x1  }
0x8d: {  	v4 =	vadd.s32 v2, v4;
	_ =	sdelay $0x1  }
0x8e: {  	s10 =	simm.s32 $0x11800  }
0x8f: {  	[tilespmem:s10], [sflag:$0x2] =	stream.indirect_vreg.gather [hbm4b:s2+s22], $0x80, v5, vm0, $0xb8;
	[tilespmem:$0x18C00] =	vst v63  }
0x90: {  	s11 =	simm.s32 $0x12000  }
0x91: {  	[tilespmem:s11], [sflag:$0x2] =	stream.indirect_vreg.gather [hbm4b:s2+s22], $0x80, v4, vm0, $0xb8;
	[tilespmem:$0x18C00] =	vst v63  }
0x92: {  	v4 =	vld [tilespmem:$0xA0];
	_ =	sdelay $0x4  }
0x93: {  	v5 =	vshll.u32 v4, $0x1  }
0x94: {  	v4 =	vand.u32 $0x7, v4;
	v5 =	vand.u32 $0xFFFFFFF0, v5  }
0x95: {  	v4 =	vor.u32 v4, v5  }
0x96: {  	v5 =	vperm.xlane v4, v1;
	_ =	sdelay $0x1  }
0x97: {  	v4 =	vperm.xlane v4, v3;
	v5 =	vadd.s32 v2, v5;
	_ =	sdelay $0x1  }
0x98: {  	v4 =	vadd.s32 v2, v4;
	_ =	sdelay $0x1  }
0x99: {  	s12 =	simm.s32 $0x12800  }
0x9a: {  	[tilespmem:s12], [sflag:$0x2] =	stream.indirect_vreg.gather [hbm4b:s2+s22], $0x80, v5, vm0, $0xb8;
	[tilespmem:$0x18C00] =	vst v63  }
0x9b: {  	s14 =	simm.s32 $0x13000  }
0x9c: {  	[tilespmem:s14], [sflag:$0x2] =	stream.indirect_vreg.gather [hbm4b:s2+s22], $0x80, v4, vm0, $0xb8;
	[tilespmem:$0x18C00] =	vst v63  }
0x9d: {  	v4 =	vld [tilespmem:$0xB0];
	_ =	sdelay $0x4  }
0x9e: {  	v5 =	vshll.u32 v4, $0x1  }
0x9f: {  	v4 =	vand.u32 $0x7, v4;
	v5 =	vand.u32 $0xFFFFFFF0, v5  }
0xa0: {  	v4 =	vor.u32 v4, v5  }
0xa1: {  	v5 =	vperm.xlane v4, v1;
	_ =	sdelay $0x1  }
0xa2: {  	v4 =	vperm.xlane v4, v3;
	v5 =	vadd.s32 v2, v5;
	_ =	sdelay $0x1  }
0xa3: {  	v4 =	vadd.s32 v2, v4;
	_ =	sdelay $0x1  }
0xa4: {  	s23 =	simm.s32 $0x13800  }
0xa5: {  	[tilespmem:s23], [sflag:$0x2] =	stream.indirect_vreg.gather [hbm4b:s2+s22], $0x80, v5, vm0, $0xb8;
	[tilespmem:$0x18C00] =	vst v63  }
0xa6: {  	s24 =	simm.s32 $0x14000  }
0xa7: {  	[tilespmem:s24], [sflag:$0x2] =	stream.indirect_vreg.gather [hbm4b:s2+s22], $0x80, v4, vm0, $0xb8;
	[tilespmem:$0x18C00] =	vst v63  }
0xa8: {  	v4 =	vld [tilespmem:$0xC0];
	_ =	sdelay $0x4  }
0xa9: {  	v5 =	vshll.u32 v4, $0x1  }
0xaa: {  	v4 =	vand.u32 $0x7, v4;
	v5 =	vand.u32 $0xFFFFFFF0, v5  }
0xab: {  	v4 =	vor.u32 v4, v5  }
0xac: {  	v5 =	vperm.xlane v4, v1;
	_ =	sdelay $0x1  }
0xad: {  	v4 =	vperm.xlane v4, v3;
	v5 =	vadd.s32 v2, v5;
	_ =	sdelay $0x1  }
0xae: {  	v4 =	vadd.s32 v2, v4;
	_ =	sdelay $0x1  }
0xaf: {  	s25 =	simm.s32 $0x14800  }
0xb0: {  	[tilespmem:s25], [sflag:$0x2] =	stream.indirect_vreg.gather [hbm4b:s2+s22], $0x80, v5, vm0, $0xb8;
	[tilespmem:$0x18C00] =	vst v63  }
0xb1: {  	s26 =	simm.s32 $0x15000  }
0xb2: {  	[tilespmem:s26], [sflag:$0x2] =	stream.indirect_vreg.gather [hbm4b:s2+s22], $0x80, v4, vm0, $0xb8;
	[tilespmem:$0x18C00] =	vst v63  }
0xb3: {  	v4 =	vld [tilespmem:$0xD0];
	_ =	sdelay $0x4  }
0xb4: {  	v5 =	vshll.u32 v4, $0x1  }
0xb5: {  	v4 =	vand.u32 $0x7, v4;
	v5 =	vand.u32 $0xFFFFFFF0, v5  }
0xb6: {  	v4 =	vor.u32 v4, v5  }
0xb7: {  	v5 =	vperm.xlane v4, v1;
	_ =	sdelay $0x1  }
0xb8: {  	v4 =	vperm.xlane v4, v3;
	v5 =	vadd.s32 v2, v5;
	_ =	sdelay $0x1  }
0xb9: {  	v4 =	vadd.s32 v2, v4;
	_ =	sdelay $0x1  }
0xba: {  	s28 =	simm.s32 $0x15800  }
0xbb: {  	[tilespmem:s28], [sflag:$0x2] =	stream.indirect_vreg.gather [hbm4b:s2+s22], $0x80, v5, vm0, $0xb8;
	[tilespmem:$0x18C00] =	vst v63  }
0xbc: {  	s29 =	simm.s32 $0x16000  }
0xbd: {  	[tilespmem:s29], [sflag:$0x2] =	stream.indirect_vreg.gather [hbm4b:s2+s22], $0x80, v4, vm0, $0xb8;
	[tilespmem:$0x18C00] =	vst v63  }
0xbe: {  	v4 =	vld [tilespmem:$0xE0];
	_ =	sdelay $0x4  }
0xbf: {  	v5 =	vshll.u32 v4, $0x1  }
0xc0: {  	v4 =	vand.u32 $0x7, v4;
	v5 =	vand.u32 $0xFFFFFFF0, v5  }
0xc1: {  	v4 =	vor.u32 v4, v5  }
0xc2: {  	v5 =	vperm.xlane v4, v1;
	_ =	sdelay $0x1  }
0xc3: {  	v4 =	vperm.xlane v4, v3;
	v5 =	vadd.s32 v2, v5;
	_ =	sdelay $0x1  }
0xc4: {  	v4 =	vadd.s32 v2, v4;
	_ =	sdelay $0x1  }
0xc5: {  	s31 =	simm.s32 $0x16800  }
0xc6: {  	[tilespmem:s31], [sflag:$0x2] =	stream.indirect_vreg.gather [hbm4b:s2+s22], $0x80, v5, vm0, $0xb8;
	[tilespmem:$0x18C00] =	vst v63  }
0xc7: {  	_ = 	snop  }
0xc8: {  	[tilespmem:s15], [sflag:$0x2] =	stream.indirect_vreg.gather [hbm4b:s2+s22], $0x80, v4, vm0, $0xb8;
	[tilespmem:$0x18C00] =	vst v63  }
0xc9: {  	v4 =	vld [tilespmem:$0xF0];
	_ =	sdelay $0x4  }
0xca: {  	v5 =	vshll.u32 v4, $0x1  }
0xcb: {  	v4 =	vand.u32 $0x7, v4;
	v5 =	vand.u32 $0xFFFFFFF0, v5  }
0xcc: {  	v4 =	vor.u32 v4, v5  }
0xcd: {  	v5 =	vperm.xlane v4, v1;
	_ =	sdelay $0x1  }
0xce: {  	v4 =	vperm.xlane v4, v3;
	v5 =	vadd.s32 v2, v5;
	_ =	sdelay $0x1  }
0xcf: {  	v4 =	vadd.s32 v2, v4;
	_ =	sdelay $0x2  }
0xd0: {  	[tilespmem:s16], [sflag:$0x2] =	stream.indirect_vreg.gather [hbm4b:s2+s22], $0x80, v5, vm0, $0xb8;
	[tilespmem:$0x18C00] =	vst v63  }
0xd1: {  	s23 =	simm.s32 $0x0  }
0xd2: {  	[tilespmem:s17], [sflag:$0x2] =	stream.indirect_vreg.gather [hbm4b:s2+s22], $0x80, v4, vm0, $0xb8;
	[tilespmem:$0x18C00] =	vst v63  }
.LBB2_4:
0xd3: {  	_ =	swait.ge [sflag:s18], $0x8000  }
0xd4: {  	s0 =	sshll.u32 s23, $0xD;
	[sflag:s18] =	ssyncset.done $0x0  }
0xd5: {  	s31 =	sshll.u32 s23, $0xC;
	s0 =	sadd.s32 s0, s6;
	[sflag:s18] =	ssyncadd.s32 $0xFFFF8000  }
0xd6: {  	[hbm4b:s0+s22] =	stream.linear.scatter [tilespmem:s13], [sflag:$0x3], $0x8000, $0x38;
	[tilespmem:$0x18C00] =	vst v63  }
0xd7: {  	s0 =	sand.u32 $0x3FFFF000, s31  }
0xd8: {  	s25 =	simm.s32 $0x0;
	s24 =	sor.u32 $0x800, s0  }
.LBB2_5:
0xd9: {  	s0 =	sshll.u32 s25, $0xC  }
0xda: {  	s10 =	simm.s32 $0x0;
	s4 =	sand.u32 $0x3FFFF000, s0  }
0xdb: {  	s5 =	simm.s32 $0x0;
	s1 =	sand.u32 $0xFFFFFC00, s10;
	s26 =	sadd.s32 $0x8800, s4  }
0xdc: {  	s11 =	sand.u32 $0x70, s5;
	s12 =	sadd.s32 s1, s26  }
0xdd: {  	s5 =	sadd.s32 s11, s12  }
0xde: {  	v4 =	vld [tilespmem:s5+$0x0]  }
0xdf: {  	v5 =	vld [tilespmem:s5+$0x80];
	_ =	sdelay $0x1  }
0xe0: {  	v6 =	vld [tilespmem:s5+$0x100];
	_ =	sdelay $0x1  }
0xe1: {  	v7 =	vld [tilespmem:s5+$0x180]  }
0xe2: {  	v8 =	vmul.f32 v4, v4;
	v4 =	vadd.f32 v5, v4;
	v5 =	vmul.f32 v5, v5  }
0xe3: {  	v9 =	vld [tilespmem:s5+$0x200]  }
0xe4: {  	v10 =	vmul.f32 v6, v6;
	v5 =	vadd.f32 v5, v8;
	v4 =	vadd.f32 v6, v4  }
0xe5: {  	v6 =	vld [tilespmem:s5+$0x280]  }
0xe6: {  	v47 =	vmul.f32 v7, v7;
	v5 =	vadd.f32 v10, v5;
	v4 =	vadd.f32 v7, v4  }
0xe7: {  	v7 =	vld [tilespmem:s5+$0x300]  }
0xe8: {  	s28 =	sadd.s32 $0x9000, s4;
	v48 =	vmul.f32 v9, v9;
	v5 =	vadd.f32 v47, v5;
	v4 =	vadd.f32 v9, v4  }
0xe9: {  	s4 =	sadd.s32 s1, s28;
	v49 =	vld [tilespmem:s5+$0x380]  }
0xea: {  	s4 =	sadd.s32 s11, s4;
	v50 =	vmul.f32 v6, v6;
	v5 =	vadd.f32 v48, v5;
	v4 =	vadd.f32 v6, v4  }
0xeb: {  	v6 =	vld [tilespmem:s4+$0x0]  }
0xec: {  	v51 =	vmul.f32 v7, v7;
	v5 =	vadd.f32 v50, v5;
	v4 =	vadd.f32 v7, v4  }
0xed: {  	v7 =	vld [tilespmem:s5+$0x880]  }
0xee: {  	v52 =	vmul.f32 v49, v49;
	v5 =	vadd.f32 v51, v5;
	v4 =	vadd.f32 v49, v4  }
0xef: {  	v53 =	vld [tilespmem:s5+$0x900]  }
0xf0: {  	v54 =	vmul.f32 v6, v6;
	v5 =	vadd.f32 v52, v5;
	v4 =	vadd.f32 v6, v4  }
0xf1: {  	v6 =	vld [tilespmem:s5+$0x980]  }
0xf2: {  	v55 =	vmul.f32 v7, v7;
	v5 =	vadd.f32 v54, v5;
	v4 =	vadd.f32 v7, v4  }
0xf3: {  	v7 =	vld [tilespmem:s5+$0xA00]  }
0xf4: {  	v56 =	vmul.f32 v53, v53;
	v5 =	vadd.f32 v55, v5;
	v4 =	vadd.f32 v53, v4  }
0xf5: {  	v57 =	vld [tilespmem:s5+$0xA80]  }
0xf6: {  	s14 =	sshll.u32 s25, $0x7;
	v58 =	vmul.f32 v6, v6;
	v5 =	vadd.f32 v56, v5;
	v4 =	vadd.f32 v6, v4  }
0xf7: {  	s7 =	simm.s32 $0x0;
	s4 =	sand.u32 $0x3FFFFF80, s14;
	v6 =	vld [tilespmem:s5+$0xB00]  }
0xf8: {  	s31 =	sand.u32 $0x3FFFFE00, s7;
	s29 =	sadd.s32 s4, s24;
	v59 =	vmul.f32 v7, v7;
	v5 =	vadd.f32 v58, v5;
	v4 =	vadd.f32 v7, v4  }
0xf9: {  	s4 =	sor.u32 s11, s31;
	s1 =	sadd.s32 s1, s29;
	v7 =	vld [tilespmem:s5+$0xB80]  }
0xfa: {  	v60 =	vmul.f32 v57, v57;
	v61 =	vld [tilespmem:s4+$0x18800];
	s0 =	sadd.s32 s11, s1;
	v5 =	vadd.f32 v59, v5;
	v4 =	vadd.f32 v57, v4  }
0xfb: {  	s9 =	sadd.s32 $0x18800, s4;
	v62 =	vld [tilespmem:s0+$0x0]  }
0xfc: {  	v63 =	vld [tilespmem:s9+$0x100];
	v11 =	vmul.f32 v6, v6;
	v5 =	vadd.f32 v60, v5;
	v4 =	vadd.f32 v6, v4  }
0xfd: {  	v6 =	vld [tilespmem:s9+$0x80]  }
0xfe: {  	v12 =	vmul.f32 v7, v7;
	v5 =	vadd.f32 v11, v5;
	v4 =	vadd.f32 v7, v4;
	_ =	sdelay $0x1  }
0xff: {  	v5 =	vadd.f32 v12, v5;
	v7 =	vadd.f32 v61, v4;
	v4 =	vmul.f32 v4, v62  }
0x100: {  	s10 =	simm.s32 $0x2  }
0x101: {  	s1 =	simm.s32 $0x1;
	s0 =	simm.s32 $0x10;
	s5 =	simm.s32 $0x80;
	[tilespmem:s4+$0x18800] =	vst v7;
	v5 =	vadd.f32 v6, v5;
	v4 =	vadd.f32 v63, v4  }
.LBB2_6:
0x102: {  	s4 =	sand.u32 $0x70, s0  }
0x103: {  	s5 =	sand.u32 $0xFFFFFC00, s5;
	s7 =	smov.u32 s10;
	s12 =	sadd.s32 $0x1, s10  }
0x104: {  	s8 =	sadd.s32 s5, s26;
	s11 =	sadd.s32 s5, s28;
	s5 =	sadd.s32 s5, s29;
	[tilespmem:s9+$0x80] =	vst v5  }
0x105: {  	s8 =	sadd.s32 s4, s8;
	s11 =	sadd.s32 s4, s11;
	s5 =	sadd.s32 s4, s5;
	[tilespmem:s9+$0x100] =	vst v4  }
0x106: {  	p0 =	sne.s32 s10, $0xF;
	v4 =	vld [tilespmem:s8+$0x0]  }
0x107: {  	v5 =	vld [tilespmem:s8+$0x80]  }
0x108: {  	v6 =	vld [tilespmem:s8+$0x100];
	_ =	sdelay $0x1  }
0x109: {  	v7 =	vld [tilespmem:s8+$0x180]  }
0x10a: {  	v8 =	vmul.f32 v4, v4  }
0x10b: {  	v4 =	vadd.f32 v5, v4;
	v5 =	vmul.f32 v5, v5;
	v9 =	vld [tilespmem:s8+$0x200]  }
0x10c: {  	v10 =	vmul.f32 v6, v6  }
0x10d: {  	v5 =	vadd.f32 v5, v8;
	v4 =	vadd.f32 v6, v4;
	v6 =	vld [tilespmem:s8+$0x280]  }
0x10e: {  	v8 =	vmul.f32 v7, v7  }
0x10f: {  	v5 =	vadd.f32 v10, v5;
	v4 =	vadd.f32 v7, v4;
	v7 =	vld [tilespmem:s8+$0x300]  }
0x110: {  	v10 =	vmul.f32 v9, v9  }
0x111: {  	v5 =	vadd.f32 v8, v5;
	v4 =	vadd.f32 v9, v4;
	v8 =	vld [tilespmem:s8+$0x380]  }
0x112: {  	v9 =	vmul.f32 v6, v6  }
0x113: {  	v5 =	vadd.f32 v10, v5;
	v4 =	vadd.f32 v6, v4;
	v6 =	vld [tilespmem:s11+$0x0]  }
0x114: {  	v10 =	vmul.f32 v7, v7  }
0x115: {  	v5 =	vadd.f32 v9, v5;
	v4 =	vadd.f32 v7, v4;
	v7 =	vld [tilespmem:s8+$0x880]  }
0x116: {  	v9 =	vmul.f32 v8, v8  }
0x117: {  	v5 =	vadd.f32 v10, v5;
	v4 =	vadd.f32 v8, v4;
	v8 =	vld [tilespmem:s8+$0x900]  }
0x118: {  	v10 =	vmul.f32 v6, v6  }
0x119: {  	v5 =	vadd.f32 v9, v5;
	v4 =	vadd.f32 v6, v4;
	v6 =	vld [tilespmem:s8+$0x980]  }
0x11a: {  	v9 =	vmul.f32 v7, v7  }
0x11b: {  	v5 =	vadd.f32 v10, v5;
	v4 =	vadd.f32 v7, v4;
	v7 =	vld [tilespmem:s8+$0xA00]  }
0x11c: {  	v10 =	vmul.f32 v8, v8  }
0x11d: {  	v5 =	vadd.f32 v9, v5;
	v4 =	vadd.f32 v8, v4;
	v8 =	vld [tilespmem:s8+$0xA80]  }
0x11e: {  	v9 =	vmul.f32 v6, v6  }
0x11f: {  	v5 =	vadd.f32 v10, v5;
	v4 =	vadd.f32 v6, v4;
	v6 =	vld [tilespmem:s8+$0xB00]  }
0x120: {  	s9 =	sshll.u32 s1, $0x6;
	s1 =	smov.u32 s7;
	v10 =	vmul.f32 v7, v7  }
0x121: {  	s7 =	sand.u32 $0x3FFFFE00, s9;
	v5 =	vadd.f32 v9, v5;
	v4 =	vadd.f32 v7, v4;
	v7 =	vld [tilespmem:s8+$0xB80]  }
0x122: {  	s4 =	sor.u32 s4, s7;
	v9 =	vmul.f32 v8, v8  }
0x123: {  	v5 =	vadd.f32 v10, v5;
	v4 =	vadd.f32 v8, v4;
	v8 =	vld [tilespmem:s4+$0x18800]  }
0x124: {  	s9 =	sadd.s32 $0x18800, s4;
	v10 =	vmul.f32 v6, v6;
	v11 =	vld [tilespmem:s5+$0x0]  }
0x125: {  	v5 =	vadd.f32 v9, v5;
	v4 =	vadd.f32 v6, v4;
	v6 =	vld [tilespmem:s9+$0x80]  }
0x126: {  	v9 =	vmul.f32 v7, v7;
	v12 =	vld [tilespmem:s9+$0x100]  }
.Ltmp1:
0x127: {  	v5 =	vadd.f32 v10, v5;
	v4 =	vadd.f32 v7, v4;
	(pc) =	sbr.rel @p0 .LBB2_6-.Ltmp1, $3  }
0x128: {  	_ = 	snop  }
0x129: {  	v5 =	vadd.f32 v9, v5;
	v7 =	vadd.f32 v8, v4;
	v4 =	vmul.f32 v4, v11;
	_ =	sdelay $0x1  }
0x12a: {  	s0 =	sadd.s32 $0x10, s0;
	s10 =	smov.u32 s12;
	s5 =	sshll.u32 s1, $0x7;
	[tilespmem:s4+$0x18800] =	vst v7;
	v5 =	vadd.f32 v6, v5;
	v4 =	vadd.f32 v12, v4  }
0x12b: {  	s4 =	sand.u32 $0xFFFFFC00, s5  }
0x12c: {  	s0 =	sand.u32 $0x70, s0;
	s5 =	sadd.s32 s4, s26;
	[tilespmem:s9+$0x80] =	vst v5  }
0x12d: {  	[tilespmem:s9+$0x100] =	vst v4;
	s5 =	sadd.s32 s0, s5  }
0x12e: {  	v4 =	vld [tilespmem:s5+$0x0]  }
0x12f: {  	v5 =	vld [tilespmem:s5+$0x80];
	_ =	sdelay $0x1  }
0x130: {  	v6 =	vld [tilespmem:s5+$0x100];
	_ =	sdelay $0x1  }
0x131: {  	v7 =	vld [tilespmem:s5+$0x180]  }
0x132: {  	v8 =	vmul.f32 v4, v4;
	v9 =	vmul.f32 v5, v5  }
0x133: {  	v4 =	vadd.f32 v5, v4;
	v5 =	vld [tilespmem:s5+$0x200]  }
0x134: {  	v10 =	vmul.f32 v6, v6;
	v8 =	vadd.f32 v9, v8  }
0x135: {  	v41 =	vld [tilespmem:s5+$0x280];
	v4 =	vadd.f32 v6, v4  }
0x136: {  	v42 =	vmul.f32 v7, v7;
	v8 =	vadd.f32 v10, v8  }
0x137: {  	v43 =	vld [tilespmem:s5+$0x300];
	v4 =	vadd.f32 v7, v4  }
0x138: {  	v44 =	vmul.f32 v5, v5;
	v8 =	vadd.f32 v42, v8  }
0x139: {  	s7 =	sadd.s32 s4, s28;
	v4 =	vadd.f32 v5, v4;
	v5 =	vld [tilespmem:s5+$0x380]  }
0x13a: {  	s7 =	sadd.s32 s0, s7;
	v45 =	vmul.f32 v41, v41;
	v8 =	vadd.f32 v44, v8  }
0x13b: {  	v46 =	vld [tilespmem:s7+$0x0];
	v4 =	vadd.f32 v41, v4  }
0x13c: {  	v47 =	vmul.f32 v43, v43;
	v8 =	vadd.f32 v45, v8  }
0x13d: {  	v48 =	vld [tilespmem:s5+$0x880];
	v4 =	vadd.f32 v43, v4  }
0x13e: {  	v49 =	vmul.f32 v5, v5;
	v8 =	vadd.f32 v47, v8  }
0x13f: {  	v4 =	vadd.f32 v5, v4;
	v5 =	vld [tilespmem:s5+$0x900]  }
0x140: {  	v50 =	vmul.f32 v46, v46;
	v8 =	vadd.f32 v49, v8  }
0x141: {  	v51 =	vld [tilespmem:s5+$0x980];
	v4 =	vadd.f32 v46, v4  }
0x142: {  	v52 =	vmul.f32 v48, v48;
	v8 =	vadd.f32 v50, v8  }
0x143: {  	v53 =	vld [tilespmem:s5+$0xA00];
	v4 =	vadd.f32 v48, v4  }
0x144: {  	v54 =	vmul.f32 v5, v5;
	v8 =	vadd.f32 v52, v8  }
0x145: {  	v4 =	vadd.f32 v5, v4;
	v5 =	vld [tilespmem:s5+$0xA80]  }
0x146: {  	v55 =	vmul.f32 v51, v51;
	v8 =	vadd.f32 v54, v8  }
0x147: {  	v56 =	vld [tilespmem:s5+$0xB00];
	v4 =	vadd.f32 v51, v4  }
0x148: {  	s1 =	sshll.u32 s1, $0x6;
	v57 =	vmul.f32 v53, v53;
	v8 =	vadd.f32 v55, v8  }
0x149: {  	s1 =	sand.u32 $0x3FFFFE00, s1;
	s4 =	sadd.s32 s4, s29;
	v58 =	vld [tilespmem:s5+$0xB80];
	v4 =	vadd.f32 v53, v4  }
0x14a: {  	s1 =	sor.u32 s0, s1;
	s0 =	sadd.s32 s0, s4;
	v59 =	vmul.f32 v5, v5;
	v8 =	vadd.f32 v57, v8  }
0x14b: {  	v11 =	vld [tilespmem:s0+$0x0];
	v4 =	vadd.f32 v5, v4  }
0x14c: {  	s31 =	sadd.s32 $0x18800, s1;
	v60 =	vmul.f32 v56, v56;
	v5 =	vld [tilespmem:s1+$0x18800];
	v8 =	vadd.f32 v59, v8  }
0x14d: {  	v61 =	vld [tilespmem:s31+$0x80];
	v4 =	vadd.f32 v56, v4  }
0x14e: {  	v12 =	vld [tilespmem:s31+$0x100];
	v62 =	vmul.f32 v58, v58;
	v8 =	vadd.f32 v60, v8  }
0x14f: {  	s25 =	sadd.s32 $0x1, s25;
	v4 =	vadd.f32 v58, v4  }
0x150: {  	p0 =	sne.s32 s25, $0x8;
	v63 =	vadd.f32 v62, v8  }
.Ltmp2:
0x151: {  	v5 =	vadd.f32 v5, v4;
	v4 =	vmul.f32 v4, v11;
	(pc) =	sbr.rel @p0 .LBB2_5-.Ltmp2, $4  }
0x152: {  	v6 =	vadd.f32 v61, v63  }
0x153: {  	[tilespmem:s1+$0x18800] =	vst v5;
	v4 =	vadd.f32 v12, v4  }
0x154: {  	[tilespmem:s31+$0x80] =	vst v6  }
0x155: {  	[tilespmem:s31+$0x100] =	vst v4  }
0x156: {  	_ =	swait.ge [sflag:s19], $0x8000  }
0x157: {  	s0 =	sshll.u32 s23, $0x8;
	[sflag:s19] =	ssyncset.done $0x0  }
0x158: {  	s24 =	sand.u32 $0x3FFFFF00, s0;
	[sflag:s19] =	ssyncadd.s32 $0xFFFF8000  }
0x159: {  	v4 =	vld [tilespmem:s24+$0x100];
	_ =	sdelay $0x4  }
0x15a: {  	v5 =	vshll.u32 v4, $0x1  }
0x15b: {  	v4 =	vand.u32 $0x7, v4;
	v5 =	vand.u32 $0xFFFFFFF0, v5  }
0x15c: {  	v4 =	vor.u32 v4, v5  }
0x15d: {  	v5 =	vperm.xlane v4, v1;
	_ =	sdelay $0x1  }
0x15e: {  	v4 =	vperm.xlane v4, v3;
	v5 =	vadd.s32 v2, v5;
	_ =	sdelay $0x1  }
0x15f: {  	v4 =	vadd.s32 v2, v4;
	_ =	sdelay $0x1  }
0x160: {  	s25 =	simm.s32 $0x0  }
0x161: {  	[tilespmem:s13], [sflag:$0x1] =	stream.indirect_vreg.gather [hbm4b:s2+s25], $0x80, v5, vm0, $0xb8;
	[tilespmem:$0x18C00] =	vst v63  }
0x162: {  	s26 =	simm.s32 $0x9000  }
0x163: {  	[tilespmem:s26], [sflag:$0x1] =	stream.indirect_vreg.gather [hbm4b:s2+s25], $0x80, v4, vm0, $0xb8;
	[tilespmem:$0x18C00] =	vst v63  }
0x164: {  	v4 =	vld [tilespmem:s24+$0x110];
	_ =	sdelay $0x4  }
0x165: {  	v5 =	vshll.u32 v4, $0x1  }
0x166: {  	v4 =	vand.u32 $0x7, v4;
	v5 =	vand.u32 $0xFFFFFFF0, v5  }
0x167: {  	v4 =	vor.u32 v4, v5  }
0x168: {  	v5 =	vperm.xlane v4, v1;
	_ =	sdelay $0x1  }
0x169: {  	v4 =	vperm.xlane v4, v3;
	v5 =	vadd.s32 v2, v5;
	_ =	sdelay $0x1  }
0x16a: {  	v4 =	vadd.s32 v2, v4;
	_ =	sdelay $0x1  }
0x16b: {  	s29 =	simm.s32 $0x9800  }
0x16c: {  	[tilespmem:s29], [sflag:$0x1] =	stream.indirect_vreg.gather [hbm4b:s2+s25], $0x80, v5, vm0, $0xb8;
	[tilespmem:$0x18C00] =	vst v63  }
0x16d: {  	s31 =	simm.s32 $0xA000  }
0x16e: {  	[tilespmem:s31], [sflag:$0x1] =	stream.indirect_vreg.gather [hbm4b:s2+s25], $0x80, v4, vm0, $0xb8;
	[tilespmem:$0x18C00] =	vst v63  }
0x16f: {  	v4 =	vld [tilespmem:s24+$0x120];
	_ =	sdelay $0x4  }
0x170: {  	v5 =	vshll.u32 v4, $0x1  }
0x171: {  	v4 =	vand.u32 $0x7, v4;
	v5 =	vand.u32 $0xFFFFFFF0, v5  }
0x172: {  	v4 =	vor.u32 v4, v5  }
0x173: {  	v5 =	vperm.xlane v4, v1;
	_ =	sdelay $0x1  }
0x174: {  	v4 =	vperm.xlane v4, v3;
	v5 =	vadd.s32 v2, v5;
	_ =	sdelay $0x1  }
0x175: {  	v4 =	vadd.s32 v2, v4;
	_ =	sdelay $0x1  }
0x176: {  	s1 =	simm.s32 $0xA800  }
0x177: {  	[tilespmem:s1], [sflag:$0x1] =	stream.indirect_vreg.gather [hbm4b:s2+s25], $0x80, v5, vm0, $0xb8;
	[tilespmem:$0x18C00] =	vst v63  }
0x178: {  	s4 =	simm.s32 $0xB000  }
0x179: {  	[tilespmem:s4], [sflag:$0x1] =	stream.indirect_vreg.gather [hbm4b:s2+s25], $0x80, v4, vm0, $0xb8;
	[tilespmem:$0x18C00] =	vst v63  }
0x17a: {  	v4 =	vld [tilespmem:s24+$0x130];
	_ =	sdelay $0x4  }
0x17b: {  	v5 =	vshll.u32 v4, $0x1  }
0x17c: {  	v4 =	vand.u32 $0x7, v4;
	v5 =	vand.u32 $0xFFFFFFF0, v5  }
0x17d: {  	v4 =	vor.u32 v4, v5  }
0x17e: {  	v5 =	vperm.xlane v4, v1;
	_ =	sdelay $0x1  }
0x17f: {  	v4 =	vperm.xlane v4, v3;
	v5 =	vadd.s32 v2, v5;
	_ =	sdelay $0x1  }
0x180: {  	v4 =	vadd.s32 v2, v4;
	_ =	sdelay $0x1  }
0x181: {  	s5 =	simm.s32 $0xB800  }
0x182: {  	[tilespmem:s5], [sflag:$0x1] =	stream.indirect_vreg.gather [hbm4b:s2+s25], $0x80, v5, vm0, $0xb8;
	[tilespmem:$0x18C00] =	vst v63  }
0x183: {  	s7 =	simm.s32 $0xC000  }
0x184: {  	[tilespmem:s7], [sflag:$0x1] =	stream.indirect_vreg.gather [hbm4b:s2+s25], $0x80, v4, vm0, $0xb8;
	[tilespmem:$0x18C00] =	vst v63  }
0x185: {  	v4 =	vld [tilespmem:s24+$0x140];
	_ =	sdelay $0x4  }
0x186: {  	v5 =	vshll.u32 v4, $0x1  }
0x187: {  	v4 =	vand.u32 $0x7, v4;
	v5 =	vand.u32 $0xFFFFFFF0, v5  }
0x188: {  	v4 =	vor.u32 v4, v5  }
0x189: {  	v5 =	vperm.xlane v4, v1;
	_ =	sdelay $0x1  }
0x18a: {  	v4 =	vperm.xlane v4, v3;
	v5 =	vadd.s32 v2, v5;
	_ =	sdelay $0x1  }
0x18b: {  	v4 =	vadd.s32 v2, v4;
	_ =	sdelay $0x1  }
0x18c: {  	s8 =	simm.s32 $0xC800  }
0x18d: {  	[tilespmem:s8], [sflag:$0x1] =	stream.indirect_vreg.gather [hbm4b:s2+s25], $0x80, v5, vm0, $0xb8;
	[tilespmem:$0x18C00] =	vst v63  }
0x18e: {  	s9 =	simm.s32 $0xD000  }
0x18f: {  	[tilespmem:s9], [sflag:$0x1] =	stream.indirect_vreg.gather [hbm4b:s2+s25], $0x80, v4, vm0, $0xb8;
	[tilespmem:$0x18C00] =	vst v63  }
0x190: {  	v4 =	vld [tilespmem:s24+$0x150];
	_ =	sdelay $0x4  }
0x191: {  	v5 =	vshll.u32 v4, $0x1  }
0x192: {  	v4 =	vand.u32 $0x7, v4;
	v5 =	vand.u32 $0xFFFFFFF0, v5  }
0x193: {  	v4 =	vor.u32 v4, v5  }
0x194: {  	v5 =	vperm.xlane v4, v1;
	_ =	sdelay $0x1  }
0x195: {  	v4 =	vperm.xlane v4, v3;
	v5 =	vadd.s32 v2, v5;
	_ =	sdelay $0x1  }
0x196: {  	v4 =	vadd.s32 v2, v4;
	_ =	sdelay $0x1  }
0x197: {  	s10 =	simm.s32 $0xD800  }
0x198: {  	[tilespmem:s10], [sflag:$0x1] =	stream.indirect_vreg.gather [hbm4b:s2+s25], $0x80, v5, vm0, $0xb8;
	[tilespmem:$0x18C00] =	vst v63  }
0x199: {  	s11 =	simm.s32 $0xE000  }
0x19a: {  	[tilespmem:s11], [sflag:$0x1] =	stream.indirect_vreg.gather [hbm4b:s2+s25], $0x80, v4, vm0, $0xb8;
	[tilespmem:$0x18C00] =	vst v63  }
0x19b: {  	v4 =	vld [tilespmem:s24+$0x160];
	_ =	sdelay $0x4  }
0x19c: {  	v5 =	vshll.u32 v4, $0x1  }
0x19d: {  	v4 =	vand.u32 $0x7, v4;
	v5 =	vand.u32 $0xFFFFFFF0, v5  }
0x19e: {  	v4 =	vor.u32 v4, v5  }
0x19f: {  	v5 =	vperm.xlane v4, v1;
	_ =	sdelay $0x1  }
0x1a0: {  	v4 =	vperm.xlane v4, v3;
	v5 =	vadd.s32 v2, v5;
	_ =	sdelay $0x1  }
0x1a1: {  	v4 =	vadd.s32 v2, v4;
	_ =	sdelay $0x1  }
0x1a2: {  	s12 =	simm.s32 $0xE800  }
0x1a3: {  	[tilespmem:s12], [sflag:$0x1] =	stream.indirect_vreg.gather [hbm4b:s2+s25], $0x80, v5, vm0, $0xb8;
	[tilespmem:$0x18C00] =	vst v63  }
0x1a4: {  	s14 =	simm.s32 $0xF000  }
0x1a5: {  	[tilespmem:s14], [sflag:$0x1] =	stream.indirect_vreg.gather [hbm4b:s2+s25], $0x80, v4, vm0, $0xb8;
	[tilespmem:$0x18C00] =	vst v63  }
0x1a6: {  	v4 =	vld [tilespmem:s24+$0x170];
	_ =	sdelay $0x4  }
0x1a7: {  	v5 =	vshll.u32 v4, $0x1  }
0x1a8: {  	v4 =	vand.u32 $0x7, v4;
	v5 =	vand.u32 $0xFFFFFFF0, v5  }
0x1a9: {  	v4 =	vor.u32 v4, v5  }
0x1aa: {  	v5 =	vperm.xlane v4, v1;
	_ =	sdelay $0x1  }
0x1ab: {  	v4 =	vperm.xlane v4, v3;
	v5 =	vadd.s32 v2, v5;
	_ =	sdelay $0x1  }
0x1ac: {  	v4 =	vadd.s32 v2, v4;
	_ =	sdelay $0x1  }
0x1ad: {  	s26 =	simm.s32 $0xF800  }
0x1ae: {  	[tilespmem:s26], [sflag:$0x1] =	stream.indirect_vreg.gather [hbm4b:s2+s25], $0x80, v5, vm0, $0xb8;
	[tilespmem:$0x18C00] =	vst v63  }
0x1af: {  	s29 =	simm.s32 $0x10000;
	s31 =	sshllo.u32 s23, $0x1  }
0x1b0: {  	[tilespmem:s29], [sflag:$0x1] =	stream.indirect_vreg.gather [hbm4b:s2+s25], $0x80, v4, vm0, $0xb8;
	[tilespmem:$0x18C00] =	vst v63  }
0x1b1: {  	s28 =	simm.s32 $0x0;
	s0 =	sshll.u32 s31, $0xB;
	_ =	swait.ge [sflag:s20], $0x8000  }
0x1b2: {  	s0 =	sand.u32 $0x3FFFF800, s0;
	s1 =	sshll.u32 s31, $0xC;
	[sflag:s20] =	ssyncset.done $0x0  }
0x1b3: {  	s1 =	sadd.s32 s1, s6;
	s26 =	sadd.s32 $0x800, s0;
	[sflag:s20] =	ssyncadd.s32 $0xFFFF8000  }
0x1b4: {  	[hbm4b:s1+s25] =	stream.linear.scatter [tilespmem:s30], [sflag:$0x4], $0x8000, $0x38;
	[tilespmem:$0x18C00] =	vst v63  }
.LBB2_9:
0x1b5: {  	s0 =	sshll.u32 s28, $0xC  }
0x1b6: {  	s10 =	simm.s32 $0x0;
	s5 =	sand.u32 $0x3FFFF000, s0  }
0x1b7: {  	s4 =	sand.u32 $0xFFFFFC00, s10;
	s1 =	sadd.s32 $0x10800, s5  }
0x1b8: {  	s11 =	sand.u32 $0x70, s25;
	s7 =	sadd.s32 s4, s1  }
0x1b9: {  	s7 =	sadd.s32 s11, s7  }
0x1ba: {  	v4 =	vld [tilespmem:s7+$0x0]  }
0x1bb: {  	v5 =	vld [tilespmem:s7+$0x80];
	_ =	sdelay $0x1  }
0x1bc: {  	v6 =	vld [tilespmem:s7+$0x100];
	_ =	sdelay $0x1  }
0x1bd: {  	v7 =	vld [tilespmem:s7+$0x180]  }
0x1be: {  	v8 =	vmul.f32 v4, v4;
	v4 =	vadd.f32 v5, v4;
	v5 =	vmul.f32 v5, v5  }
0x1bf: {  	v9 =	vld [tilespmem:s7+$0x200]  }
0x1c0: {  	v10 =	vmul.f32 v6, v6;
	v5 =	vadd.f32 v5, v8;
	v4 =	vadd.f32 v6, v4  }
0x1c1: {  	v6 =	vld [tilespmem:s7+$0x280]  }
0x1c2: {  	v47 =	vmul.f32 v7, v7;
	v5 =	vadd.f32 v10, v5;
	v4 =	vadd.f32 v7, v4  }
0x1c3: {  	v7 =	vld [tilespmem:s7+$0x300]  }
0x1c4: {  	s29 =	sadd.s32 $0x11000, s5;
	v48 =	vmul.f32 v9, v9;
	v5 =	vadd.f32 v47, v5;
	v4 =	vadd.f32 v9, v4  }
0x1c5: {  	s5 =	sadd.s32 s4, s29;
	v49 =	vld [tilespmem:s7+$0x380]  }
0x1c6: {  	s5 =	sadd.s32 s11, s5;
	v50 =	vmul.f32 v6, v6;
	v5 =	vadd.f32 v48, v5;
	v4 =	vadd.f32 v6, v4  }
0x1c7: {  	v6 =	vld [tilespmem:s5+$0x0]  }
0x1c8: {  	v51 =	vmul.f32 v7, v7;
	v5 =	vadd.f32 v50, v5;
	v4 =	vadd.f32 v7, v4  }
0x1c9: {  	v7 =	vld [tilespmem:s7+$0x880]  }
0x1ca: {  	v52 =	vmul.f32 v49, v49;
	v5 =	vadd.f32 v51, v5;
	v4 =	vadd.f32 v49, v4  }
0x1cb: {  	v53 =	vld [tilespmem:s7+$0x900]  }
0x1cc: {  	v54 =	vmul.f32 v6, v6;
	v5 =	vadd.f32 v52, v5;
	v4 =	vadd.f32 v6, v4  }
0x1cd: {  	v6 =	vld [tilespmem:s7+$0x980]  }
0x1ce: {  	v55 =	vmul.f32 v7, v7;
	v5 =	vadd.f32 v54, v5;
	v4 =	vadd.f32 v7, v4  }
0x1cf: {  	v7 =	vld [tilespmem:s7+$0xA00]  }
0x1d0: {  	v56 =	vmul.f32 v53, v53;
	v5 =	vadd.f32 v55, v5;
	v4 =	vadd.f32 v53, v4  }
0x1d1: {  	v57 =	vld [tilespmem:s7+$0xA80]  }
0x1d2: {  	s12 =	sshll.u32 s28, $0x7;
	v58 =	vmul.f32 v6, v6;
	v5 =	vadd.f32 v56, v5;
	v4 =	vadd.f32 v6, v4  }
0x1d3: {  	s8 =	simm.s32 $0x0;
	s5 =	sand.u32 $0x3FFFFF80, s12;
	v6 =	vld [tilespmem:s7+$0xB00]  }
0x1d4: {  	s14 =	sand.u32 $0x3FFFFE00, s8;
	s31 =	sadd.s32 s5, s26;
	v59 =	vmul.f32 v7, v7;
	v5 =	vadd.f32 v58, v5;
	v4 =	vadd.f32 v7, v4  }
0x1d5: {  	s5 =	sor.u32 s11, s14;
	s4 =	sadd.s32 s4, s31;
	v7 =	vld [tilespmem:s7+$0xB80]  }
0x1d6: {  	v60 =	vmul.f32 v57, v57;
	v61 =	vld [tilespmem:s5+$0x18800];
	s0 =	sadd.s32 s11, s4;
	v5 =	vadd.f32 v59, v5;
	v4 =	vadd.f32 v57, v4  }
0x1d7: {  	s10 =	sadd.s32 $0x18800, s5;
	v62 =	vld [tilespmem:s0+$0x0]  }
0x1d8: {  	v63 =	vld [tilespmem:s10+$0x100];
	v11 =	vmul.f32 v6, v6;
	v5 =	vadd.f32 v60, v5;
	v4 =	vadd.f32 v6, v4  }
0x1d9: {  	v6 =	vld [tilespmem:s10+$0x80]  }
0x1da: {  	v12 =	vmul.f32 v7, v7;
	v5 =	vadd.f32 v11, v5;
	v4 =	vadd.f32 v7, v4;
	_ =	sdelay $0x1  }
0x1db: {  	v5 =	vadd.f32 v12, v5;
	v7 =	vadd.f32 v61, v4;
	v4 =	vmul.f32 v4, v62  }
0x1dc: {  	s12 =	simm.s32 $0x10  }
0x1dd: {  	s4 =	simm.s32 $0x2;
	s0 =	simm.s32 $0x1;
	s7 =	simm.s32 $0x80;
	[tilespmem:s5+$0x18800] =	vst v7;
	v5 =	vadd.f32 v6, v5;
	v4 =	vadd.f32 v63, v4  }
.LBB2_10:
0x1de: {  	s5 =	sand.u32 $0x70, s12  }
0x1df: {  	s7 =	sand.u32 $0xFFFFFC00, s7;
	s8 =	smov.u32 s4;
	s11 =	sadd.s32 $0x1, s4  }
0x1e0: {  	s9 =	sadd.s32 s7, s1;
	s14 =	sadd.s32 s7, s29;
	s7 =	sadd.s32 s7, s31;
	[tilespmem:s10+$0x80] =	vst v5  }
0x1e1: {  	s9 =	sadd.s32 s5, s9;
	s14 =	sadd.s32 s5, s14;
	s7 =	sadd.s32 s5, s7;
	[tilespmem:s10+$0x100] =	vst v4  }
0x1e2: {  	p0 =	sne.s32 s4, $0xF;
	v4 =	vld [tilespmem:s9+$0x0]  }
0x1e3: {  	v5 =	vld [tilespmem:s9+$0x80]  }
0x1e4: {  	v6 =	vld [tilespmem:s9+$0x100];
	_ =	sdelay $0x1  }
0x1e5: {  	v7 =	vld [tilespmem:s9+$0x180]  }
0x1e6: {  	v8 =	vmul.f32 v4, v4  }
0x1e7: {  	v4 =	vadd.f32 v5, v4;
	v5 =	vmul.f32 v5, v5;
	v9 =	vld [tilespmem:s9+$0x200]  }
0x1e8: {  	v10 =	vmul.f32 v6, v6  }
0x1e9: {  	v5 =	vadd.f32 v5, v8;
	v4 =	vadd.f32 v6, v4;
	v6 =	vld [tilespmem:s9+$0x280]  }
0x1ea: {  	v8 =	vmul.f32 v7, v7  }
0x1eb: {  	v5 =	vadd.f32 v10, v5;
	v4 =	vadd.f32 v7, v4;
	v7 =	vld [tilespmem:s9+$0x300]  }
0x1ec: {  	v10 =	vmul.f32 v9, v9  }
0x1ed: {  	v5 =	vadd.f32 v8, v5;
	v4 =	vadd.f32 v9, v4;
	v8 =	vld [tilespmem:s9+$0x380]  }
0x1ee: {  	v9 =	vmul.f32 v6, v6  }
0x1ef: {  	v5 =	vadd.f32 v10, v5;
	v4 =	vadd.f32 v6, v4;
	v6 =	vld [tilespmem:s14+$0x0]  }
0x1f0: {  	v10 =	vmul.f32 v7, v7  }
0x1f1: {  	v5 =	vadd.f32 v9, v5;
	v4 =	vadd.f32 v7, v4;
	v7 =	vld [tilespmem:s9+$0x880]  }
0x1f2: {  	v9 =	vmul.f32 v8, v8  }
0x1f3: {  	v5 =	vadd.f32 v10, v5;
	v4 =	vadd.f32 v8, v4;
	v8 =	vld [tilespmem:s9+$0x900]  }
0x1f4: {  	v10 =	vmul.f32 v6, v6  }
0x1f5: {  	v5 =	vadd.f32 v9, v5;
	v4 =	vadd.f32 v6, v4;
	v6 =	vld [tilespmem:s9+$0x980]  }
0x1f6: {  	v9 =	vmul.f32 v7, v7  }
0x1f7: {  	v5 =	vadd.f32 v10, v5;
	v4 =	vadd.f32 v7, v4;
	v7 =	vld [tilespmem:s9+$0xA00]  }
0x1f8: {  	v10 =	vmul.f32 v8, v8  }
0x1f9: {  	v5 =	vadd.f32 v9, v5;
	v4 =	vadd.f32 v8, v4;
	v8 =	vld [tilespmem:s9+$0xA80]  }
0x1fa: {  	v9 =	vmul.f32 v6, v6  }
0x1fb: {  	v5 =	vadd.f32 v10, v5;
	v4 =	vadd.f32 v6, v4;
	v6 =	vld [tilespmem:s9+$0xB00]  }
0x1fc: {  	s4 =	sshll.u32 s0, $0x6;
	s0 =	smov.u32 s8;
	v10 =	vmul.f32 v7, v7  }
0x1fd: {  	s4 =	sand.u32 $0x3FFFFE00, s4;
	v5 =	vadd.f32 v9, v5;
	v4 =	vadd.f32 v7, v4;
	v7 =	vld [tilespmem:s9+$0xB80]  }
0x1fe: {  	s4 =	sor.u32 s5, s4;
	v9 =	vmul.f32 v8, v8  }
0x1ff: {  	v5 =	vadd.f32 v10, v5;
	v4 =	vadd.f32 v8, v4;
	v8 =	vld [tilespmem:s4+$0x18800]  }
0x200: {  	s10 =	sadd.s32 $0x18800, s4;
	v10 =	vmul.f32 v6, v6;
	v11 =	vld [tilespmem:s7+$0x0]  }
0x201: {  	v5 =	vadd.f32 v9, v5;
	v4 =	vadd.f32 v6, v4;
	v6 =	vld [tilespmem:s10+$0x80]  }
0x202: {  	v9 =	vmul.f32 v7, v7;
	v12 =	vld [tilespmem:s10+$0x100]  }
.Ltmp3:
0x203: {  	v5 =	vadd.f32 v10, v5;
	v4 =	vadd.f32 v7, v4;
	(pc) =	sbr.rel @p0 .LBB2_10-.Ltmp3, $3  }
0x204: {  	_ = 	snop  }
0x205: {  	v5 =	vadd.f32 v9, v5;
	v7 =	vadd.f32 v8, v4;
	v4 =	vmul.f32 v4, v11;
	_ =	sdelay $0x1  }
0x206: {  	s12 =	sadd.s32 $0x10, s12;
	s7 =	sshll.u32 s0, $0x7;
	[tilespmem:s4+$0x18800] =	vst v7;
	v5 =	vadd.f32 v6, v5;
	v4 =	vadd.f32 v12, v4;
	s4 =	smov.u32 s11  }
0x207: {  	s5 =	sand.u32 $0xFFFFFC00, s7  }
0x208: {  	s4 =	sand.u32 $0x70, s12;
	s1 =	sadd.s32 s5, s1;
	[tilespmem:s10+$0x80] =	vst v5  }
0x209: {  	[tilespmem:s10+$0x100] =	vst v4;
	s1 =	sadd.s32 s4, s1  }
0x20a: {  	v4 =	vld [tilespmem:s1+$0x0]  }
0x20b: {  	v5 =	vld [tilespmem:s1+$0x80];
	_ =	sdelay $0x1  }
0x20c: {  	v6 =	vld [tilespmem:s1+$0x100];
	_ =	sdelay $0x1  }
0x20d: {  	v7 =	vld [tilespmem:s1+$0x180]  }
0x20e: {  	v8 =	vmul.f32 v4, v4;
	v9 =	vmul.f32 v5, v5  }
0x20f: {  	v4 =	vadd.f32 v5, v4;
	v5 =	vld [tilespmem:s1+$0x200]  }
0x210: {  	v10 =	vmul.f32 v6, v6;
	v8 =	vadd.f32 v9, v8  }
0x211: {  	v41 =	vld [tilespmem:s1+$0x280];
	v4 =	vadd.f32 v6, v4  }
0x212: {  	v42 =	vmul.f32 v7, v7;
	v8 =	vadd.f32 v10, v8  }
0x213: {  	v43 =	vld [tilespmem:s1+$0x300];
	v4 =	vadd.f32 v7, v4  }
0x214: {  	v44 =	vmul.f32 v5, v5;
	v8 =	vadd.f32 v42, v8  }
0x215: {  	s7 =	sadd.s32 s5, s29;
	v4 =	vadd.f32 v5, v4;
	v5 =	vld [tilespmem:s1+$0x380]  }
0x216: {  	s7 =	sadd.s32 s4, s7;
	v45 =	vmul.f32 v41, v41;
	v8 =	vadd.f32 v44, v8  }
0x217: {  	v46 =	vld [tilespmem:s7+$0x0];
	v4 =	vadd.f32 v41, v4  }
0x218: {  	v47 =	vmul.f32 v43, v43;
	v8 =	vadd.f32 v45, v8  }
0x219: {  	v48 =	vld [tilespmem:s1+$0x880];
	v4 =	vadd.f32 v43, v4  }
0x21a: {  	v49 =	vmul.f32 v5, v5;
	v8 =	vadd.f32 v47, v8  }
0x21b: {  	v4 =	vadd.f32 v5, v4;
	v5 =	vld [tilespmem:s1+$0x900]  }
0x21c: {  	v50 =	vmul.f32 v46, v46;
	v8 =	vadd.f32 v49, v8  }
0x21d: {  	v51 =	vld [tilespmem:s1+$0x980];
	v4 =	vadd.f32 v46, v4  }
0x21e: {  	v52 =	vmul.f32 v48, v48;
	v8 =	vadd.f32 v50, v8  }
0x21f: {  	v53 =	vld [tilespmem:s1+$0xA00];
	v4 =	vadd.f32 v48, v4  }
0x220: {  	v54 =	vmul.f32 v5, v5;
	v8 =	vadd.f32 v52, v8  }
0x221: {  	v4 =	vadd.f32 v5, v4;
	v5 =	vld [tilespmem:s1+$0xA80]  }
0x222: {  	v55 =	vmul.f32 v51, v51;
	v8 =	vadd.f32 v54, v8  }
0x223: {  	v56 =	vld [tilespmem:s1+$0xB00];
	v4 =	vadd.f32 v51, v4  }
0x224: {  	v57 =	vmul.f32 v53, v53;
	v8 =	vadd.f32 v55, v8  }
0x225: {  	s0 =	sshll.u32 s0, $0x6;
	s29 =	sadd.s32 s5, s31;
	v58 =	vld [tilespmem:s1+$0xB80];
	v4 =	vadd.f32 v53, v4  }
0x226: {  	s0 =	sand.u32 $0x3FFFFE00, s0;
	s1 =	sadd.s32 s4, s29;
	v59 =	vmul.f32 v5, v5;
	v8 =	vadd.f32 v57, v8  }
0x227: {  	s0 =	sor.u32 s4, s0;
	v11 =	vld [tilespmem:s1+$0x0];
	v4 =	vadd.f32 v5, v4  }
0x228: {  	s31 =	sadd.s32 $0x18800, s0;
	v60 =	vmul.f32 v56, v56;
	v5 =	vld [tilespmem:s0+$0x18800];
	v8 =	vadd.f32 v59, v8  }
0x229: {  	v61 =	vld [tilespmem:s31+$0x80];
	v4 =	vadd.f32 v56, v4  }
0x22a: {  	v12 =	vld [tilespmem:s31+$0x100];
	v62 =	vmul.f32 v58, v58;
	v8 =	vadd.f32 v60, v8  }
0x22b: {  	s28 =	sadd.s32 $0x1, s28;
	v4 =	vadd.f32 v58, v4  }
0x22c: {  	p0 =	sne.s32 s28, $0x8;
	v63 =	vadd.f32 v62, v8  }
.Ltmp4:
0x22d: {  	v5 =	vadd.f32 v5, v4;
	v4 =	vmul.f32 v4, v11;
	(pc) =	sbr.rel @p0 .LBB2_9-.Ltmp4, $4  }
0x22e: {  	v6 =	vadd.f32 v61, v63  }
0x22f: {  	[tilespmem:s0+$0x18800] =	vst v5;
	v4 =	vadd.f32 v12, v4  }
0x230: {  	[tilespmem:s31+$0x80] =	vst v6  }
0x231: {  	[tilespmem:s31+$0x100] =	vst v4  }
0x232: {  	_ =	swait.ge [sflag:s21], $0x8000  }
0x233: {  	[sflag:s21] =	ssyncset.done $0x0  }
0x234: {  	[sflag:s21] =	ssyncadd.s32 $0xFFFF8000  }
0x235: {  	v4 =	vld [tilespmem:s24+$0x180];
	_ =	sdelay $0x4  }
0x236: {  	v5 =	vshll.u32 v4, $0x1  }
0x237: {  	v4 =	vand.u32 $0x7, v4;
	v5 =	vand.u32 $0xFFFFFFF0, v5  }
0x238: {  	v4 =	vor.u32 v4, v5  }
0x239: {  	v5 =	vperm.xlane v4, v1;
	_ =	sdelay $0x1  }
0x23a: {  	v4 =	vperm.xlane v4, v3;
	v5 =	vadd.s32 v2, v5;
	_ =	sdelay $0x1  }
0x23b: {  	v4 =	vadd.s32 v2, v4;
	_ =	sdelay $0x2  }
0x23c: {  	[tilespmem:s30], [sflag:$0x2] =	stream.indirect_vreg.gather [hbm4b:s2+s3], $0x80, v5, vm0, $0xb8;
	[tilespmem:$0x18C00] =	vst v63  }
0x23d: {  	s0 =	simm.s32 $0x11000  }
0x23e: {  	[tilespmem:s0], [sflag:$0x2] =	stream.indirect_vreg.gather [hbm4b:s2+s3], $0x80, v4, vm0, $0xb8;
	[tilespmem:$0x18C00] =	vst v63  }
0x23f: {  	v4 =	vld [tilespmem:s24+$0x190];
	_ =	sdelay $0x4  }
0x240: {  	v5 =	vshll.u32 v4, $0x1  }
0x241: {  	v4 =	vand.u32 $0x7, v4;
	v5 =	vand.u32 $0xFFFFFFF0, v5  }
0x242: {  	v4 =	vor.u32 v4, v5  }
0x243: {  	v5 =	vperm.xlane v4, v1;
	_ =	sdelay $0x1  }
0x244: {  	v4 =	vperm.xlane v4, v3;
	v5 =	vadd.s32 v2, v5;
	_ =	sdelay $0x1  }
0x245: {  	v4 =	vadd.s32 v2, v4;
	_ =	sdelay $0x1  }
0x246: {  	s8 =	simm.s32 $0x11800  }
0x247: {  	[tilespmem:s8], [sflag:$0x2] =	stream.indirect_vreg.gather [hbm4b:s2+s3], $0x80, v5, vm0, $0xb8;
	[tilespmem:$0x18C00] =	vst v63  }
0x248: {  	s9 =	simm.s32 $0x12000  }
0x249: {  	[tilespmem:s9], [sflag:$0x2] =	stream.indirect_vreg.gather [hbm4b:s2+s3], $0x80, v4, vm0, $0xb8;
	[tilespmem:$0x18C00] =	vst v63  }
0x24a: {  	v4 =	vld [tilespmem:s24+$0x1A0];
	_ =	sdelay $0x4  }
0x24b: {  	v5 =	vshll.u32 v4, $0x1  }
0x24c: {  	v4 =	vand.u32 $0x7, v4;
	v5 =	vand.u32 $0xFFFFFFF0, v5  }
0x24d: {  	v4 =	vor.u32 v4, v5  }
0x24e: {  	v5 =	vperm.xlane v4, v1;
	_ =	sdelay $0x1  }
0x24f: {  	v4 =	vperm.xlane v4, v3;
	v5 =	vadd.s32 v2, v5;
	_ =	sdelay $0x1  }
0x250: {  	v4 =	vadd.s32 v2, v4;
	_ =	sdelay $0x1  }
0x251: {  	s10 =	simm.s32 $0x12800  }
0x252: {  	[tilespmem:s10], [sflag:$0x2] =	stream.indirect_vreg.gather [hbm4b:s2+s3], $0x80, v5, vm0, $0xb8;
	[tilespmem:$0x18C00] =	vst v63  }
0x253: {  	s11 =	simm.s32 $0x13000  }
0x254: {  	[tilespmem:s11], [sflag:$0x2] =	stream.indirect_vreg.gather [hbm4b:s2+s3], $0x80, v4, vm0, $0xb8;
	[tilespmem:$0x18C00] =	vst v63  }
0x255: {  	v4 =	vld [tilespmem:s24+$0x1B0];
	_ =	sdelay $0x4  }
0x256: {  	v5 =	vshll.u32 v4, $0x1  }
0x257: {  	v4 =	vand.u32 $0x7, v4;
	v5 =	vand.u32 $0xFFFFFFF0, v5  }
0x258: {  	v4 =	vor.u32 v4, v5  }
0x259: {  	v5 =	vperm.xlane v4, v1;
	_ =	sdelay $0x1  }
0x25a: {  	v4 =	vperm.xlane v4, v3;
	v5 =	vadd.s32 v2, v5;
	_ =	sdelay $0x1  }
0x25b: {  	v4 =	vadd.s32 v2, v4;
	_ =	sdelay $0x1  }
0x25c: {  	s12 =	simm.s32 $0x13800  }
0x25d: {  	[tilespmem:s12], [sflag:$0x2] =	stream.indirect_vreg.gather [hbm4b:s2+s3], $0x80, v5, vm0, $0xb8;
	[tilespmem:$0x18C00] =	vst v63  }
0x25e: {  	s14 =	simm.s32 $0x14000  }
0x25f: {  	[tilespmem:s14], [sflag:$0x2] =	stream.indirect_vreg.gather [hbm4b:s2+s3], $0x80, v4, vm0, $0xb8;
	[tilespmem:$0x18C00] =	vst v63  }
0x260: {  	v4 =	vld [tilespmem:s24+$0x1C0];
	_ =	sdelay $0x4  }
0x261: {  	v5 =	vshll.u32 v4, $0x1  }
0x262: {  	v4 =	vand.u32 $0x7, v4;
	v5 =	vand.u32 $0xFFFFFFF0, v5  }
0x263: {  	v4 =	vor.u32 v4, v5  }
0x264: {  	v5 =	vperm.xlane v4, v1;
	_ =	sdelay $0x1  }
0x265: {  	v4 =	vperm.xlane v4, v3;
	v5 =	vadd.s32 v2, v5;
	_ =	sdelay $0x1  }
0x266: {  	v4 =	vadd.s32 v2, v4;
	_ =	sdelay $0x1  }
0x267: {  	s25 =	simm.s32 $0x14800  }
0x268: {  	[tilespmem:s25], [sflag:$0x2] =	stream.indirect_vreg.gather [hbm4b:s2+s3], $0x80, v5, vm0, $0xb8;
	[tilespmem:$0x18C00] =	vst v63  }
0x269: {  	s26 =	simm.s32 $0x15000  }
0x26a: {  	[tilespmem:s26], [sflag:$0x2] =	stream.indirect_vreg.gather [hbm4b:s2+s3], $0x80, v4, vm0, $0xb8;
	[tilespmem:$0x18C00] =	vst v63  }
0x26b: {  	v4 =	vld [tilespmem:s24+$0x1D0];
	_ =	sdelay $0x4  }
0x26c: {  	v5 =	vshll.u32 v4, $0x1  }
0x26d: {  	v4 =	vand.u32 $0x7, v4;
	v5 =	vand.u32 $0xFFFFFFF0, v5  }
0x26e: {  	v4 =	vor.u32 v4, v5  }
0x26f: {  	v5 =	vperm.xlane v4, v1;
	_ =	sdelay $0x1  }
0x270: {  	v4 =	vperm.xlane v4, v3;
	v5 =	vadd.s32 v2, v5;
	_ =	sdelay $0x1  }
0x271: {  	v4 =	vadd.s32 v2, v4;
	_ =	sdelay $0x1  }
0x272: {  	s28 =	simm.s32 $0x15800  }
0x273: {  	[tilespmem:s28], [sflag:$0x2] =	stream.indirect_vreg.gather [hbm4b:s2+s3], $0x80, v5, vm0, $0xb8;
	[tilespmem:$0x18C00] =	vst v63  }
0x274: {  	s29 =	simm.s32 $0x16000  }
0x275: {  	[tilespmem:s29], [sflag:$0x2] =	stream.indirect_vreg.gather [hbm4b:s2+s3], $0x80, v4, vm0, $0xb8;
	[tilespmem:$0x18C00] =	vst v63  }
0x276: {  	v4 =	vld [tilespmem:s24+$0x1E0];
	_ =	sdelay $0x4  }
0x277: {  	v5 =	vshll.u32 v4, $0x1  }
0x278: {  	v4 =	vand.u32 $0x7, v4;
	v5 =	vand.u32 $0xFFFFFFF0, v5  }
0x279: {  	v4 =	vor.u32 v4, v5  }
0x27a: {  	v5 =	vperm.xlane v4, v1;
	_ =	sdelay $0x1  }
0x27b: {  	v4 =	vperm.xlane v4, v3;
	v5 =	vadd.s32 v2, v5;
	_ =	sdelay $0x1  }
0x27c: {  	v4 =	vadd.s32 v2, v4;
	_ =	sdelay $0x1  }
0x27d: {  	s31 =	simm.s32 $0x16800  }
0x27e: {  	[tilespmem:s31], [sflag:$0x2] =	stream.indirect_vreg.gather [hbm4b:s2+s3], $0x80, v5, vm0, $0xb8;
	[tilespmem:$0x18C00] =	vst v63  }
0x27f: {  	_ = 	snop  }
0x280: {  	[tilespmem:s15], [sflag:$0x2] =	stream.indirect_vreg.gather [hbm4b:s2+s3], $0x80, v4, vm0, $0xb8;
	[tilespmem:$0x18C00] =	vst v63  }
0x281: {  	v4 =	vld [tilespmem:s24+$0x1F0];
	_ =	sdelay $0x4  }
0x282: {  	v5 =	vshll.u32 v4, $0x1  }
0x283: {  	v4 =	vand.u32 $0x7, v4;
	v5 =	vand.u32 $0xFFFFFFF0, v5  }
0x284: {  	v4 =	vor.u32 v4, v5  }
0x285: {  	v5 =	vperm.xlane v4, v1;
	_ =	sdelay $0x1  }
0x286: {  	v4 =	vperm.xlane v4, v3;
	v5 =	vadd.s32 v2, v5  }
0x287: {  	s23 =	sadd.s32 $0x1, s23  }
0x288: {  	p0 =	sne.s32 s23, $0x7;
	v4 =	vadd.s32 v2, v4  }
.Ltmp5:
0x289: {  	_ = 	snop;
	(pc) =	sbr.rel @p0 .LBB2_4-.Ltmp5, $4  }
0x28a: {  	_ = 	snop  }
0x28b: {  	[tilespmem:s16], [sflag:$0x2] =	stream.indirect_vreg.gather [hbm4b:s2+s3], $0x80, v5, vm0, $0xb8;
	[tilespmem:$0x18C00] =	vst v63  }
0x28c: {  	_ = 	snop  }
0x28d: {  	[tilespmem:s17], [sflag:$0x2] =	stream.indirect_vreg.gather [hbm4b:s2+s3], $0x80, v4, vm0, $0xb8;
	[tilespmem:$0x18C00] =	vst v63  }
0x28e: {  	_ =	swait.ge [sflag:s18], $0x8000  }
0x28f: {  	s22 =	simm.s32 $0x0;
	[sflag:s18] =	ssyncset.done $0x0  }
0x290: {  	s23 =	simm.s32 $0x0;
	s0 =	rddreg [dreg:$0x5];
	[sflag:s18] =	ssyncadd.s32 $0xFFFF8000  }
0x291: {  	[hbm4b:s0+s22] =	stream.linear.scatter [tilespmem:s13], [sflag:$0x3], $0x8000, $0x38;
	[tilespmem:$0x18C00] =	vst v63  }
.LBB2_14:
0x292: {  	s0 =	sshll.u32 s23, $0xC  }
0x293: {  	s26 =	simm.s32 $0x0;
	s5 =	sand.u32 $0x3FFFF000, s0  }
0x294: {  	s4 =	sand.u32 $0xFFFFFC00, s26;
	s1 =	sadd.s32 $0x8800, s5  }
0x295: {  	s28 =	sand.u32 $0x70, s22;
	s7 =	sadd.s32 s4, s1  }
0x296: {  	s7 =	sadd.s32 s28, s7  }
0x297: {  	v4 =	vld [tilespmem:s7+$0x0]  }
0x298: {  	v5 =	vld [tilespmem:s7+$0x80];
	_ =	sdelay $0x1  }
0x299: {  	v6 =	vld [tilespmem:s7+$0x100];
	_ =	sdelay $0x1  }
0x29a: {  	v7 =	vld [tilespmem:s7+$0x180]  }
0x29b: {  	v8 =	vmul.f32 v4, v4;
	v4 =	vadd.f32 v5, v4;
	v5 =	vmul.f32 v5, v5  }
0x29c: {  	v9 =	vld [tilespmem:s7+$0x200]  }
0x29d: {  	v10 =	vmul.f32 v6, v6;
	v5 =	vadd.f32 v5, v8;
	v4 =	vadd.f32 v6, v4  }
0x29e: {  	v6 =	vld [tilespmem:s7+$0x280]  }
0x29f: {  	v47 =	vmul.f32 v7, v7;
	v5 =	vadd.f32 v10, v5;
	v4 =	vadd.f32 v7, v4  }
0x2a0: {  	v7 =	vld [tilespmem:s7+$0x300]  }
0x2a1: {  	s24 =	sadd.s32 $0x9000, s5;
	v48 =	vmul.f32 v9, v9;
	v5 =	vadd.f32 v47, v5;
	v4 =	vadd.f32 v9, v4  }
0x2a2: {  	s5 =	sadd.s32 s4, s24;
	v49 =	vld [tilespmem:s7+$0x380]  }
0x2a3: {  	s5 =	sadd.s32 s28, s5;
	v50 =	vmul.f32 v6, v6;
	v5 =	vadd.f32 v48, v5;
	v4 =	vadd.f32 v6, v4  }
0x2a4: {  	v6 =	vld [tilespmem:s5+$0x0]  }
0x2a5: {  	v51 =	vmul.f32 v7, v7;
	v5 =	vadd.f32 v50, v5;
	v4 =	vadd.f32 v7, v4  }
0x2a6: {  	v7 =	vld [tilespmem:s7+$0x880]  }
0x2a7: {  	v52 =	vmul.f32 v49, v49;
	v5 =	vadd.f32 v51, v5;
	v4 =	vadd.f32 v49, v4  }
0x2a8: {  	v53 =	vld [tilespmem:s7+$0x900]  }
0x2a9: {  	v54 =	vmul.f32 v6, v6;
	v5 =	vadd.f32 v52, v5;
	v4 =	vadd.f32 v6, v4  }
0x2aa: {  	v6 =	vld [tilespmem:s7+$0x980]  }
0x2ab: {  	v55 =	vmul.f32 v7, v7;
	v5 =	vadd.f32 v54, v5;
	v4 =	vadd.f32 v7, v4  }
0x2ac: {  	v7 =	vld [tilespmem:s7+$0xA00]  }
0x2ad: {  	v56 =	vmul.f32 v53, v53;
	v5 =	vadd.f32 v55, v5;
	v4 =	vadd.f32 v53, v4  }
0x2ae: {  	v57 =	vld [tilespmem:s7+$0xA80]  }
0x2af: {  	s29 =	sshll.u32 s23, $0x7;
	v58 =	vmul.f32 v6, v6;
	v5 =	vadd.f32 v56, v5;
	v4 =	vadd.f32 v6, v4  }
0x2b0: {  	s8 =	simm.s32 $0x0;
	s5 =	sand.u32 $0x3FFFFF80, s29;
	v6 =	vld [tilespmem:s7+$0xB00]  }
0x2b1: {  	s31 =	sand.u32 $0x3FFFFE00, s8;
	s25 =	sadd.s32 $0x7800, s5;
	v59 =	vmul.f32 v7, v7;
	v5 =	vadd.f32 v58, v5;
	v4 =	vadd.f32 v7, v4  }
0x2b2: {  	s5 =	sor.u32 s28, s31;
	s4 =	sadd.s32 s4, s25;
	v7 =	vld [tilespmem:s7+$0xB80]  }
0x2b3: {  	v60 =	vmul.f32 v57, v57;
	v61 =	vld [tilespmem:s5+$0x18800];
	s0 =	sadd.s32 s28, s4;
	v5 =	vadd.f32 v59, v5;
	v4 =	vadd.f32 v57, v4  }
0x2b4: {  	s10 =	sadd.s32 $0x18800, s5;
	v62 =	vld [tilespmem:s0+$0x0]  }
0x2b5: {  	v63 =	vld [tilespmem:s10+$0x100];
	v11 =	vmul.f32 v6, v6;
	v5 =	vadd.f32 v60, v5;
	v4 =	vadd.f32 v6, v4  }
0x2b6: {  	v6 =	vld [tilespmem:s10+$0x80]  }
0x2b7: {  	v12 =	vmul.f32 v7, v7;
	v5 =	vadd.f32 v11, v5;
	v4 =	vadd.f32 v7, v4;
	_ =	sdelay $0x1  }
0x2b8: {  	v5 =	vadd.f32 v12, v5;
	v7 =	vadd.f32 v61, v4;
	v4 =	vmul.f32 v4, v62  }
0x2b9: {  	s11 =	simm.s32 $0x2  }
0x2ba: {  	s12 =	simm.s32 $0x10;
	s0 =	simm.s32 $0x1;
	s7 =	simm.s32 $0x80;
	[tilespmem:s5+$0x18800] =	vst v7;
	v5 =	vadd.f32 v6, v5;
	v4 =	vadd.f32 v63, v4  }
.LBB2_15:
0x2bb: {  	s5 =	sand.u32 $0x70, s12  }
0x2bc: {  	s7 =	sand.u32 $0xFFFFFC00, s7;
	s8 =	smov.u32 s11;
	s4 =	sadd.s32 $0x1, s11  }
0x2bd: {  	s9 =	sadd.s32 s7, s1;
	s14 =	sadd.s32 s7, s24;
	s7 =	sadd.s32 s7, s25;
	[tilespmem:s10+$0x80] =	vst v5  }
0x2be: {  	s9 =	sadd.s32 s5, s9;
	s14 =	sadd.s32 s5, s14;
	s7 =	sadd.s32 s5, s7;
	[tilespmem:s10+$0x100] =	vst v4  }
0x2bf: {  	p0 =	sne.s32 s11, $0xF;
	v4 =	vld [tilespmem:s9+$0x0]  }
0x2c0: {  	v5 =	vld [tilespmem:s9+$0x80]  }
0x2c1: {  	v6 =	vld [tilespmem:s9+$0x100];
	_ =	sdelay $0x1  }
0x2c2: {  	v7 =	vld [tilespmem:s9+$0x180]  }
0x2c3: {  	v8 =	vmul.f32 v4, v4  }
0x2c4: {  	v4 =	vadd.f32 v5, v4;
	v5 =	vmul.f32 v5, v5;
	v9 =	vld [tilespmem:s9+$0x200]  }
0x2c5: {  	v10 =	vmul.f32 v6, v6  }
0x2c6: {  	v5 =	vadd.f32 v5, v8;
	v4 =	vadd.f32 v6, v4;
	v6 =	vld [tilespmem:s9+$0x280]  }
0x2c7: {  	v8 =	vmul.f32 v7, v7  }
0x2c8: {  	v5 =	vadd.f32 v10, v5;
	v4 =	vadd.f32 v7, v4;
	v7 =	vld [tilespmem:s9+$0x300]  }
0x2c9: {  	v10 =	vmul.f32 v9, v9  }
0x2ca: {  	v5 =	vadd.f32 v8, v5;
	v4 =	vadd.f32 v9, v4;
	v8 =	vld [tilespmem:s9+$0x380]  }
0x2cb: {  	v9 =	vmul.f32 v6, v6  }
0x2cc: {  	v5 =	vadd.f32 v10, v5;
	v4 =	vadd.f32 v6, v4;
	v6 =	vld [tilespmem:s14+$0x0]  }
0x2cd: {  	v10 =	vmul.f32 v7, v7  }
0x2ce: {  	v5 =	vadd.f32 v9, v5;
	v4 =	vadd.f32 v7, v4;
	v7 =	vld [tilespmem:s9+$0x880]  }
0x2cf: {  	v9 =	vmul.f32 v8, v8  }
0x2d0: {  	v5 =	vadd.f32 v10, v5;
	v4 =	vadd.f32 v8, v4;
	v8 =	vld [tilespmem:s9+$0x900]  }
0x2d1: {  	v10 =	vmul.f32 v6, v6  }
0x2d2: {  	v5 =	vadd.f32 v9, v5;
	v4 =	vadd.f32 v6, v4;
	v6 =	vld [tilespmem:s9+$0x980]  }
0x2d3: {  	v9 =	vmul.f32 v7, v7  }
0x2d4: {  	v5 =	vadd.f32 v10, v5;
	v4 =	vadd.f32 v7, v4;
	v7 =	vld [tilespmem:s9+$0xA00]  }
0x2d5: {  	v10 =	vmul.f32 v8, v8  }
0x2d6: {  	v5 =	vadd.f32 v9, v5;
	v4 =	vadd.f32 v8, v4;
	v8 =	vld [tilespmem:s9+$0xA80]  }
0x2d7: {  	v9 =	vmul.f32 v6, v6  }
0x2d8: {  	v5 =	vadd.f32 v10, v5;
	v4 =	vadd.f32 v6, v4;
	v6 =	vld [tilespmem:s9+$0xB00]  }
0x2d9: {  	s10 =	sshll.u32 s0, $0x6;
	s0 =	smov.u32 s8;
	v10 =	vmul.f32 v7, v7  }
0x2da: {  	s8 =	sand.u32 $0x3FFFFE00, s10;
	v5 =	vadd.f32 v9, v5;
	v4 =	vadd.f32 v7, v4;
	v7 =	vld [tilespmem:s9+$0xB80]  }
0x2db: {  	s5 =	sor.u32 s5, s8;
	v9 =	vmul.f32 v8, v8  }
0x2dc: {  	v5 =	vadd.f32 v10, v5;
	v4 =	vadd.f32 v8, v4;
	v8 =	vld [tilespmem:s5+$0x18800]  }
0x2dd: {  	s10 =	sadd.s32 $0x18800, s5;
	v10 =	vmul.f32 v6, v6;
	v11 =	vld [tilespmem:s7+$0x0]  }
0x2de: {  	v5 =	vadd.f32 v9, v5;
	v4 =	vadd.f32 v6, v4;
	v6 =	vld [tilespmem:s10+$0x80]  }
0x2df: {  	v9 =	vmul.f32 v7, v7;
	v12 =	vld [tilespmem:s10+$0x100]  }
.Ltmp6:
0x2e0: {  	v5 =	vadd.f32 v10, v5;
	v4 =	vadd.f32 v7, v4;
	(pc) =	sbr.rel @p0 .LBB2_15-.Ltmp6, $3  }
0x2e1: {  	_ = 	snop  }
0x2e2: {  	v5 =	vadd.f32 v9, v5;
	v7 =	vadd.f32 v8, v4;
	v4 =	vmul.f32 v4, v11;
	_ =	sdelay $0x1  }
0x2e3: {  	s12 =	sadd.s32 $0x10, s12;
	s11 =	smov.u32 s4;
	s7 =	sshll.u32 s0, $0x7;
	[tilespmem:s5+$0x18800] =	vst v7;
	v5 =	vadd.f32 v6, v5;
	v4 =	vadd.f32 v12, v4  }
0x2e4: {  	s5 =	sand.u32 $0xFFFFFC00, s7  }
0x2e5: {  	s4 =	sand.u32 $0x70, s12;
	s1 =	sadd.s32 s5, s1;
	[tilespmem:s10+$0x80] =	vst v5  }
0x2e6: {  	[tilespmem:s10+$0x100] =	vst v4;
	s1 =	sadd.s32 s4, s1  }
0x2e7: {  	v4 =	vld [tilespmem:s1+$0x0]  }
0x2e8: {  	v5 =	vld [tilespmem:s1+$0x80];
	_ =	sdelay $0x1  }
0x2e9: {  	v6 =	vld [tilespmem:s1+$0x100];
	_ =	sdelay $0x1  }
0x2ea: {  	v7 =	vld [tilespmem:s1+$0x180]  }
0x2eb: {  	v8 =	vmul.f32 v4, v4;
	v9 =	vmul.f32 v5, v5  }
0x2ec: {  	v4 =	vadd.f32 v5, v4;
	v5 =	vld [tilespmem:s1+$0x200]  }
0x2ed: {  	v10 =	vmul.f32 v6, v6;
	v8 =	vadd.f32 v9, v8  }
0x2ee: {  	v41 =	vld [tilespmem:s1+$0x280];
	v4 =	vadd.f32 v6, v4  }
0x2ef: {  	v42 =	vmul.f32 v7, v7;
	v8 =	vadd.f32 v10, v8  }
0x2f0: {  	v43 =	vld [tilespmem:s1+$0x300];
	v4 =	vadd.f32 v7, v4  }
0x2f1: {  	v44 =	vmul.f32 v5, v5;
	v8 =	vadd.f32 v42, v8  }
0x2f2: {  	s7 =	sadd.s32 s5, s24;
	v4 =	vadd.f32 v5, v4;
	v5 =	vld [tilespmem:s1+$0x380]  }
0x2f3: {  	s7 =	sadd.s32 s4, s7;
	v45 =	vmul.f32 v41, v41;
	v8 =	vadd.f32 v44, v8  }
0x2f4: {  	v46 =	vld [tilespmem:s7+$0x0];
	v4 =	vadd.f32 v41, v4  }
0x2f5: {  	v47 =	vmul.f32 v43, v43;
	v8 =	vadd.f32 v45, v8  }
0x2f6: {  	v48 =	vld [tilespmem:s1+$0x880];
	v4 =	vadd.f32 v43, v4  }
0x2f7: {  	v49 =	vmul.f32 v5, v5;
	v8 =	vadd.f32 v47, v8  }
0x2f8: {  	v4 =	vadd.f32 v5, v4;
	v5 =	vld [tilespmem:s1+$0x900]  }
0x2f9: {  	v50 =	vmul.f32 v46, v46;
	v8 =	vadd.f32 v49, v8  }
0x2fa: {  	v51 =	vld [tilespmem:s1+$0x980];
	v4 =	vadd.f32 v46, v4  }
0x2fb: {  	v52 =	vmul.f32 v48, v48;
	v8 =	vadd.f32 v50, v8  }
0x2fc: {  	v53 =	vld [tilespmem:s1+$0xA00];
	v4 =	vadd.f32 v48, v4  }
0x2fd: {  	v54 =	vmul.f32 v5, v5;
	v8 =	vadd.f32 v52, v8  }
0x2fe: {  	v4 =	vadd.f32 v5, v4;
	v5 =	vld [tilespmem:s1+$0xA80]  }
0x2ff: {  	v55 =	vmul.f32 v51, v51;
	v8 =	vadd.f32 v54, v8  }
0x300: {  	v56 =	vld [tilespmem:s1+$0xB00];
	v4 =	vadd.f32 v51, v4  }
0x301: {  	v57 =	vmul.f32 v53, v53;
	v8 =	vadd.f32 v55, v8  }
0x302: {  	s0 =	sshll.u32 s0, $0x6;
	s29 =	sadd.s32 s5, s25;
	v58 =	vld [tilespmem:s1+$0xB80];
	v4 =	vadd.f32 v53, v4  }
0x303: {  	s0 =	sand.u32 $0x3FFFFE00, s0;
	s1 =	sadd.s32 s4, s29;
	v59 =	vmul.f32 v5, v5;
	v8 =	vadd.f32 v57, v8  }
0x304: {  	s0 =	sor.u32 s4, s0;
	v11 =	vld [tilespmem:s1+$0x0];
	v4 =	vadd.f32 v5, v4  }
0x305: {  	s31 =	sadd.s32 $0x18800, s0;
	v60 =	vmul.f32 v56, v56;
	v5 =	vld [tilespmem:s0+$0x18800];
	v8 =	vadd.f32 v59, v8  }
0x306: {  	v61 =	vld [tilespmem:s31+$0x80];
	v4 =	vadd.f32 v56, v4  }
0x307: {  	v12 =	vld [tilespmem:s31+$0x100];
	v62 =	vmul.f32 v58, v58;
	v8 =	vadd.f32 v60, v8  }
0x308: {  	s23 =	sadd.s32 $0x1, s23;
	v4 =	vadd.f32 v58, v4  }
0x309: {  	p0 =	sne.s32 s23, $0x8;
	v63 =	vadd.f32 v62, v8  }
.Ltmp7:
0x30a: {  	v5 =	vadd.f32 v5, v4;
	v4 =	vmul.f32 v4, v11;
	(pc) =	sbr.rel @p0 .LBB2_14-.Ltmp7, $4  }
0x30b: {  	v6 =	vadd.f32 v61, v63  }
0x30c: {  	[tilespmem:s0+$0x18800] =	vst v5;
	v4 =	vadd.f32 v12, v4  }
0x30d: {  	[tilespmem:s31+$0x80] =	vst v6  }
0x30e: {  	[tilespmem:s31+$0x100] =	vst v4  }
0x30f: {  	_ =	swait.ge [sflag:s19], $0x8000  }
0x310: {  	[sflag:s19] =	ssyncset.done $0x0  }
0x311: {  	[sflag:s19] =	ssyncadd.s32 $0xFFFF8000  }
0x312: {  	_ =	swait.ge [sflag:s20], $0x8000  }
0x313: {  	s22 =	simm.s32 $0x0;
	[sflag:s20] =	ssyncset.done $0x0  }
0x314: {  	s23 =	simm.s32 $0x0;
	s0 =	rddreg [dreg:$0x6];
	[sflag:s20] =	ssyncadd.s32 $0xFFFF8000  }
0x315: {  	[hbm4b:s0+s22] =	stream.linear.scatter [tilespmem:s30], [sflag:$0x4], $0x8000, $0x38;
	[tilespmem:$0x18C00] =	vst v63  }
.LBB2_18:
0x316: {  	s0 =	sshll.u32 s23, $0xC  }
0x317: {  	s26 =	simm.s32 $0x0;
	s5 =	sand.u32 $0x3FFFF000, s0  }
0x318: {  	s4 =	sand.u32 $0xFFFFFC00, s26;
	s1 =	sadd.s32 $0x10800, s5  }
0x319: {  	s28 =	sand.u32 $0x70, s22;
	s7 =	sadd.s32 s4, s1  }
0x31a: {  	s7 =	sadd.s32 s28, s7  }
0x31b: {  	v4 =	vld [tilespmem:s7+$0x0]  }
0x31c: {  	v5 =	vld [tilespmem:s7+$0x80];
	_ =	sdelay $0x1  }
0x31d: {  	v6 =	vld [tilespmem:s7+$0x100];
	_ =	sdelay $0x1  }
0x31e: {  	v7 =	vld [tilespmem:s7+$0x180]  }
0x31f: {  	v8 =	vmul.f32 v4, v4;
	v4 =	vadd.f32 v5, v4;
	v5 =	vmul.f32 v5, v5  }
0x320: {  	v9 =	vld [tilespmem:s7+$0x200]  }
0x321: {  	v10 =	vmul.f32 v6, v6;
	v5 =	vadd.f32 v5, v8;
	v4 =	vadd.f32 v6, v4  }
0x322: {  	v6 =	vld [tilespmem:s7+$0x280]  }
0x323: {  	v47 =	vmul.f32 v7, v7;
	v5 =	vadd.f32 v10, v5;
	v4 =	vadd.f32 v7, v4  }
0x324: {  	v7 =	vld [tilespmem:s7+$0x300]  }
0x325: {  	s24 =	sadd.s32 $0x11000, s5;
	v48 =	vmul.f32 v9, v9;
	v5 =	vadd.f32 v47, v5;
	v4 =	vadd.f32 v9, v4  }
0x326: {  	s5 =	sadd.s32 s4, s24;
	v49 =	vld [tilespmem:s7+$0x380]  }
0x327: {  	s5 =	sadd.s32 s28, s5;
	v50 =	vmul.f32 v6, v6;
	v5 =	vadd.f32 v48, v5;
	v4 =	vadd.f32 v6, v4  }
0x328: {  	v6 =	vld [tilespmem:s5+$0x0]  }
0x329: {  	v51 =	vmul.f32 v7, v7;
	v5 =	vadd.f32 v50, v5;
	v4 =	vadd.f32 v7, v4  }
0x32a: {  	v7 =	vld [tilespmem:s7+$0x880]  }
0x32b: {  	v52 =	vmul.f32 v49, v49;
	v5 =	vadd.f32 v51, v5;
	v4 =	vadd.f32 v49, v4  }
0x32c: {  	v53 =	vld [tilespmem:s7+$0x900]  }
0x32d: {  	v54 =	vmul.f32 v6, v6;
	v5 =	vadd.f32 v52, v5;
	v4 =	vadd.f32 v6, v4  }
0x32e: {  	v6 =	vld [tilespmem:s7+$0x980]  }
0x32f: {  	v55 =	vmul.f32 v7, v7;
	v5 =	vadd.f32 v54, v5;
	v4 =	vadd.f32 v7, v4  }
0x330: {  	v7 =	vld [tilespmem:s7+$0xA00]  }
0x331: {  	v56 =	vmul.f32 v53, v53;
	v5 =	vadd.f32 v55, v5;
	v4 =	vadd.f32 v53, v4  }
0x332: {  	v57 =	vld [tilespmem:s7+$0xA80]  }
0x333: {  	s29 =	sshll.u32 s23, $0x7;
	v58 =	vmul.f32 v6, v6;
	v5 =	vadd.f32 v56, v5;
	v4 =	vadd.f32 v6, v4  }
0x334: {  	s8 =	simm.s32 $0x0;
	s5 =	sand.u32 $0x3FFFFF80, s29;
	v6 =	vld [tilespmem:s7+$0xB00]  }
0x335: {  	s31 =	sand.u32 $0x3FFFFE00, s8;
	s25 =	sadd.s32 $0x8000, s5;
	v59 =	vmul.f32 v7, v7;
	v5 =	vadd.f32 v58, v5;
	v4 =	vadd.f32 v7, v4  }
0x336: {  	s5 =	sor.u32 s28, s31;
	s4 =	sadd.s32 s4, s25;
	v7 =	vld [tilespmem:s7+$0xB80]  }
0x337: {  	v60 =	vmul.f32 v57, v57;
	v61 =	vld [tilespmem:s5+$0x18800];
	s0 =	sadd.s32 s28, s4;
	v5 =	vadd.f32 v59, v5;
	v4 =	vadd.f32 v57, v4  }
0x338: {  	s10 =	sadd.s32 $0x18800, s5;
	v62 =	vld [tilespmem:s0+$0x0]  }
0x339: {  	v63 =	vld [tilespmem:s10+$0x100];
	v11 =	vmul.f32 v6, v6;
	v5 =	vadd.f32 v60, v5;
	v4 =	vadd.f32 v6, v4  }
0x33a: {  	v6 =	vld [tilespmem:s10+$0x80]  }
0x33b: {  	v12 =	vmul.f32 v7, v7;
	v5 =	vadd.f32 v11, v5;
	v4 =	vadd.f32 v7, v4;
	_ =	sdelay $0x1  }
0x33c: {  	v5 =	vadd.f32 v12, v5;
	v7 =	vadd.f32 v61, v4;
	v4 =	vmul.f32 v4, v62  }
0x33d: {  	s11 =	simm.s32 $0x2  }
0x33e: {  	s12 =	simm.s32 $0x10;
	s0 =	simm.s32 $0x1;
	s7 =	simm.s32 $0x80;
	[tilespmem:s5+$0x18800] =	vst v7;
	v5 =	vadd.f32 v6, v5;
	v4 =	vadd.f32 v63, v4  }
.LBB2_19:
0x33f: {  	s5 =	sand.u32 $0x70, s12  }
0x340: {  	s7 =	sand.u32 $0xFFFFFC00, s7;
	s8 =	smov.u32 s11;
	s4 =	sadd.s32 $0x1, s11  }
0x341: {  	s9 =	sadd.s32 s7, s1;
	s14 =	sadd.s32 s7, s24;
	s7 =	sadd.s32 s7, s25;
	[tilespmem:s10+$0x80] =	vst v5  }
0x342: {  	s9 =	sadd.s32 s5, s9;
	s14 =	sadd.s32 s5, s14;
	s7 =	sadd.s32 s5, s7;
	[tilespmem:s10+$0x100] =	vst v4  }
0x343: {  	p0 =	sne.s32 s11, $0xF;
	v4 =	vld [tilespmem:s9+$0x0]  }
0x344: {  	v5 =	vld [tilespmem:s9+$0x80]  }
0x345: {  	v6 =	vld [tilespmem:s9+$0x100];
	_ =	sdelay $0x1  }
0x346: {  	v7 =	vld [tilespmem:s9+$0x180]  }
0x347: {  	v8 =	vmul.f32 v4, v4  }
0x348: {  	v4 =	vadd.f32 v5, v4;
	v5 =	vmul.f32 v5, v5;
	v9 =	vld [tilespmem:s9+$0x200]  }
0x349: {  	v10 =	vmul.f32 v6, v6  }
0x34a: {  	v5 =	vadd.f32 v5, v8;
	v4 =	vadd.f32 v6, v4;
	v6 =	vld [tilespmem:s9+$0x280]  }
0x34b: {  	v8 =	vmul.f32 v7, v7  }
0x34c: {  	v5 =	vadd.f32 v10, v5;
	v4 =	vadd.f32 v7, v4;
	v7 =	vld [tilespmem:s9+$0x300]  }
0x34d: {  	v10 =	vmul.f32 v9, v9  }
0x34e: {  	v5 =	vadd.f32 v8, v5;
	v4 =	vadd.f32 v9, v4;
	v8 =	vld [tilespmem:s9+$0x380]  }
0x34f: {  	v9 =	vmul.f32 v6, v6  }
0x350: {  	v5 =	vadd.f32 v10, v5;
	v4 =	vadd.f32 v6, v4;
	v6 =	vld [tilespmem:s14+$0x0]  }
0x351: {  	v10 =	vmul.f32 v7, v7  }
0x352: {  	v5 =	vadd.f32 v9, v5;
	v4 =	vadd.f32 v7, v4;
	v7 =	vld [tilespmem:s9+$0x880]  }
0x353: {  	v9 =	vmul.f32 v8, v8  }
0x354: {  	v5 =	vadd.f32 v10, v5;
	v4 =	vadd.f32 v8, v4;
	v8 =	vld [tilespmem:s9+$0x900]  }
0x355: {  	v10 =	vmul.f32 v6, v6  }
0x356: {  	v5 =	vadd.f32 v9, v5;
	v4 =	vadd.f32 v6, v4;
	v6 =	vld [tilespmem:s9+$0x980]  }
0x357: {  	v9 =	vmul.f32 v7, v7  }
0x358: {  	v5 =	vadd.f32 v10, v5;
	v4 =	vadd.f32 v7, v4;
	v7 =	vld [tilespmem:s9+$0xA00]  }
0x359: {  	v10 =	vmul.f32 v8, v8  }
0x35a: {  	v5 =	vadd.f32 v9, v5;
	v4 =	vadd.f32 v8, v4;
	v8 =	vld [tilespmem:s9+$0xA80]  }
0x35b: {  	v9 =	vmul.f32 v6, v6  }
0x35c: {  	v5 =	vadd.f32 v10, v5;
	v4 =	vadd.f32 v6, v4;
	v6 =	vld [tilespmem:s9+$0xB00]  }
0x35d: {  	s10 =	sshll.u32 s0, $0x6;
	s0 =	smov.u32 s8;
	v10 =	vmul.f32 v7, v7  }
0x35e: {  	s8 =	sand.u32 $0x3FFFFE00, s10;
	v5 =	vadd.f32 v9, v5;
	v4 =	vadd.f32 v7, v4;
	v7 =	vld [tilespmem:s9+$0xB80]  }
0x35f: {  	s5 =	sor.u32 s5, s8;
	v9 =	vmul.f32 v8, v8  }
0x360: {  	v5 =	vadd.f32 v10, v5;
	v4 =	vadd.f32 v8, v4;
	v8 =	vld [tilespmem:s5+$0x18800]  }
0x361: {  	s10 =	sadd.s32 $0x18800, s5;
	v10 =	vmul.f32 v6, v6;
	v11 =	vld [tilespmem:s7+$0x0]  }
0x362: {  	v5 =	vadd.f32 v9, v5;
	v4 =	vadd.f32 v6, v4;
	v6 =	vld [tilespmem:s10+$0x80]  }
0x363: {  	v9 =	vmul.f32 v7, v7;
	v12 =	vld [tilespmem:s10+$0x100]  }
.Ltmp8:
0x364: {  	v5 =	vadd.f32 v10, v5;
	v4 =	vadd.f32 v7, v4;
	(pc) =	sbr.rel @p0 .LBB2_19-.Ltmp8, $3  }
0x365: {  	_ = 	snop  }
0x366: {  	v5 =	vadd.f32 v9, v5;
	v7 =	vadd.f32 v8, v4;
	v4 =	vmul.f32 v4, v11;
	_ =	sdelay $0x1  }
0x367: {  	s12 =	sadd.s32 $0x10, s12;
	s11 =	smov.u32 s4;
	s7 =	sshll.u32 s0, $0x7;
	[tilespmem:s5+$0x18800] =	vst v7;
	v5 =	vadd.f32 v6, v5;
	v4 =	vadd.f32 v12, v4  }
0x368: {  	s5 =	sand.u32 $0xFFFFFC00, s7  }
0x369: {  	s4 =	sand.u32 $0x70, s12;
	s1 =	sadd.s32 s5, s1;
	[tilespmem:s10+$0x80] =	vst v5  }
0x36a: {  	[tilespmem:s10+$0x100] =	vst v4;
	s1 =	sadd.s32 s4, s1  }
0x36b: {  	v4 =	vld [tilespmem:s1+$0x0]  }
0x36c: {  	v5 =	vld [tilespmem:s1+$0x80];
	_ =	sdelay $0x1  }
0x36d: {  	v6 =	vld [tilespmem:s1+$0x100];
	_ =	sdelay $0x1  }
0x36e: {  	v7 =	vld [tilespmem:s1+$0x180]  }
0x36f: {  	v8 =	vmul.f32 v4, v4;
	v9 =	vmul.f32 v5, v5  }
0x370: {  	v4 =	vadd.f32 v5, v4;
	v5 =	vld [tilespmem:s1+$0x200]  }
0x371: {  	v10 =	vmul.f32 v6, v6;
	v8 =	vadd.f32 v9, v8  }
0x372: {  	v41 =	vld [tilespmem:s1+$0x280];
	v4 =	vadd.f32 v6, v4  }
0x373: {  	v42 =	vmul.f32 v7, v7;
	v8 =	vadd.f32 v10, v8  }
0x374: {  	v43 =	vld [tilespmem:s1+$0x300];
	v4 =	vadd.f32 v7, v4  }
0x375: {  	v44 =	vmul.f32 v5, v5;
	v8 =	vadd.f32 v42, v8  }
0x376: {  	s7 =	sadd.s32 s5, s24;
	v4 =	vadd.f32 v5, v4;
	v5 =	vld [tilespmem:s1+$0x380]  }
0x377: {  	s7 =	sadd.s32 s4, s7;
	v45 =	vmul.f32 v41, v41;
	v8 =	vadd.f32 v44, v8  }
0x378: {  	v46 =	vld [tilespmem:s7+$0x0];
	v4 =	vadd.f32 v41, v4  }
0x379: {  	v47 =	vmul.f32 v43, v43;
	v8 =	vadd.f32 v45, v8  }
0x37a: {  	v48 =	vld [tilespmem:s1+$0x880];
	v4 =	vadd.f32 v43, v4  }
0x37b: {  	v49 =	vmul.f32 v5, v5;
	v8 =	vadd.f32 v47, v8  }
0x37c: {  	v4 =	vadd.f32 v5, v4;
	v5 =	vld [tilespmem:s1+$0x900]  }
0x37d: {  	v50 =	vmul.f32 v46, v46;
	v8 =	vadd.f32 v49, v8  }
0x37e: {  	v51 =	vld [tilespmem:s1+$0x980];
	v4 =	vadd.f32 v46, v4  }
0x37f: {  	v52 =	vmul.f32 v48, v48;
	v8 =	vadd.f32 v50, v8  }
0x380: {  	v53 =	vld [tilespmem:s1+$0xA00];
	v4 =	vadd.f32 v48, v4  }
0x381: {  	v54 =	vmul.f32 v5, v5;
	v8 =	vadd.f32 v52, v8  }
0x382: {  	v4 =	vadd.f32 v5, v4;
	v5 =	vld [tilespmem:s1+$0xA80]  }
0x383: {  	v55 =	vmul.f32 v51, v51;
	v8 =	vadd.f32 v54, v8  }
0x384: {  	v56 =	vld [tilespmem:s1+$0xB00];
	v4 =	vadd.f32 v51, v4  }
0x385: {  	v57 =	vmul.f32 v53, v53;
	v8 =	vadd.f32 v55, v8  }
0x386: {  	s0 =	sshll.u32 s0, $0x6;
	s29 =	sadd.s32 s5, s25;
	v58 =	vld [tilespmem:s1+$0xB80];
	v4 =	vadd.f32 v53, v4  }
0x387: {  	s0 =	sand.u32 $0x3FFFFE00, s0;
	s1 =	sadd.s32 s4, s29;
	v59 =	vmul.f32 v5, v5;
	v8 =	vadd.f32 v57, v8  }
0x388: {  	s0 =	sor.u32 s4, s0;
	v11 =	vld [tilespmem:s1+$0x0];
	v4 =	vadd.f32 v5, v4  }
0x389: {  	s31 =	sadd.s32 $0x18800, s0;
	v60 =	vmul.f32 v56, v56;
	v5 =	vld [tilespmem:s0+$0x18800];
	v8 =	vadd.f32 v59, v8  }
0x38a: {  	v61 =	vld [tilespmem:s31+$0x80];
	v4 =	vadd.f32 v56, v4  }
0x38b: {  	v12 =	vld [tilespmem:s31+$0x100];
	v62 =	vmul.f32 v58, v58;
	v8 =	vadd.f32 v60, v8  }
0x38c: {  	s23 =	sadd.s32 $0x1, s23;
	v4 =	vadd.f32 v58, v4  }
0x38d: {  	p0 =	sne.s32 s23, $0x8;
	v63 =	vadd.f32 v62, v8  }
.Ltmp9:
0x38e: {  	v5 =	vadd.f32 v5, v4;
	v4 =	vmul.f32 v4, v11;
	(pc) =	sbr.rel @p0 .LBB2_18-.Ltmp9, $4  }
0x38f: {  	v6 =	vadd.f32 v61, v63  }
0x390: {  	[tilespmem:s0+$0x18800] =	vst v5;
	v4 =	vadd.f32 v12, v4  }
0x391: {  	[tilespmem:s31+$0x80] =	vst v6  }
0x392: {  	[tilespmem:s31+$0x100] =	vst v4  }
0x393: {  	_ =	swait.ge [sflag:s21], $0x8000  }
0x394: {  	s1 =	simm.s32 $0x18800;
	[sflag:s21] =	ssyncset.done $0x0  }
0x395: {  	s4 =	simm.s32 $0x5;
	s0 =	rddreg [dreg:$0x7];
	[sflag:s21] =	ssyncadd.s32 $0xFFFF8000  }
0x396: {  	[hbm4b:s0+s3] =	stream.linear.scatter [tilespmem:s1], [sflag:$0x5], $0x400, $0x38;
	[tilespmem:$0x18C00] =	vst v63  }
0x397: {  	_ =	swait.ge [sflag:s4], $0x400  }
0x398: {  	s29 =	rddreg [dreg:$0x9]  }
0x399: {  	s31 =	rddreg [dreg:$0x8];
	s1 =	sadd.s32 $0x1, s29  }
0x39a: {  	p0 =	sne.s32 s1, s31  }
.Ltmp10:
0x39b: {  	_ = 	snop;
	(pc) =	sbr.rel @p0 .LBB2_1-.Ltmp10, $3  }
0x39c: {  	_ =	sdelay $0x1  }
0x39d: {  	[sflag:s4] =	ssyncset.done $0x0  }
0x39e: {  	[sflag:s4] =	ssyncadd.s32 $0xFFFFFC00  }
0x39f: {  	_ =	sfence.sel $0x180000  }
0x3a0: {  	[bflag:$0x0] =	sbarrier.arrive $0xFFFF  }
0x3a1: {  	_ =	strace $0x90000047  }
0x3a2: {  	s0 =	stileid.u32;
	[bflag:$0x2] =	sbarrier.arrive $0xFFFF  }
0x3a3: {  	p0 =	sne.s32 s0, $0x0;
	s0 =	rddreg [dreg:$0x2]  }
0x3a4: {  	s0 =	sadd.s32 @!p0 $0x100000, s0  }
0x3a5: {  	[sflag:s0] =	ssyncadd.tile.s32 @!p0 $0x1;
	_ =	shalt  }
.Lfunc_end2:
_tile_overlayer_lowered:
.L_overlay_start_2:
0x3a6: {  	(tag) =	ssettag $0x2  }
0x3a7: {  	s0 =	rddreg [dreg:$0x0];
	s2 =	stileid.u32  }
0x3a8: {  	s1 =	rddreg [dreg:$0x1];
	p0 =	sne.s32 s2, $0x0  }
0x3a9: {  	s3 =	rddreg [dreg:$0x2];
	[bflag:$0x3] =	sbarrier.arrive $0xFFFF;
	s2 =	simm.s32 @!p0 $0x1C05  }
0x3aa: {  	[timem:s3], [sflag:s2] =	dma.local @!p0 [hbm:s0], s1  }
0x3ab: {  	s0 =	simm.s32 @!p0 $0x5  }
0x3ac: {  	_ =	swait.ge @!p0 [sflag:s0], s1  }
0x3ad: {  	s1 =	ssub.s32 @!p0 $0x0, s1;
	[sflag:s0] =	ssyncset.done @!p0 $0x0  }
0x3ae: {  	[sflag:s0] =	ssyncadd.s32 @!p0 s1  }
0x3af: {  	[bflag:$0x3] =	sbarrier.arrive $0xFFFF  }
0x3b0: {  	_ =	shalt  }

</sc_bundles>
